<compile_context>
chip_gen: v7x
topology: tpu7x:2x2x1
jax: 0.10.2.dev20260603
libtpu: 0.0.44.dev20260713+nightly
codegen_flags: <defaults>
</compile_context>

<pallas_src>
import functools

import jax
import jax.numpy as jnp
from jax import lax
from jax.experimental import pallas as pl
from jax.experimental.pallas import tpu as pltpu
from jax.experimental.pallas import tpu_sc as plsc

_B = 16384
_NC = 2
_NS = 16
_LANES = 16
_NW = _NC * _NS

_QOFF = (4000 - 4) * 4
_POFF = 11984



def _qmul_s(a, b):
    x1, y1, z1, w1 = a
    x2, y2, z2, w2 = b
    return (
        w1 * x2 + x1 * w2 + y1 * z2 - z1 * y2,
        w1 * y2 - x1 * z2 + y1 * w2 + z1 * x2,
        w1 * z2 + x1 * y2 - y1 * x2 + z1 * w2,
        w1 * w2 - x1 * x2 - y1 * y2 - z1 * z2,
    )


def _rsqrt_s(x):
    i = lax.bitcast_convert_type(x, jnp.int32)
    i = jnp.int32(0x5F3759DF) - lax.shift_right_logical(i, jnp.int32(1))
    y = lax.bitcast_convert_type(i, jnp.float32)
    for _ in range(3):
        y = y * (1.5 - 0.5 * x * y * y)
    return y


def _atan2_pos(n, w):
    aw = jnp.abs(w)
    den = jnp.maximum(jnp.maximum(n, aw), 1e-30)
    num = jnp.minimum(n, aw)
    ird = _rsqrt_s(den)
    t = num * ird * ird
    t2 = t * t
    a = t * (0.99997726 + t2 * (-0.33262347 + t2 * (0.19354346
         + t2 * (-0.11643287 + t2 * (0.05265332 + t2 * (-0.01172120))))))
    a = jnp.where(n > aw, 1.5707963267948966 - a, a)
    a = jnp.where(w < 0.0, 3.141592653589793 - a, a)
    return a


def _window_params(qa, qb, pa, pb):
    quats = [
        (qa[4], qa[5], qa[6], qa[7]),
        (qa[8], qa[9], qa[10], qa[11]),
        (qa[12], qa[13], qa[14], qa[15]),
        (qb[0], qb[1], qb[2], qb[3]),
    ]
    ux, uy, uz, half = [], [], [], []
    for i in range(3):
        a, b = quats[i], quats[i + 1]
        r = _qmul_s((-a[0], -a[1], -a[2], a[3]), b)
        n2 = r[0] * r[0] + r[1] * r[1] + r[2] * r[2]
        ir = _rsqrt_s(jnp.maximum(n2, 1e-20))
        n = n2 * ir
        half.append(_atan2_pos(n, r[3]))
        ux.append(r[0] * ir)
        uy.append(r[1] * ir)
        uz.append(r[2] * ir)
    ps = [
        (pa[7], pa[8], pa[9]),
        (pa[10], pa[11], pa[12]),
        (pa[13], pa[14], pa[15]),
        (pb[0], pb[1], pb[2]),
    ]
    dps = [(ps[i + 1][0] - ps[i][0], ps[i + 1][1] - ps[i][1],
            ps[i + 1][2] - ps[i][2]) for i in range(3)]
    return (ux + uy + uz + half
            + list(quats[0]) + list(ps[0])
            + [dps[i][0] for i in range(3)]
            + [dps[i][1] for i in range(3)]
            + [dps[i][2] for i in range(3)])



def _sin_cos(z):
    y = z * 0.0625
    y2 = y * y
    s = y * (1.0 + y2 * (-1.0 / 6.0 + y2 * (1.0 / 120.0 + y2 * (-1.0 / 5040.0))))
    c = 1.0 + y2 * (-0.5 + y2 * (1.0 / 24.0 + y2 * (-1.0 / 720.0 + y2 * (1.0 / 40320.0))))
    for _ in range(4):
        s, c = 2.0 * s * c, 1.0 - 2.0 * s * s
    return s, c


def _batch_math(time_vec, P):
    t = time_vec + 2.0
    t2 = t * t
    t3 = t * t2
    c1 = (5.0 + 3.0 * t - 3.0 * t2 + t3) * (1.0 / 6.0)
    c2 = (1.0 + 3.0 * t + 3.0 * t2 - 2.0 * t3) * (1.0 / 6.0)
    c3 = t3 * (1.0 / 6.0)

    x1, y1, z1, w1 = P[12], P[13], P[14], P[15]
    for i, c in enumerate((c1, c2, c3)):
        s, w = _sin_cos(P[9 + i] * c)
        x2, y2, z2, w2 = P[0 + i] * s, P[3 + i] * s, P[6 + i] * s, w
        x1, y1, z1, w1 = (
            w1 * x2 + x1 * w2 + y1 * z2 - z1 * y2,
            w1 * y2 - x1 * z2 + y1 * w2 + z1 * x2,
            w1 * z2 + x1 * y2 - y1 * x2 + z1 * w2,
            w1 * w2 - x1 * x2 - y1 * y2 - z1 * z2,
        )

    ox = P[16] + c1 * P[19] + c2 * P[20] + c3 * P[21]
    oy = P[17] + c1 * P[22] + c2 * P[23] + c3 * P[24]
    oz = P[18] + c1 * P[25] + c2 * P[26] + c3 * P[27]
    return x1, y1, z1, w1, ox, oy, oz



def _sc_body(chunk,
             time_hbm, qflat_hbm, pflat_hbm, out_hbm,
             time_v, qa_v, qb_v, pa_v, pb_v, out_v, sem_w, sem_t):
    wid = lax.axis_index("s") * jnp.int32(_NC) + lax.axis_index("c")
    base = wid * jnp.int32(chunk)
    ht = pltpu.async_copy(time_hbm.at[pl.ds(base, chunk)], time_v, sem_t)
    hw = [
        pltpu.async_copy(qflat_hbm.at[pl.ds(_QOFF, 16)], qa_v, sem_w),
        pltpu.async_copy(qflat_hbm.at[pl.ds(0, 16)], qb_v, sem_w),
        pltpu.async_copy(pflat_hbm.at[pl.ds(_POFF, 16)], pa_v, sem_w),
        pltpu.async_copy(pflat_hbm.at[pl.ds(0, 16)], pb_v, sem_w),
    ]
    for h in hw:
        h.wait()

    P = _window_params(qa_v[...], qb_v[...], pa_v[...], pb_v[...])
    ht.wait()

    @plsc.parallel_loop(jnp.int32(0), jnp.int32(chunk), step=jnp.int32(_LANES),
                        unroll=8)
    def _loop(lo):
        outs = _batch_math(time_v[pl.ds(lo, _LANES)], P)
        for c, val in enumerate(outs):
            out_v[c, pl.ds(lo, _LANES)] = val

    pltpu.sync_copy(out_v, out_hbm.at[:, wid])


def _make_sc(count):
    chunk = count // _NW
    mesh = plsc.VectorSubcoreMesh(core_axis_name="c", subcore_axis_name="s")
    f32 = jnp.float32
    return pl.kernel(
        functools.partial(_sc_body, chunk),
        mesh=mesh,
        out_type=jax.ShapeDtypeStruct((7, _NW, chunk), f32),
        scratch_types=(
            [pltpu.VMEM((chunk,), f32)]
            + [pltpu.VMEM((16,), f32)] * 4
            + [pltpu.VMEM((7, chunk), f32)]
            + [pltpu.SemaphoreType.DMA] * 2
        ),
    )


def kernel(time, cps_SO3, cps_R3):
    t32 = time.astype(jnp.float32)
    qflat = cps_SO3.astype(jnp.float32).reshape(-1)
    pflat = cps_R3.astype(jnp.float32).reshape(-1)

    raw = _make_sc(_B)(t32, qflat, pflat)
    out = raw.reshape(7, _B)
    ret_SO3 = jnp.stack([out[0], out[1], out[2], out[3]],
                        axis=-1).astype(jnp.float64)
    ret_R3 = jnp.stack([out[4], out[5], out[6]], axis=-1).astype(jnp.float64)
    return (ret_SO3, ret_R3)

# --- scband reference (transcript-rebuilt; emitter-appended) ---
"""Pipeline reference for scband-trajectory-84361747628408 (READ-ONLY COPY).

The authoritative reference and input builder live on the scoring server;
editing this copy changes nothing except your own understanding.
"""

import jax, jax.numpy as jnp
import numpy as np

jax.config.update("jax_enable_x64", True)

NUM_CPS = 4000
INTERVAL = 1.0
STARTING_TIME = 0.0
CURSOR = 0  # module default state: no control points added yet
BATCH = 16384


def qmul(a, b):
    # pypose SO3 quaternion convention: [x, y, z, w]
    x1, y1, z1, w1 = a[..., 0], a[..., 1], a[..., 2], a[..., 3]
    x2, y2, z2, w2 = b[..., 0], b[..., 1], b[..., 2], b[..., 3]
    x = w1 * x2 + x1 * w2 + y1 * z2 - z1 * y2
    y = w1 * y2 - x1 * z2 + y1 * w2 + z1 * x2
    z = w1 * z2 + x1 * y2 - y1 * x2 + z1 * w2
    w = w1 * w2 - x1 * x2 - y1 * y2 - z1 * z2
    return jnp.stack([x, y, z, w], axis=-1)


def qinv(q):
    # inverse of a unit quaternion = conjugate
    return jnp.concatenate([-q[..., :3], q[..., 3:4]], axis=-1)


def qlog(q):
    # SO3 Log map: quaternion [x,y,z,w] -> rotation vector (so3)
    v = q[..., :3]
    w = q[..., 3]
    n2 = jnp.sum(v * v, axis=-1)
    small = n2 < 1e-24
    n2s = jnp.where(small, 1.0, n2)
    n = jnp.sqrt(n2s)
    scale_big = 2.0 * jnp.arctan2(n, w) / n
    scale_small = 2.0 / w
    scale = jnp.where(small, scale_small, scale_big)
    return scale[..., None] * v


def qexp(phi):
    # so3 Exp map: rotation vector -> quaternion [x,y,z,w]
    n2 = jnp.sum(phi * phi, axis=-1)
    small = n2 < 1e-24
    n2s = jnp.where(small, 1.0, n2)
    n = jnp.sqrt(n2s)
    half = 0.5 * n
    s = jnp.where(small, 0.5 - n2 / 48.0, jnp.sin(half) / n)
    w = jnp.where(small, 1.0 - n2 / 8.0, jnp.cos(half))
    return jnp.concatenate([s[..., None] * phi, w[..., None]], axis=-1)


def setup_inputs(seed: int = 0) -> dict:
    key = jax.random.key(seed)
    k1, k2, k3 = jax.random.split(key, 3)
    time = jax.random.uniform(k1, (BATCH,), dtype=jnp.float64)
    raw = jax.random.normal(k2, (NUM_CPS, 4), dtype=jnp.float64)
    q = raw / jnp.linalg.norm(raw, axis=-1, keepdims=True)
    q = jnp.where(q[..., 3:4] < 0, -q, q)
    cps_R3 = 0.1 * jax.random.normal(k3, (NUM_CPS, 3), dtype=jnp.float64)
    return {"time": time, "cps_SO3": q, "cps_R3": cps_R3}


def reference(time, cps_SO3, cps_R3):
    # _parse_time_torch
    seg_f = jnp.floor((time - STARTING_TIME) / INTERVAL)
    # torch.clamp(min, max) applies max bound last -> with cursor=0 this collapses to cursor-2
    seg_f = jnp.minimum(jnp.maximum(seg_f, 1.0), float(CURSOR - 2))
    segment_start = jax.lax.stop_gradient(seg_f * INTERVAL + STARTING_TIME)
    t = (time - segment_start) / INTERVAL
    segment = seg_f.astype(jnp.int64)

    t2 = t * t
    t3 = t * t2
    c1 = (5.0 + 3.0 * t - 3.0 * t2 + t3) / 6.0
    c2 = (1.0 + 3.0 * t + 3.0 * t2 - 2.0 * t3) / 6.0
    c3 = t3 / 6.0

    # gather 4-control-point window; negative torch indices wrap -> emulate with mod
    idx = (segment[:, None] + jnp.arange(-1, 3, dtype=jnp.int64)) % NUM_CPS
    q = cps_SO3[idx]  # [B, 4, 4]
    d = qlog(qmul(qinv(q[:, :-1, :]), q[:, 1:, :]))  # [B, 3, 3]
    ret_SO3 = q[:, 0, :]
    ret_SO3 = qmul(ret_SO3, qexp(d[:, 0, :] * c1[:, None]))
    ret_SO3 = qmul(ret_SO3, qexp(d[:, 1, :] * c2[:, None]))
    ret_SO3 = qmul(ret_SO3, qexp(d[:, 2, :] * c3[:, None]))

    p = cps_R3[idx]  # [B, 4, 3]
    dr = p[:, 1:, :] - p[:, :-1, :]
    ret_R3 = p[:, 0, :] + (c1[:, None] * dr[:, 0, :] + c2[:, None] * dr[:, 1, :] + c3[:, None] * dr[:, 2, :])
    return (ret_SO3, ret_R3)

if __name__ == "__main__":
    import jax
    _d = setup_inputs()
    print(jax.jit(kernel)(*tuple(_d.values())))

</pallas_src>

<mosaic_0001>
#map = affine_map<(d0, d1) -> (0)>
#map1 = affine_map<(d0, d1) -> (0, 0, 0)>
module attributes {stable_mosaic.version = 14 : i64} {
  func.func @_sc_body(%arg0: i32, %arg1: i32, %arg2: memref<16384xf32, #tpu.memory_space<hbm>>, %arg3: memref<16000xf32, #tpu.memory_space<hbm>>, %arg4: memref<12000xf32, #tpu.memory_space<hbm>>, %arg5: memref<7x32x512xf32, #tpu.memory_space<hbm>>, %arg6: memref<512xf32, #tpu.memory_space<vmem>>, %arg7: memref<16xf32, #tpu.memory_space<vmem>>, %arg8: memref<16xf32, #tpu.memory_space<vmem>>, %arg9: memref<16xf32, #tpu.memory_space<vmem>>, %arg10: memref<16xf32, #tpu.memory_space<vmem>>, %arg11: memref<7x512xf32, #tpu.memory_space<vmem>>, %arg12: memref<!tpu.dma_semaphore, #tpu.memory_space<semaphore_mem>>, %arg13: memref<!tpu.dma_semaphore, #tpu.memory_space<semaphore_mem>>) attributes {dimension_semantics = [#tpu.dimension_semantics<core_parallel>, #tpu.dimension_semantics<subcore_parallel>], iteration_bounds = array<i64: 2, 16>, scalar_prefetch = 0 : i64, scratch_operands = 8 : i64, tpu.core_type = #tpu.core_type<sc_vector_subcore>, window_params = [{transform_indices = #map}, {transform_indices = #map}, {transform_indices = #map}, {transform_indices = #map1}]} {
    %mul3A = arith.constant 2 : i32
    %mul3A_0 = arith.muli %arg1, %mul3A : i32
    %add3A = arith.addi %mul3A_0, %arg0 : i32
    %mul3A_1 = arith.constant 512 : i32
    %mul3A_2 = arith.muli %add3A, %mul3A_1 : i32
    %dma_start3A = tpu.memref_slice %arg2[%mul3A_2] : memref<16384xf32, #tpu.memory_space<hbm>> -> memref<512xf32, #tpu.memory_space<hbm>>
    %dma_start3A_3 = tpu.memref_slice %arg2[%mul3A_2] : memref<16384xf32, #tpu.memory_space<hbm>> -> memref<512xf32, #tpu.memory_space<hbm>>
    tpu.enqueue_dma source(%dma_start3A_3 : memref<512xf32, #tpu.memory_space<hbm>>) target(%arg6 : memref<512xf32, #tpu.memory_space<vmem>>) target_semaphore(%arg13 : memref<!tpu.dma_semaphore, #tpu.memory_space<semaphore_mem>>)
    %dma_start3A_4 = arith.constant 15984 : i32
    %dma_start3A_5 = tpu.memref_slice %arg3[%dma_start3A_4] : memref<16000xf32, #tpu.memory_space<hbm>> -> memref<16xf32, #tpu.memory_space<hbm>>
    %dma_start3A_6 = arith.constant 15984 : i32
    %dma_start3A_7 = tpu.memref_slice %arg3[%dma_start3A_6] : memref<16000xf32, #tpu.memory_space<hbm>> -> memref<16xf32, #tpu.memory_space<hbm>>
    tpu.enqueue_dma source(%dma_start3A_7 : memref<16xf32, #tpu.memory_space<hbm>>) target(%arg7 : memref<16xf32, #tpu.memory_space<vmem>>) target_semaphore(%arg12 : memref<!tpu.dma_semaphore, #tpu.memory_space<semaphore_mem>>)
    %dma_start3A_8 = arith.constant 0 : i32
    %dma_start3A_9 = tpu.memref_slice %arg3[%dma_start3A_8] : memref<16000xf32, #tpu.memory_space<hbm>> -> memref<16xf32, #tpu.memory_space<hbm>>
    %dma_start3A_10 = arith.constant 0 : i32
    %dma_start3A_11 = tpu.memref_slice %arg3[%dma_start3A_10] : memref<16000xf32, #tpu.memory_space<hbm>> -> memref<16xf32, #tpu.memory_space<hbm>>
    tpu.enqueue_dma source(%dma_start3A_11 : memref<16xf32, #tpu.memory_space<hbm>>) target(%arg8 : memref<16xf32, #tpu.memory_space<vmem>>) target_semaphore(%arg12 : memref<!tpu.dma_semaphore, #tpu.memory_space<semaphore_mem>>)
    %dma_start3A_12 = arith.constant 11984 : i32
    %dma_start3A_13 = tpu.memref_slice %arg4[%dma_start3A_12] : memref<12000xf32, #tpu.memory_space<hbm>> -> memref<16xf32, #tpu.memory_space<hbm>>
    %dma_start3A_14 = arith.constant 11984 : i32
    %dma_start3A_15 = tpu.memref_slice %arg4[%dma_start3A_14] : memref<12000xf32, #tpu.memory_space<hbm>> -> memref<16xf32, #tpu.memory_space<hbm>>
    tpu.enqueue_dma source(%dma_start3A_15 : memref<16xf32, #tpu.memory_space<hbm>>) target(%arg9 : memref<16xf32, #tpu.memory_space<vmem>>) target_semaphore(%arg12 : memref<!tpu.dma_semaphore, #tpu.memory_space<semaphore_mem>>)
    %dma_start3A_16 = arith.constant 0 : i32
    %dma_start3A_17 = tpu.memref_slice %arg4[%dma_start3A_16] : memref<12000xf32, #tpu.memory_space<hbm>> -> memref<16xf32, #tpu.memory_space<hbm>>
    %dma_start3A_18 = arith.constant 0 : i32
    %dma_start3A_19 = tpu.memref_slice %arg4[%dma_start3A_18] : memref<12000xf32, #tpu.memory_space<hbm>> -> memref<16xf32, #tpu.memory_space<hbm>>
    tpu.enqueue_dma source(%dma_start3A_19 : memref<16xf32, #tpu.memory_space<hbm>>) target(%arg10 : memref<16xf32, #tpu.memory_space<vmem>>) target_semaphore(%arg12 : memref<!tpu.dma_semaphore, #tpu.memory_space<semaphore_mem>>)
    %dma_wait3A = arith.constant 15984 : i32
    %dma_wait3A_20 = tpu.memref_slice %arg3[%dma_wait3A] : memref<16000xf32, #tpu.memory_space<hbm>> -> memref<16xf32, #tpu.memory_space<hbm>>
    %dma_wait3A_21 = arith.constant 15984 : i32
    %dma_wait3A_22 = tpu.memref_slice %arg3[%dma_wait3A_21] : memref<16000xf32, #tpu.memory_space<hbm>> -> memref<16xf32, #tpu.memory_space<hbm>>
    tpu.wait_dma2 semaphore(%arg12 : memref<!tpu.dma_semaphore, #tpu.memory_space<semaphore_mem>>) src(%dma_wait3A_22 : memref<16xf32, #tpu.memory_space<hbm>>) dst(%arg7 : memref<16xf32, #tpu.memory_space<vmem>>)
    %dma_wait3A_23 = arith.constant 0 : i32
    %dma_wait3A_24 = tpu.memref_slice %arg3[%dma_wait3A_23] : memref<16000xf32, #tpu.memory_space<hbm>> -> memref<16xf32, #tpu.memory_space<hbm>>
    %dma_wait3A_25 = arith.constant 0 : i32
    %dma_wait3A_26 = tpu.memref_slice %arg3[%dma_wait3A_25] : memref<16000xf32, #tpu.memory_space<hbm>> -> memref<16xf32, #tpu.memory_space<hbm>>
    tpu.wait_dma2 semaphore(%arg12 : memref<!tpu.dma_semaphore, #tpu.memory_space<semaphore_mem>>) src(%dma_wait3A_26 : memref<16xf32, #tpu.memory_space<hbm>>) dst(%arg8 : memref<16xf32, #tpu.memory_space<vmem>>)
    %dma_wait3A_27 = arith.constant 11984 : i32
    %dma_wait3A_28 = tpu.memref_slice %arg4[%dma_wait3A_27] : memref<12000xf32, #tpu.memory_space<hbm>> -> memref<16xf32, #tpu.memory_space<hbm>>
    %dma_wait3A_29 = arith.constant 11984 : i32
    %dma_wait3A_30 = tpu.memref_slice %arg4[%dma_wait3A_29] : memref<12000xf32, #tpu.memory_space<hbm>> -> memref<16xf32, #tpu.memory_space<hbm>>
    tpu.wait_dma2 semaphore(%arg12 : memref<!tpu.dma_semaphore, #tpu.memory_space<semaphore_mem>>) src(%dma_wait3A_30 : memref<16xf32, #tpu.memory_space<hbm>>) dst(%arg9 : memref<16xf32, #tpu.memory_space<vmem>>)
    %dma_wait3A_31 = arith.constant 0 : i32
    %dma_wait3A_32 = tpu.memref_slice %arg4[%dma_wait3A_31] : memref<12000xf32, #tpu.memory_space<hbm>> -> memref<16xf32, #tpu.memory_space<hbm>>
    %dma_wait3A_33 = arith.constant 0 : i32
    %dma_wait3A_34 = tpu.memref_slice %arg4[%dma_wait3A_33] : memref<12000xf32, #tpu.memory_space<hbm>> -> memref<16xf32, #tpu.memory_space<hbm>>
    tpu.wait_dma2 semaphore(%arg12 : memref<!tpu.dma_semaphore, #tpu.memory_space<semaphore_mem>>) src(%dma_wait3A_34 : memref<16xf32, #tpu.memory_space<hbm>>) dst(%arg10 : memref<16xf32, #tpu.memory_space<vmem>>)
    %get3A = arith.constant 0 : index
    %get3A_35 = tpu.vector_load %arg7[%get3A] {strides = array<i32>} : memref<16xf32, #tpu.memory_space<vmem>>, vector<16xf32>,
    %get3A_36 = vector.shape_cast %get3A_35 : vector<16xf32> to vector<16xf32>
    %get3A_37 = arith.constant 0 : index
    %get3A_38 = tpu.vector_load %arg8[%get3A_37] {strides = array<i32>} : memref<16xf32, #tpu.memory_space<vmem>>, vector<16xf32>,
    %get3A_39 = vector.shape_cast %get3A_38 : vector<16xf32> to vector<16xf32>
    %get3A_40 = arith.constant 0 : index
    %get3A_41 = tpu.vector_load %arg9[%get3A_40] {strides = array<i32>} : memref<16xf32, #tpu.memory_space<vmem>>, vector<16xf32>,
    %get3A_42 = vector.shape_cast %get3A_41 : vector<16xf32> to vector<16xf32>
    %get3A_43 = arith.constant 0 : index
    %get3A_44 = tpu.vector_load %arg10[%get3A_43] {strides = array<i32>} : memref<16xf32, #tpu.memory_space<vmem>>, vector<16xf32>,
    %get3A_45 = vector.shape_cast %get3A_44 : vector<16xf32> to vector<16xf32>
    %slice3A = vector.extract_strided_slice %get3A_36 {offsets = [4], sizes = [1], strides = [1]} : vector<16xf32> to vector<1xf32>
    %squeeze3A = vector.extract %slice3A[0] : f32 from vector<1xf32>
    %slice3A_46 = vector.extract_strided_slice %get3A_36 {offsets = [5], sizes = [1], strides = [1]} : vector<16xf32> to vector<1xf32>
    %squeeze3A_47 = vector.extract %slice3A_46[0] : f32 from vector<1xf32>
    %slice3A_48 = vector.extract_strided_slice %get3A_36 {offsets = [6], sizes = [1], strides = [1]} : vector<16xf32> to vector<1xf32>
    %squeeze3A_49 = vector.extract %slice3A_48[0] : f32 from vector<1xf32>
    %slice3A_50 = vector.extract_strided_slice %get3A_36 {offsets = [7], sizes = [1], strides = [1]} : vector<16xf32> to vector<1xf32>
    %squeeze3A_51 = vector.extract %slice3A_50[0] : f32 from vector<1xf32>
    %slice3A_52 = vector.extract_strided_slice %get3A_36 {offsets = [8], sizes = [1], strides = [1]} : vector<16xf32> to vector<1xf32>
    %squeeze3A_53 = vector.extract %slice3A_52[0] : f32 from vector<1xf32>
    %slice3A_54 = vector.extract_strided_slice %get3A_36 {offsets = [9], sizes = [1], strides = [1]} : vector<16xf32> to vector<1xf32>
    %squeeze3A_55 = vector.extract %slice3A_54[0] : f32 from vector<1xf32>
    %slice3A_56 = vector.extract_strided_slice %get3A_36 {offsets = [10], sizes = [1], strides = [1]} : vector<16xf32> to vector<1xf32>
    %squeeze3A_57 = vector.extract %slice3A_56[0] : f32 from vector<1xf32>
    %slice3A_58 = vector.extract_strided_slice %get3A_36 {offsets = [11], sizes = [1], strides = [1]} : vector<16xf32> to vector<1xf32>
    %squeeze3A_59 = vector.extract %slice3A_58[0] : f32 from vector<1xf32>
    %slice3A_60 = vector.extract_strided_slice %get3A_36 {offsets = [12], sizes = [1], strides = [1]} : vector<16xf32> to vector<1xf32>
    %squeeze3A_61 = vector.extract %slice3A_60[0] : f32 from vector<1xf32>
    %slice3A_62 = vector.extract_strided_slice %get3A_36 {offsets = [13], sizes = [1], strides = [1]} : vector<16xf32> to vector<1xf32>
    %squeeze3A_63 = vector.extract %slice3A_62[0] : f32 from vector<1xf32>
    %slice3A_64 = vector.extract_strided_slice %get3A_36 {offsets = [14], sizes = [1], strides = [1]} : vector<16xf32> to vector<1xf32>
    %squeeze3A_65 = vector.extract %slice3A_64[0] : f32 from vector<1xf32>
    %slice3A_66 = vector.extract_strided_slice %get3A_36 {offsets = [15], sizes = [1], strides = [1]} : vector<16xf32> to vector<1xf32>
    %squeeze3A_67 = vector.extract %slice3A_66[0] : f32 from vector<1xf32>
    %slice3A_68 = vector.extract_strided_slice %get3A_39 {offsets = [0], sizes = [1], strides = [1]} : vector<16xf32> to vector<1xf32>
    %squeeze3A_69 = vector.extract %slice3A_68[0] : f32 from vector<1xf32>
    %slice3A_70 = vector.extract_strided_slice %get3A_39 {offsets = [1], sizes = [1], strides = [1]} : vector<16xf32> to vector<1xf32>
    %squeeze3A_71 = vector.extract %slice3A_70[0] : f32 from vector<1xf32>
    %slice3A_72 = vector.extract_strided_slice %get3A_39 {offsets = [2], sizes = [1], strides = [1]} : vector<16xf32> to vector<1xf32>
    %squeeze3A_73 = vector.extract %slice3A_72[0] : f32 from vector<1xf32>
    %slice3A_74 = vector.extract_strided_slice %get3A_39 {offsets = [3], sizes = [1], strides = [1]} : vector<16xf32> to vector<1xf32>
    %squeeze3A_75 = vector.extract %slice3A_74[0] : f32 from vector<1xf32>
    %neg3A = arith.constant 0.000000e+00 : f32
    %neg3A_76 = arith.subf %neg3A, %squeeze3A : f32
    %neg3A_77 = arith.constant 0.000000e+00 : f32
    %neg3A_78 = arith.subf %neg3A_77, %squeeze3A_47 : f32
    %neg3A_79 = arith.constant 0.000000e+00 : f32
    %neg3A_80 = arith.subf %neg3A_79, %squeeze3A_49 : f32
    %mul3A_81 = arith.mulf %squeeze3A_51, %squeeze3A_53 : f32
    %mul3A_82 = arith.mulf %neg3A_76, %squeeze3A_59 : f32
    %add3A_83 = arith.addf %mul3A_81, %mul3A_82 : f32
    %mul3A_84 = arith.mulf %neg3A_78, %squeeze3A_57 : f32
    %add3A_85 = arith.addf %add3A_83, %mul3A_84 : f32
    %mul3A_86 = arith.mulf %neg3A_80, %squeeze3A_55 : f32
    %sub3A = arith.subf %add3A_85, %mul3A_86 : f32
    %mul3A_87 = arith.mulf %squeeze3A_51, %squeeze3A_55 : f32
    %mul3A_88 = arith.mulf %neg3A_76, %squeeze3A_57 : f32
    %sub3A_89 = arith.subf %mul3A_87, %mul3A_88 : f32
    %mul3A_90 = arith.mulf %neg3A_78, %squeeze3A_59 : f32
    %add3A_91 = arith.addf %sub3A_89, %mul3A_90 : f32
    %mul3A_92 = arith.mulf %neg3A_80, %squeeze3A_53 : f32
    %add3A_93 = arith.addf %add3A_91, %mul3A_92 : f32
    %mul3A_94 = arith.mulf %squeeze3A_51, %squeeze3A_57 : f32
    %mul3A_95 = arith.mulf %neg3A_76, %squeeze3A_55 : f32
    %add3A_96 = arith.addf %mul3A_94, %mul3A_95 : f32
    %mul3A_97 = arith.mulf %neg3A_78, %squeeze3A_53 : f32
    %sub3A_98 = arith.subf %add3A_96, %mul3A_97 : f32
    %mul3A_99 = arith.mulf %neg3A_80, %squeeze3A_59 : f32
    %add3A_100 = arith.addf %sub3A_98, %mul3A_99 : f32
    %mul3A_101 = arith.mulf %squeeze3A_51, %squeeze3A_59 : f32
    %mul3A_102 = arith.mulf %neg3A_76, %squeeze3A_53 : f32
    %sub3A_103 = arith.subf %mul3A_101, %mul3A_102 : f32
    %mul3A_104 = arith.mulf %neg3A_78, %squeeze3A_55 : f32
    %sub3A_105 = arith.subf %sub3A_103, %mul3A_104 : f32
    %mul3A_106 = arith.mulf %neg3A_80, %squeeze3A_57 : f32
    %sub3A_107 = arith.subf %sub3A_105, %mul3A_106 : f32
    %mul3A_108 = arith.mulf %sub3A, %sub3A : f32
    %mul3A_109 = arith.mulf %add3A_93, %add3A_93 : f32
    %add3A_110 = arith.addf %mul3A_108, %mul3A_109 : f32
    %mul3A_111 = arith.mulf %add3A_100, %add3A_100 : f32
    %add3A_112 = arith.addf %add3A_110, %mul3A_111 : f32
    %max3A = arith.constant 9.99999968E-21 : f32
    %max3A_113 = arith.maximumf %add3A_112, %max3A : f32
    %bitcast_convert_type3A = arith.bitcast %max3A_113 : f32 to i32
    %shift_right_logical3A = arith.constant 1 : i32
    %shift_right_logical3A_114 = arith.shrui %bitcast_convert_type3A, %shift_right_logical3A : i32
    %sub3A_115 = arith.constant 1597463007 : i32
    %sub3A_116 = arith.subi %sub3A_115, %shift_right_logical3A_114 : i32
    %bitcast_convert_type3A_117 = arith.bitcast %sub3A_116 : i32 to f32
    %mul3A_118 = arith.constant 5.000000e-01 : f32
    %mul3A_119 = arith.mulf %mul3A_118, %max3A_113 : f32
    %mul3A_120 = arith.mulf %mul3A_119, %bitcast_convert_type3A_117 : f32
    %mul3A_121 = arith.mulf %mul3A_120, %bitcast_convert_type3A_117 : f32
    %sub3A_122 = arith.constant 1.500000e+00 : f32
    %sub3A_123 = arith.subf %sub3A_122, %mul3A_121 : f32
    %mul3A_124 = arith.mulf %bitcast_convert_type3A_117, %sub3A_123 : f32
    %mul3A_125 = arith.constant 5.000000e-01 : f32
    %mul3A_126 = arith.mulf %mul3A_125, %max3A_113 : f32
    %mul3A_127 = arith.mulf %mul3A_126, %mul3A_124 : f32
    %mul3A_128 = arith.mulf %mul3A_127, %mul3A_124 : f32
    %sub3A_129 = arith.constant 1.500000e+00 : f32
    %sub3A_130 = arith.subf %sub3A_129, %mul3A_128 : f32
    %mul3A_131 = arith.mulf %mul3A_124, %sub3A_130 : f32
    %mul3A_132 = arith.constant 5.000000e-01 : f32
    %mul3A_133 = arith.mulf %mul3A_132, %max3A_113 : f32
    %mul3A_134 = arith.mulf %mul3A_133, %mul3A_131 : f32
    %mul3A_135 = arith.mulf %mul3A_134, %mul3A_131 : f32
    %sub3A_136 = arith.constant 1.500000e+00 : f32
    %sub3A_137 = arith.subf %sub3A_136, %mul3A_135 : f32
    %mul3A_138 = arith.mulf %mul3A_131, %sub3A_137 : f32
    %mul3A_139 = arith.mulf %add3A_112, %mul3A_138 : f32
    %abs3A = math.absf %sub3A_107 : f32
    %max3A_140 = arith.maximumf %mul3A_139, %abs3A : f32
    %max3A_141 = arith.constant 1.000000e-30 : f32
    %max3A_142 = arith.maximumf %max3A_140, %max3A_141 : f32
    %min3A = arith.minimumf %mul3A_139, %abs3A : f32
    %bitcast_convert_type3A_143 = arith.bitcast %max3A_142 : f32 to i32
    %shift_right_logical3A_144 = arith.constant 1 : i32
    %shift_right_logical3A_145 = arith.shrui %bitcast_convert_type3A_143, %shift_right_logical3A_144 : i32
    %sub3A_146 = arith.constant 1597463007 : i32
    %sub3A_147 = arith.subi %sub3A_146, %shift_right_logical3A_145 : i32
    %bitcast_convert_type3A_148 = arith.bitcast %sub3A_147 : i32 to f32
    %mul3A_149 = arith.constant 5.000000e-01 : f32
    %mul3A_150 = arith.mulf %mul3A_149, %max3A_142 : f32
    %mul3A_151 = arith.mulf %mul3A_150, %bitcast_convert_type3A_148 : f32
    %mul3A_152 = arith.mulf %mul3A_151, %bitcast_convert_type3A_148 : f32
    %sub3A_153 = arith.constant 1.500000e+00 : f32
    %sub3A_154 = arith.subf %sub3A_153, %mul3A_152 : f32
    %mul3A_155 = arith.mulf %bitcast_convert_type3A_148, %sub3A_154 : f32
    %mul3A_156 = arith.constant 5.000000e-01 : f32
    %mul3A_157 = arith.mulf %mul3A_156, %max3A_142 : f32
    %mul3A_158 = arith.mulf %mul3A_157, %mul3A_155 : f32
    %mul3A_159 = arith.mulf %mul3A_158, %mul3A_155 : f32
    %sub3A_160 = arith.constant 1.500000e+00 : f32
    %sub3A_161 = arith.subf %sub3A_160, %mul3A_159 : f32
    %mul3A_162 = arith.mulf %mul3A_155, %sub3A_161 : f32
    %mul3A_163 = arith.constant 5.000000e-01 : f32
    %mul3A_164 = arith.mulf %mul3A_163, %max3A_142 : f32
    %mul3A_165 = arith.mulf %mul3A_164, %mul3A_162 : f32
    %mul3A_166 = arith.mulf %mul3A_165, %mul3A_162 : f32
    %sub3A_167 = arith.constant 1.500000e+00 : f32
    %sub3A_168 = arith.subf %sub3A_167, %mul3A_166 : f32
    %mul3A_169 = arith.mulf %mul3A_162, %sub3A_168 : f32
    %mul3A_170 = arith.mulf %min3A, %mul3A_169 : f32
    %mul3A_171 = arith.mulf %mul3A_170, %mul3A_169 : f32
    %mul3A_172 = arith.mulf %mul3A_171, %mul3A_171 : f32
    %mul3A_173 = arith.constant -1.172120e-02 : f32
    %mul3A_174 = arith.mulf %mul3A_172, %mul3A_173 : f32
    %add3A_175 = arith.constant 0.0526533201 : f32
    %add3A_176 = arith.addf %add3A_175, %mul3A_174 : f32
    %mul3A_177 = arith.mulf %mul3A_172, %add3A_176 : f32
    %add3A_178 = arith.constant -0.116432868 : f32
    %add3A_179 = arith.addf %add3A_178, %mul3A_177 : f32
    %mul3A_180 = arith.mulf %mul3A_172, %add3A_179 : f32
    %add3A_181 = arith.constant 0.193543464 : f32
    %add3A_182 = arith.addf %add3A_181, %mul3A_180 : f32
    %mul3A_183 = arith.mulf %mul3A_172, %add3A_182 : f32
    %add3A_184 = arith.constant -0.332623482 : f32
    %add3A_185 = arith.addf %add3A_184, %mul3A_183 : f32
    %mul3A_186 = arith.mulf %mul3A_172, %add3A_185 : f32
    %add3A_187 = arith.constant 0.999977231 : f32
    %add3A_188 = arith.addf %add3A_187, %mul3A_186 : f32
    %mul3A_189 = arith.mulf %mul3A_171, %add3A_188 : f32
    %gt3A = arith.cmpf ogt, %mul3A_139, %abs3A : f32
    %sub3A_190 = arith.constant 1.57079637 : f32
    %sub3A_191 = arith.subf %sub3A_190, %mul3A_189 : f32
    %select_n3A = arith.select %gt3A, %sub3A_191, %mul3A_189 : f32
    %lt3A = arith.constant 0.000000e+00 : f32
    %lt3A_192 = arith.cmpf olt, %sub3A_107, %lt3A : f32
    %sub3A_193 = arith.constant 3.14159274 : f32
    %sub3A_194 = arith.subf %sub3A_193, %select_n3A : f32
    %select_n3A_195 = arith.select %lt3A_192, %sub3A_194, %select_n3A : f32
    %mul3A_196 = arith.mulf %sub3A, %mul3A_138 : f32
    %mul3A_197 = arith.mulf %add3A_93, %mul3A_138 : f32
    %mul3A_198 = arith.mulf %add3A_100, %mul3A_138 : f32
    %neg3A_199 = arith.constant 0.000000e+00 : f32
    %neg3A_200 = arith.subf %neg3A_199, %squeeze3A_53 : f32
    %neg3A_201 = arith.constant 0.000000e+00 : f32
    %neg3A_202 = arith.subf %neg3A_201, %squeeze3A_55 : f32
    %neg3A_203 = arith.constant 0.000000e+00 : f32
    %neg3A_204 = arith.subf %neg3A_203, %squeeze3A_57 : f32
    %mul3A_205 = arith.mulf %squeeze3A_59, %squeeze3A_61 : f32
    %mul3A_206 = arith.mulf %neg3A_200, %squeeze3A_67 : f32
    %add3A_207 = arith.addf %mul3A_205, %mul3A_206 : f32
    %mul3A_208 = arith.mulf %neg3A_202, %squeeze3A_65 : f32
    %add3A_209 = arith.addf %add3A_207, %mul3A_208 : f32
    %mul3A_210 = arith.mulf %neg3A_204, %squeeze3A_63 : f32
    %sub3A_211 = arith.subf %add3A_209, %mul3A_210 : f32
    %mul3A_212 = arith.mulf %squeeze3A_59, %squeeze3A_63 : f32
    %mul3A_213 = arith.mulf %neg3A_200, %squeeze3A_65 : f32
    %sub3A_214 = arith.subf %mul3A_212, %mul3A_213 : f32
    %mul3A_215 = arith.mulf %neg3A_202, %squeeze3A_67 : f32
    %add3A_216 = arith.addf %sub3A_214, %mul3A_215 : f32
    %mul3A_217 = arith.mulf %neg3A_204, %squeeze3A_61 : f32
    %add3A_218 = arith.addf %add3A_216, %mul3A_217 : f32
    %mul3A_219 = arith.mulf %squeeze3A_59, %squeeze3A_65 : f32
    %mul3A_220 = arith.mulf %neg3A_200, %squeeze3A_63 : f32
    %add3A_221 = arith.addf %mul3A_219, %mul3A_220 : f32
    %mul3A_222 = arith.mulf %neg3A_202, %squeeze3A_61 : f32
    %sub3A_223 = arith.subf %add3A_221, %mul3A_222 : f32
    %mul3A_224 = arith.mulf %neg3A_204, %squeeze3A_67 : f32
    %add3A_225 = arith.addf %sub3A_223, %mul3A_224 : f32
    %mul3A_226 = arith.mulf %squeeze3A_59, %squeeze3A_67 : f32
    %mul3A_227 = arith.mulf %neg3A_200, %squeeze3A_61 : f32
    %sub3A_228 = arith.subf %mul3A_226, %mul3A_227 : f32
    %mul3A_229 = arith.mulf %neg3A_202, %squeeze3A_63 : f32
    %sub3A_230 = arith.subf %sub3A_228, %mul3A_229 : f32
    %mul3A_231 = arith.mulf %neg3A_204, %squeeze3A_65 : f32
    %sub3A_232 = arith.subf %sub3A_230, %mul3A_231 : f32
    %mul3A_233 = arith.mulf %sub3A_211, %sub3A_211 : f32
    %mul3A_234 = arith.mulf %add3A_218, %add3A_218 : f32
    %add3A_235 = arith.addf %mul3A_233, %mul3A_234 : f32
    %mul3A_236 = arith.mulf %add3A_225, %add3A_225 : f32
    %add3A_237 = arith.addf %add3A_235, %mul3A_236 : f32
    %max3A_238 = arith.constant 9.99999968E-21 : f32
    %max3A_239 = arith.maximumf %add3A_237, %max3A_238 : f32
    %bitcast_convert_type3A_240 = arith.bitcast %max3A_239 : f32 to i32
    %shift_right_logical3A_241 = arith.constant 1 : i32
    %shift_right_logical3A_242 = arith.shrui %bitcast_convert_type3A_240, %shift_right_logical3A_241 : i32
    %sub3A_243 = arith.constant 1597463007 : i32
    %sub3A_244 = arith.subi %sub3A_243, %shift_right_logical3A_242 : i32
    %bitcast_convert_type3A_245 = arith.bitcast %sub3A_244 : i32 to f32
    %mul3A_246 = arith.constant 5.000000e-01 : f32
    %mul3A_247 = arith.mulf %mul3A_246, %max3A_239 : f32
    %mul3A_248 = arith.mulf %mul3A_247, %bitcast_convert_type3A_245 : f32
    %mul3A_249 = arith.mulf %mul3A_248, %bitcast_convert_type3A_245 : f32
    %sub3A_250 = arith.constant 1.500000e+00 : f32
    %sub3A_251 = arith.subf %sub3A_250, %mul3A_249 : f32
    %mul3A_252 = arith.mulf %bitcast_convert_type3A_245, %sub3A_251 : f32
    %mul3A_253 = arith.constant 5.000000e-01 : f32
    %mul3A_254 = arith.mulf %mul3A_253, %max3A_239 : f32
    %mul3A_255 = arith.mulf %mul3A_254, %mul3A_252 : f32
    %mul3A_256 = arith.mulf %mul3A_255, %mul3A_252 : f32
    %sub3A_257 = arith.constant 1.500000e+00 : f32
    %sub3A_258 = arith.subf %sub3A_257, %mul3A_256 : f32
    %mul3A_259 = arith.mulf %mul3A_252, %sub3A_258 : f32
    %mul3A_260 = arith.constant 5.000000e-01 : f32
    %mul3A_261 = arith.mulf %mul3A_260, %max3A_239 : f32
    %mul3A_262 = arith.mulf %mul3A_261, %mul3A_259 : f32
    %mul3A_263 = arith.mulf %mul3A_262, %mul3A_259 : f32
    %sub3A_264 = arith.constant 1.500000e+00 : f32
    %sub3A_265 = arith.subf %sub3A_264, %mul3A_263 : f32
    %mul3A_266 = arith.mulf %mul3A_259, %sub3A_265 : f32
    %mul3A_267 = arith.mulf %add3A_237, %mul3A_266 : f32
    %abs3A_268 = math.absf %sub3A_232 : f32
    %max3A_269 = arith.maximumf %mul3A_267, %abs3A_268 : f32
    %max3A_270 = arith.constant 1.000000e-30 : f32
    %max3A_271 = arith.maximumf %max3A_269, %max3A_270 : f32
    %min3A_272 = arith.minimumf %mul3A_267, %abs3A_268 : f32
    %bitcast_convert_type3A_273 = arith.bitcast %max3A_271 : f32 to i32
    %shift_right_logical3A_274 = arith.constant 1 : i32
    %shift_right_logical3A_275 = arith.shrui %bitcast_convert_type3A_273, %shift_right_logical3A_274 : i32
    %sub3A_276 = arith.constant 1597463007 : i32
    %sub3A_277 = arith.subi %sub3A_276, %shift_right_logical3A_275 : i32
    %bitcast_convert_type3A_278 = arith.bitcast %sub3A_277 : i32 to f32
    %mul3A_279 = arith.constant 5.000000e-01 : f32
    %mul3A_280 = arith.mulf %mul3A_279, %max3A_271 : f32
    %mul3A_281 = arith.mulf %mul3A_280, %bitcast_convert_type3A_278 : f32
    %mul3A_282 = arith.mulf %mul3A_281, %bitcast_convert_type3A_278 : f32
    %sub3A_283 = arith.constant 1.500000e+00 : f32
    %sub3A_284 = arith.subf %sub3A_283, %mul3A_282 : f32
    %mul3A_285 = arith.mulf %bitcast_convert_type3A_278, %sub3A_284 : f32
    %mul3A_286 = arith.constant 5.000000e-01 : f32
    %mul3A_287 = arith.mulf %mul3A_286, %max3A_271 : f32
    %mul3A_288 = arith.mulf %mul3A_287, %mul3A_285 : f32
    %mul3A_289 = arith.mulf %mul3A_288, %mul3A_285 : f32
    %sub3A_290 = arith.constant 1.500000e+00 : f32
    %sub3A_291 = arith.subf %sub3A_290, %mul3A_289 : f32
    %mul3A_292 = arith.mulf %mul3A_285, %sub3A_291 : f32
    %mul3A_293 = arith.constant 5.000000e-01 : f32
    %mul3A_294 = arith.mulf %mul3A_293, %max3A_271 : f32
    %mul3A_295 = arith.mulf %mul3A_294, %mul3A_292 : f32
    %mul3A_296 = arith.mulf %mul3A_295, %mul3A_292 : f32
    %sub3A_297 = arith.constant 1.500000e+00 : f32
    %sub3A_298 = arith.subf %sub3A_297, %mul3A_296 : f32
    %mul3A_299 = arith.mulf %mul3A_292, %sub3A_298 : f32
    %mul3A_300 = arith.mulf %min3A_272, %mul3A_299 : f32
    %mul3A_301 = arith.mulf %mul3A_300, %mul3A_299 : f32
    %mul3A_302 = arith.mulf %mul3A_301, %mul3A_301 : f32
    %mul3A_303 = arith.constant -1.172120e-02 : f32
    %mul3A_304 = arith.mulf %mul3A_302, %mul3A_303 : f32
    %add3A_305 = arith.constant 0.0526533201 : f32
    %add3A_306 = arith.addf %add3A_305, %mul3A_304 : f32
    %mul3A_307 = arith.mulf %mul3A_302, %add3A_306 : f32
    %add3A_308 = arith.constant -0.116432868 : f32
    %add3A_309 = arith.addf %add3A_308, %mul3A_307 : f32
    %mul3A_310 = arith.mulf %mul3A_302, %add3A_309 : f32
    %add3A_311 = arith.constant 0.193543464 : f32
    %add3A_312 = arith.addf %add3A_311, %mul3A_310 : f32
    %mul3A_313 = arith.mulf %mul3A_302, %add3A_312 : f32
    %add3A_314 = arith.constant -0.332623482 : f32
    %add3A_315 = arith.addf %add3A_314, %mul3A_313 : f32
    %mul3A_316 = arith.mulf %mul3A_302, %add3A_315 : f32
    %add3A_317 = arith.constant 0.999977231 : f32
    %add3A_318 = arith.addf %add3A_317, %mul3A_316 : f32
    %mul3A_319 = arith.mulf %mul3A_301, %add3A_318 : f32
    %gt3A_320 = arith.cmpf ogt, %mul3A_267, %abs3A_268 : f32
    %sub3A_321 = arith.constant 1.57079637 : f32
    %sub3A_322 = arith.subf %sub3A_321, %mul3A_319 : f32
    %select_n3A_323 = arith.select %gt3A_320, %sub3A_322, %mul3A_319 : f32
    %lt3A_324 = arith.constant 0.000000e+00 : f32
    %lt3A_325 = arith.cmpf olt, %sub3A_232, %lt3A_324 : f32
    %sub3A_326 = arith.constant 3.14159274 : f32
    %sub3A_327 = arith.subf %sub3A_326, %select_n3A_323 : f32
    %select_n3A_328 = arith.select %lt3A_325, %sub3A_327, %select_n3A_323 : f32
    %mul3A_329 = arith.mulf %sub3A_211, %mul3A_266 : f32
    %mul3A_330 = arith.mulf %add3A_218, %mul3A_266 : f32
    %mul3A_331 = arith.mulf %add3A_225, %mul3A_266 : f32
    %neg3A_332 = arith.constant 0.000000e+00 : f32
    %neg3A_333 = arith.subf %neg3A_332, %squeeze3A_61 : f32
    %neg3A_334 = arith.constant 0.000000e+00 : f32
    %neg3A_335 = arith.subf %neg3A_334, %squeeze3A_63 : f32
    %neg3A_336 = arith.constant 0.000000e+00 : f32
    %neg3A_337 = arith.subf %neg3A_336, %squeeze3A_65 : f32
    %mul3A_338 = arith.mulf %squeeze3A_67, %squeeze3A_69 : f32
    %mul3A_339 = arith.mulf %neg3A_333, %squeeze3A_75 : f32
    %add3A_340 = arith.addf %mul3A_338, %mul3A_339 : f32
    %mul3A_341 = arith.mulf %neg3A_335, %squeeze3A_73 : f32
    %add3A_342 = arith.addf %add3A_340, %mul3A_341 : f32
    %mul3A_343 = arith.mulf %neg3A_337, %squeeze3A_71 : f32
    %sub3A_344 = arith.subf %add3A_342, %mul3A_343 : f32
    %mul3A_345 = arith.mulf %squeeze3A_67, %squeeze3A_71 : f32
    %mul3A_346 = arith.mulf %neg3A_333, %squeeze3A_73 : f32
    %sub3A_347 = arith.subf %mul3A_345, %mul3A_346 : f32
    %mul3A_348 = arith.mulf %neg3A_335, %squeeze3A_75 : f32
    %add3A_349 = arith.addf %sub3A_347, %mul3A_348 : f32
    %mul3A_350 = arith.mulf %neg3A_337, %squeeze3A_69 : f32
    %add3A_351 = arith.addf %add3A_349, %mul3A_350 : f32
    %mul3A_352 = arith.mulf %squeeze3A_67, %squeeze3A_73 : f32
    %mul3A_353 = arith.mulf %neg3A_333, %squeeze3A_71 : f32
    %add3A_354 = arith.addf %mul3A_352, %mul3A_353 : f32
    %mul3A_355 = arith.mulf %neg3A_335, %squeeze3A_69 : f32
    %sub3A_356 = arith.subf %add3A_354, %mul3A_355 : f32
    %mul3A_357 = arith.mulf %neg3A_337, %squeeze3A_75 : f32
    %add3A_358 = arith.addf %sub3A_356, %mul3A_357 : f32
    %mul3A_359 = arith.mulf %squeeze3A_67, %squeeze3A_75 : f32
    %mul3A_360 = arith.mulf %neg3A_333, %squeeze3A_69 : f32
    %sub3A_361 = arith.subf %mul3A_359, %mul3A_360 : f32
    %mul3A_362 = arith.mulf %neg3A_335, %squeeze3A_71 : f32
    %sub3A_363 = arith.subf %sub3A_361, %mul3A_362 : f32
    %mul3A_364 = arith.mulf %neg3A_337, %squeeze3A_73 : f32
    %sub3A_365 = arith.subf %sub3A_363, %mul3A_364 : f32
    %mul3A_366 = arith.mulf %sub3A_344, %sub3A_344 : f32
    %mul3A_367 = arith.mulf %add3A_351, %add3A_351 : f32
    %add3A_368 = arith.addf %mul3A_366, %mul3A_367 : f32
    %mul3A_369 = arith.mulf %add3A_358, %add3A_358 : f32
    %add3A_370 = arith.addf %add3A_368, %mul3A_369 : f32
    %max3A_371 = arith.constant 9.99999968E-21 : f32
    %max3A_372 = arith.maximumf %add3A_370, %max3A_371 : f32
    %bitcast_convert_type3A_373 = arith.bitcast %max3A_372 : f32 to i32
    %shift_right_logical3A_374 = arith.constant 1 : i32
    %shift_right_logical3A_375 = arith.shrui %bitcast_convert_type3A_373, %shift_right_logical3A_374 : i32
    %sub3A_376 = arith.constant 1597463007 : i32
    %sub3A_377 = arith.subi %sub3A_376, %shift_right_logical3A_375 : i32
    %bitcast_convert_type3A_378 = arith.bitcast %sub3A_377 : i32 to f32
    %mul3A_379 = arith.constant 5.000000e-01 : f32
    %mul3A_380 = arith.mulf %mul3A_379, %max3A_372 : f32
    %mul3A_381 = arith.mulf %mul3A_380, %bitcast_convert_type3A_378 : f32
    %mul3A_382 = arith.mulf %mul3A_381, %bitcast_convert_type3A_378 : f32
    %sub3A_383 = arith.constant 1.500000e+00 : f32
    %sub3A_384 = arith.subf %sub3A_383, %mul3A_382 : f32
    %mul3A_385 = arith.mulf %bitcast_convert_type3A_378, %sub3A_384 : f32
    %mul3A_386 = arith.constant 5.000000e-01 : f32
    %mul3A_387 = arith.mulf %mul3A_386, %max3A_372 : f32
    %mul3A_388 = arith.mulf %mul3A_387, %mul3A_385 : f32
    %mul3A_389 = arith.mulf %mul3A_388, %mul3A_385 : f32
    %sub3A_390 = arith.constant 1.500000e+00 : f32
    %sub3A_391 = arith.subf %sub3A_390, %mul3A_389 : f32
    %mul3A_392 = arith.mulf %mul3A_385, %sub3A_391 : f32
    %mul3A_393 = arith.constant 5.000000e-01 : f32
    %mul3A_394 = arith.mulf %mul3A_393, %max3A_372 : f32
    %mul3A_395 = arith.mulf %mul3A_394, %mul3A_392 : f32
    %mul3A_396 = arith.mulf %mul3A_395, %mul3A_392 : f32
    %sub3A_397 = arith.constant 1.500000e+00 : f32
    %sub3A_398 = arith.subf %sub3A_397, %mul3A_396 : f32
    %mul3A_399 = arith.mulf %mul3A_392, %sub3A_398 : f32
    %mul3A_400 = arith.mulf %add3A_370, %mul3A_399 : f32
    %abs3A_401 = math.absf %sub3A_365 : f32
    %max3A_402 = arith.maximumf %mul3A_400, %abs3A_401 : f32
    %max3A_403 = arith.constant 1.000000e-30 : f32
    %max3A_404 = arith.maximumf %max3A_402, %max3A_403 : f32
    %min3A_405 = arith.minimumf %mul3A_400, %abs3A_401 : f32
    %bitcast_convert_type3A_406 = arith.bitcast %max3A_404 : f32 to i32
    %shift_right_logical3A_407 = arith.constant 1 : i32
    %shift_right_logical3A_408 = arith.shrui %bitcast_convert_type3A_406, %shift_right_logical3A_407 : i32
    %sub3A_409 = arith.constant 1597463007 : i32
    %sub3A_410 = arith.subi %sub3A_409, %shift_right_logical3A_408 : i32
    %bitcast_convert_type3A_411 = arith.bitcast %sub3A_410 : i32 to f32
    %mul3A_412 = arith.constant 5.000000e-01 : f32
    %mul3A_413 = arith.mulf %mul3A_412, %max3A_404 : f32
    %mul3A_414 = arith.mulf %mul3A_413, %bitcast_convert_type3A_411 : f32
    %mul3A_415 = arith.mulf %mul3A_414, %bitcast_convert_type3A_411 : f32
    %sub3A_416 = arith.constant 1.500000e+00 : f32
    %sub3A_417 = arith.subf %sub3A_416, %mul3A_415 : f32
    %mul3A_418 = arith.mulf %bitcast_convert_type3A_411, %sub3A_417 : f32
    %mul3A_419 = arith.constant 5.000000e-01 : f32
    %mul3A_420 = arith.mulf %mul3A_419, %max3A_404 : f32
    %mul3A_421 = arith.mulf %mul3A_420, %mul3A_418 : f32
    %mul3A_422 = arith.mulf %mul3A_421, %mul3A_418 : f32
    %sub3A_423 = arith.constant 1.500000e+00 : f32
    %sub3A_424 = arith.subf %sub3A_423, %mul3A_422 : f32
    %mul3A_425 = arith.mulf %mul3A_418, %sub3A_424 : f32
    %mul3A_426 = arith.constant 5.000000e-01 : f32
    %mul3A_427 = arith.mulf %mul3A_426, %max3A_404 : f32
    %mul3A_428 = arith.mulf %mul3A_427, %mul3A_425 : f32
    %mul3A_429 = arith.mulf %mul3A_428, %mul3A_425 : f32
    %sub3A_430 = arith.constant 1.500000e+00 : f32
    %sub3A_431 = arith.subf %sub3A_430, %mul3A_429 : f32
    %mul3A_432 = arith.mulf %mul3A_425, %sub3A_431 : f32
    %mul3A_433 = arith.mulf %min3A_405, %mul3A_432 : f32
    %mul3A_434 = arith.mulf %mul3A_433, %mul3A_432 : f32
    %mul3A_435 = arith.mulf %mul3A_434, %mul3A_434 : f32
    %mul3A_436 = arith.constant -1.172120e-02 : f32
    %mul3A_437 = arith.mulf %mul3A_435, %mul3A_436 : f32
    %add3A_438 = arith.constant 0.0526533201 : f32
    %add3A_439 = arith.addf %add3A_438, %mul3A_437 : f32
    %mul3A_440 = arith.mulf %mul3A_435, %add3A_439 : f32
    %add3A_441 = arith.constant -0.116432868 : f32
    %add3A_442 = arith.addf %add3A_441, %mul3A_440 : f32
    %mul3A_443 = arith.mulf %mul3A_435, %add3A_442 : f32
    %add3A_444 = arith.constant 0.193543464 : f32
    %add3A_445 = arith.addf %add3A_444, %mul3A_443 : f32
    %mul3A_446 = arith.mulf %mul3A_435, %add3A_445 : f32
    %add3A_447 = arith.constant -0.332623482 : f32
    %add3A_448 = arith.addf %add3A_447, %mul3A_446 : f32
    %mul3A_449 = arith.mulf %mul3A_435, %add3A_448 : f32
    %add3A_450 = arith.constant 0.999977231 : f32
    %add3A_451 = arith.addf %add3A_450, %mul3A_449 : f32
    %mul3A_452 = arith.mulf %mul3A_434, %add3A_451 : f32
    %gt3A_453 = arith.cmpf ogt, %mul3A_400, %abs3A_401 : f32
    %sub3A_454 = arith.constant 1.57079637 : f32
    %sub3A_455 = arith.subf %sub3A_454, %mul3A_452 : f32
    %select_n3A_456 = arith.select %gt3A_453, %sub3A_455, %mul3A_452 : f32
    %lt3A_457 = arith.constant 0.000000e+00 : f32
    %lt3A_458 = arith.cmpf olt, %sub3A_365, %lt3A_457 : f32
    %sub3A_459 = arith.constant 3.14159274 : f32
    %sub3A_460 = arith.subf %sub3A_459, %select_n3A_456 : f32
    %select_n3A_461 = arith.select %lt3A_458, %sub3A_460, %select_n3A_456 : f32
    %mul3A_462 = arith.mulf %sub3A_344, %mul3A_399 : f32
    %mul3A_463 = arith.mulf %add3A_351, %mul3A_399 : f32
    %mul3A_464 = arith.mulf %add3A_358, %mul3A_399 : f32
    %slice3A_465 = vector.extract_strided_slice %get3A_42 {offsets = [7], sizes = [1], strides = [1]} : vector<16xf32> to vector<1xf32>
    %squeeze3A_466 = vector.extract %slice3A_465[0] : f32 from vector<1xf32>
    %slice3A_467 = vector.extract_strided_slice %get3A_42 {offsets = [8], sizes = [1], strides = [1]} : vector<16xf32> to vector<1xf32>
    %squeeze3A_468 = vector.extract %slice3A_467[0] : f32 from vector<1xf32>
    %slice3A_469 = vector.extract_strided_slice %get3A_42 {offsets = [9], sizes = [1], strides = [1]} : vector<16xf32> to vector<1xf32>
    %squeeze3A_470 = vector.extract %slice3A_469[0] : f32 from vector<1xf32>
    %slice3A_471 = vector.extract_strided_slice %get3A_42 {offsets = [10], sizes = [1], strides = [1]} : vector<16xf32> to vector<1xf32>
    %squeeze3A_472 = vector.extract %slice3A_471[0] : f32 from vector<1xf32>
    %slice3A_473 = vector.extract_strided_slice %get3A_42 {offsets = [11], sizes = [1], strides = [1]} : vector<16xf32> to vector<1xf32>
    %squeeze3A_474 = vector.extract %slice3A_473[0] : f32 from vector<1xf32>
    %slice3A_475 = vector.extract_strided_slice %get3A_42 {offsets = [12], sizes = [1], strides = [1]} : vector<16xf32> to vector<1xf32>
    %squeeze3A_476 = vector.extract %slice3A_475[0] : f32 from vector<1xf32>
    %slice3A_477 = vector.extract_strided_slice %get3A_42 {offsets = [13], sizes = [1], strides = [1]} : vector<16xf32> to vector<1xf32>
    %squeeze3A_478 = vector.extract %slice3A_477[0] : f32 from vector<1xf32>
    %slice3A_479 = vector.extract_strided_slice %get3A_42 {offsets = [14], sizes = [1], strides = [1]} : vector<16xf32> to vector<1xf32>
    %squeeze3A_480 = vector.extract %slice3A_479[0] : f32 from vector<1xf32>
    %slice3A_481 = vector.extract_strided_slice %get3A_42 {offsets = [15], sizes = [1], strides = [1]} : vector<16xf32> to vector<1xf32>
    %squeeze3A_482 = vector.extract %slice3A_481[0] : f32 from vector<1xf32>
    %slice3A_483 = vector.extract_strided_slice %get3A_45 {offsets = [0], sizes = [1], strides = [1]} : vector<16xf32> to vector<1xf32>
    %squeeze3A_484 = vector.extract %slice3A_483[0] : f32 from vector<1xf32>
    %slice3A_485 = vector.extract_strided_slice %get3A_45 {offsets = [1], sizes = [1], strides = [1]} : vector<16xf32> to vector<1xf32>
    %squeeze3A_486 = vector.extract %slice3A_485[0] : f32 from vector<1xf32>
    %slice3A_487 = vector.extract_strided_slice %get3A_45 {offsets = [2], sizes = [1], strides = [1]} : vector<16xf32> to vector<1xf32>
    %squeeze3A_488 = vector.extract %slice3A_487[0] : f32 from vector<1xf32>
    %sub3A_489 = arith.subf %squeeze3A_472, %squeeze3A_466 : f32
    %sub3A_490 = arith.subf %squeeze3A_474, %squeeze3A_468 : f32
    %sub3A_491 = arith.subf %squeeze3A_476, %squeeze3A_470 : f32
    %sub3A_492 = arith.subf %squeeze3A_478, %squeeze3A_472 : f32
    %sub3A_493 = arith.subf %squeeze3A_480, %squeeze3A_474 : f32
    %sub3A_494 = arith.subf %squeeze3A_482, %squeeze3A_476 : f32
    %sub3A_495 = arith.subf %squeeze3A_484, %squeeze3A_478 : f32
    %sub3A_496 = arith.subf %squeeze3A_486, %squeeze3A_480 : f32
    %sub3A_497 = arith.subf %squeeze3A_488, %squeeze3A_482 : f32
    %dma_wait3A_498 = tpu.memref_slice %arg2[%mul3A_2] : memref<16384xf32, #tpu.memory_space<hbm>> -> memref<512xf32, #tpu.memory_space<hbm>>
    %dma_wait3A_499 = tpu.memref_slice %arg2[%mul3A_2] : memref<16384xf32, #tpu.memory_space<hbm>> -> memref<512xf32, #tpu.memory_space<hbm>>
    tpu.wait_dma2 semaphore(%arg13 : memref<!tpu.dma_semaphore, #tpu.memory_space<semaphore_mem>>) src(%dma_wait3A_499 : memref<512xf32, #tpu.memory_space<hbm>>) dst(%arg6 : memref<512xf32, #tpu.memory_space<vmem>>)
    %parallel_loop3A = arith.constant 0 : i32
    %parallel_loop3A_500 = arith.constant 512 : i32
    %parallel_loop3A_501 = arith.constant 16 : i32
    scf.for %parallel_loop3A_502 = %parallel_loop3A to %parallel_loop3A_500 step %parallel_loop3A_501  : i32 {
      %parallel_loop3A_503 = arith.index_cast %parallel_loop3A_502 : i32 to index
      %parallel_loop3A_504 = tpu.vector_load %arg6[%parallel_loop3A_503] {strides = array<i32>} : memref<512xf32, #tpu.memory_space<vmem>>, vector<16xf32>,
      %parallel_loop3A_505 = vector.shape_cast %parallel_loop3A_504 : vector<16xf32> to vector<16xf32>
      %parallel_loop3A_506 = arith.constant 2.000000e+00 : f32
      %parallel_loop3A_507 = vector.broadcast %parallel_loop3A_506 : f32 to vector<16xf32>
      %parallel_loop3A_508 = arith.addf %parallel_loop3A_505, %parallel_loop3A_507 : vector<16xf32>
      %parallel_loop3A_509 = arith.mulf %parallel_loop3A_508, %parallel_loop3A_508 : vector<16xf32>
      %parallel_loop3A_510 = arith.mulf %parallel_loop3A_508, %parallel_loop3A_509 : vector<16xf32>
      %parallel_loop3A_511 = arith.constant 3.000000e+00 : f32
      %parallel_loop3A_512 = vector.broadcast %parallel_loop3A_511 : f32 to vector<16xf32>
      %parallel_loop3A_513 = arith.mulf %parallel_loop3A_512, %parallel_loop3A_508 : vector<16xf32>
      %parallel_loop3A_514 = arith.constant 5.000000e+00 : f32
      %parallel_loop3A_515 = vector.broadcast %parallel_loop3A_514 : f32 to vector<16xf32>
      %parallel_loop3A_516 = arith.addf %parallel_loop3A_515, %parallel_loop3A_513 : vector<16xf32>
      %parallel_loop3A_517 = arith.constant 3.000000e+00 : f32
      %parallel_loop3A_518 = vector.broadcast %parallel_loop3A_517 : f32 to vector<16xf32>
      %parallel_loop3A_519 = arith.mulf %parallel_loop3A_518, %parallel_loop3A_509 : vector<16xf32>
      %parallel_loop3A_520 = arith.subf %parallel_loop3A_516, %parallel_loop3A_519 : vector<16xf32>
      %parallel_loop3A_521 = arith.addf %parallel_loop3A_520, %parallel_loop3A_510 : vector<16xf32>
      %parallel_loop3A_522 = arith.constant 0.166666672 : f32
      %parallel_loop3A_523 = vector.broadcast %parallel_loop3A_522 : f32 to vector<16xf32>
      %parallel_loop3A_524 = arith.mulf %parallel_loop3A_521, %parallel_loop3A_523 : vector<16xf32>
      %parallel_loop3A_525 = arith.constant 3.000000e+00 : f32
      %parallel_loop3A_526 = vector.broadcast %parallel_loop3A_525 : f32 to vector<16xf32>
      %parallel_loop3A_527 = arith.mulf %parallel_loop3A_526, %parallel_loop3A_508 : vector<16xf32>
      %parallel_loop3A_528 = arith.constant 1.000000e+00 : f32
      %parallel_loop3A_529 = vector.broadcast %parallel_loop3A_528 : f32 to vector<16xf32>
      %parallel_loop3A_530 = arith.addf %parallel_loop3A_529, %parallel_loop3A_527 : vector<16xf32>
      %parallel_loop3A_531 = arith.constant 3.000000e+00 : f32
      %parallel_loop3A_532 = vector.broadcast %parallel_loop3A_531 : f32 to vector<16xf32>
      %parallel_loop3A_533 = arith.mulf %parallel_loop3A_532, %parallel_loop3A_509 : vector<16xf32>
      %parallel_loop3A_534 = arith.addf %parallel_loop3A_530, %parallel_loop3A_533 : vector<16xf32>
      %parallel_loop3A_535 = arith.constant 2.000000e+00 : f32
      %parallel_loop3A_536 = vector.broadcast %parallel_loop3A_535 : f32 to vector<16xf32>
      %parallel_loop3A_537 = arith.mulf %parallel_loop3A_536, %parallel_loop3A_510 : vector<16xf32>
      %parallel_loop3A_538 = arith.subf %parallel_loop3A_534, %parallel_loop3A_537 : vector<16xf32>
      %parallel_loop3A_539 = arith.constant 0.166666672 : f32
      %parallel_loop3A_540 = vector.broadcast %parallel_loop3A_539 : f32 to vector<16xf32>
      %parallel_loop3A_541 = arith.mulf %parallel_loop3A_538, %parallel_loop3A_540 : vector<16xf32>
      %parallel_loop3A_542 = arith.constant 0.166666672 : f32
      %parallel_loop3A_543 = vector.broadcast %parallel_loop3A_542 : f32 to vector<16xf32>
      %parallel_loop3A_544 = arith.mulf %parallel_loop3A_510, %parallel_loop3A_543 : vector<16xf32>
      %parallel_loop3A_545 = vector.broadcast %select_n3A_195 : f32 to vector<16xf32>
      %parallel_loop3A_546 = arith.mulf %parallel_loop3A_545, %parallel_loop3A_524 : vector<16xf32>
      %parallel_loop3A_547 = arith.constant 6.250000e-02 : f32
      %parallel_loop3A_548 = vector.broadcast %parallel_loop3A_547 : f32 to vector<16xf32>
      %parallel_loop3A_549 = arith.mulf %parallel_loop3A_546, %parallel_loop3A_548 : vector<16xf32>
      %parallel_loop3A_550 = arith.mulf %parallel_loop3A_549, %parallel_loop3A_549 : vector<16xf32>
      %parallel_loop3A_551 = arith.constant -1.98412701E-4 : f32
      %parallel_loop3A_552 = vector.broadcast %parallel_loop3A_551 : f32 to vector<16xf32>
      %parallel_loop3A_553 = arith.mulf %parallel_loop3A_550, %parallel_loop3A_552 : vector<16xf32>
      %parallel_loop3A_554 = arith.constant 0.00833333377 : f32
      %parallel_loop3A_555 = vector.broadcast %parallel_loop3A_554 : f32 to vector<16xf32>
      %parallel_loop3A_556 = arith.addf %parallel_loop3A_555, %parallel_loop3A_553 : vector<16xf32>
      %parallel_loop3A_557 = arith.mulf %parallel_loop3A_550, %parallel_loop3A_556 : vector<16xf32>
      %parallel_loop3A_558 = arith.constant -0.166666672 : f32
      %parallel_loop3A_559 = vector.broadcast %parallel_loop3A_558 : f32 to vector<16xf32>
      %parallel_loop3A_560 = arith.addf %parallel_loop3A_559, %parallel_loop3A_557 : vector<16xf32>
      %parallel_loop3A_561 = arith.mulf %parallel_loop3A_550, %parallel_loop3A_560 : vector<16xf32>
      %parallel_loop3A_562 = arith.constant 1.000000e+00 : f32
      %parallel_loop3A_563 = vector.broadcast %parallel_loop3A_562 : f32 to vector<16xf32>
      %parallel_loop3A_564 = arith.addf %parallel_loop3A_563, %parallel_loop3A_561 : vector<16xf32>
      %parallel_loop3A_565 = arith.mulf %parallel_loop3A_549, %parallel_loop3A_564 : vector<16xf32>
      %parallel_loop3A_566 = arith.constant 2.48015876E-5 : f32
      %parallel_loop3A_567 = vector.broadcast %parallel_loop3A_566 : f32 to vector<16xf32>
      %parallel_loop3A_568 = arith.mulf %parallel_loop3A_550, %parallel_loop3A_567 : vector<16xf32>
      %parallel_loop3A_569 = arith.constant -0.00138888892 : f32
      %parallel_loop3A_570 = vector.broadcast %parallel_loop3A_569 : f32 to vector<16xf32>
      %parallel_loop3A_571 = arith.addf %parallel_loop3A_570, %parallel_loop3A_568 : vector<16xf32>
      %parallel_loop3A_572 = arith.mulf %parallel_loop3A_550, %parallel_loop3A_571 : vector<16xf32>
      %parallel_loop3A_573 = arith.constant 0.0416666679 : f32
      %parallel_loop3A_574 = vector.broadcast %parallel_loop3A_573 : f32 to vector<16xf32>
      %parallel_loop3A_575 = arith.addf %parallel_loop3A_574, %parallel_loop3A_572 : vector<16xf32>
      %parallel_loop3A_576 = arith.mulf %parallel_loop3A_550, %parallel_loop3A_575 : vector<16xf32>
      %parallel_loop3A_577 = arith.constant -5.000000e-01 : f32
      %parallel_loop3A_578 = vector.broadcast %parallel_loop3A_577 : f32 to vector<16xf32>
      %parallel_loop3A_579 = arith.addf %parallel_loop3A_578, %parallel_loop3A_576 : vector<16xf32>
      %parallel_loop3A_580 = arith.mulf %parallel_loop3A_550, %parallel_loop3A_579 : vector<16xf32>
      %parallel_loop3A_581 = arith.constant 1.000000e+00 : f32
      %parallel_loop3A_582 = vector.broadcast %parallel_loop3A_581 : f32 to vector<16xf32>
      %parallel_loop3A_583 = arith.addf %parallel_loop3A_582, %parallel_loop3A_580 : vector<16xf32>
      %parallel_loop3A_584 = arith.constant 2.000000e+00 : f32
      %parallel_loop3A_585 = vector.broadcast %parallel_loop3A_584 : f32 to vector<16xf32>
      %parallel_loop3A_586 = arith.mulf %parallel_loop3A_585, %parallel_loop3A_565 : vector<16xf32>
      %parallel_loop3A_587 = arith.mulf %parallel_loop3A_586, %parallel_loop3A_583 : vector<16xf32>
      %parallel_loop3A_588 = arith.constant 2.000000e+00 : f32
      %parallel_loop3A_589 = vector.broadcast %parallel_loop3A_588 : f32 to vector<16xf32>
      %parallel_loop3A_590 = arith.mulf %parallel_loop3A_589, %parallel_loop3A_565 : vector<16xf32>
      %parallel_loop3A_591 = arith.mulf %parallel_loop3A_590, %parallel_loop3A_565 : vector<16xf32>
      %parallel_loop3A_592 = arith.constant 1.000000e+00 : f32
      %parallel_loop3A_593 = vector.broadcast %parallel_loop3A_592 : f32 to vector<16xf32>
      %parallel_loop3A_594 = arith.subf %parallel_loop3A_593, %parallel_loop3A_591 : vector<16xf32>
      %parallel_loop3A_595 = arith.constant 2.000000e+00 : f32
      %parallel_loop3A_596 = vector.broadcast %parallel_loop3A_595 : f32 to vector<16xf32>
      %parallel_loop3A_597 = arith.mulf %parallel_loop3A_596, %parallel_loop3A_587 : vector<16xf32>
      %parallel_loop3A_598 = arith.mulf %parallel_loop3A_597, %parallel_loop3A_594 : vector<16xf32>
      %parallel_loop3A_599 = arith.constant 2.000000e+00 : f32
      %parallel_loop3A_600 = vector.broadcast %parallel_loop3A_599 : f32 to vector<16xf32>
      %parallel_loop3A_601 = arith.mulf %parallel_loop3A_600, %parallel_loop3A_587 : vector<16xf32>
      %parallel_loop3A_602 = arith.mulf %parallel_loop3A_601, %parallel_loop3A_587 : vector<16xf32>
      %parallel_loop3A_603 = arith.constant 1.000000e+00 : f32
      %parallel_loop3A_604 = vector.broadcast %parallel_loop3A_603 : f32 to vector<16xf32>
      %parallel_loop3A_605 = arith.subf %parallel_loop3A_604, %parallel_loop3A_602 : vector<16xf32>
      %parallel_loop3A_606 = arith.constant 2.000000e+00 : f32
      %parallel_loop3A_607 = vector.broadcast %parallel_loop3A_606 : f32 to vector<16xf32>
      %parallel_loop3A_608 = arith.mulf %parallel_loop3A_607, %parallel_loop3A_598 : vector<16xf32>
      %parallel_loop3A_609 = arith.mulf %parallel_loop3A_608, %parallel_loop3A_605 : vector<16xf32>
      %parallel_loop3A_610 = arith.constant 2.000000e+00 : f32
      %parallel_loop3A_611 = vector.broadcast %parallel_loop3A_610 : f32 to vector<16xf32>
      %parallel_loop3A_612 = arith.mulf %parallel_loop3A_611, %parallel_loop3A_598 : vector<16xf32>
      %parallel_loop3A_613 = arith.mulf %parallel_loop3A_612, %parallel_loop3A_598 : vector<16xf32>
      %parallel_loop3A_614 = arith.constant 1.000000e+00 : f32
      %parallel_loop3A_615 = vector.broadcast %parallel_loop3A_614 : f32 to vector<16xf32>
      %parallel_loop3A_616 = arith.subf %parallel_loop3A_615, %parallel_loop3A_613 : vector<16xf32>
      %parallel_loop3A_617 = arith.constant 2.000000e+00 : f32
      %parallel_loop3A_618 = vector.broadcast %parallel_loop3A_617 : f32 to vector<16xf32>
      %parallel_loop3A_619 = arith.mulf %parallel_loop3A_618, %parallel_loop3A_609 : vector<16xf32>
      %parallel_loop3A_620 = arith.mulf %parallel_loop3A_619, %parallel_loop3A_616 : vector<16xf32>
      %parallel_loop3A_621 = arith.constant 2.000000e+00 : f32
      %parallel_loop3A_622 = vector.broadcast %parallel_loop3A_621 : f32 to vector<16xf32>
      %parallel_loop3A_623 = arith.mulf %parallel_loop3A_622, %parallel_loop3A_609 : vector<16xf32>
      %parallel_loop3A_624 = arith.mulf %parallel_loop3A_623, %parallel_loop3A_609 : vector<16xf32>
      %parallel_loop3A_625 = arith.constant 1.000000e+00 : f32
      %parallel_loop3A_626 = vector.broadcast %parallel_loop3A_625 : f32 to vector<16xf32>
      %parallel_loop3A_627 = arith.subf %parallel_loop3A_626, %parallel_loop3A_624 : vector<16xf32>
      %parallel_loop3A_628 = vector.broadcast %mul3A_196 : f32 to vector<16xf32>
      %parallel_loop3A_629 = arith.mulf %parallel_loop3A_628, %parallel_loop3A_620 : vector<16xf32>
      %parallel_loop3A_630 = vector.broadcast %mul3A_197 : f32 to vector<16xf32>
      %parallel_loop3A_631 = arith.mulf %parallel_loop3A_630, %parallel_loop3A_620 : vector<16xf32>
      %parallel_loop3A_632 = vector.broadcast %mul3A_198 : f32 to vector<16xf32>
      %parallel_loop3A_633 = arith.mulf %parallel_loop3A_632, %parallel_loop3A_620 : vector<16xf32>
      %parallel_loop3A_634 = vector.broadcast %squeeze3A_51 : f32 to vector<16xf32>
      %parallel_loop3A_635 = arith.mulf %parallel_loop3A_634, %parallel_loop3A_629 : vector<16xf32>
      %parallel_loop3A_636 = vector.broadcast %squeeze3A : f32 to vector<16xf32>
      %parallel_loop3A_637 = arith.mulf %parallel_loop3A_636, %parallel_loop3A_627 : vector<16xf32>
      %parallel_loop3A_638 = arith.addf %parallel_loop3A_635, %parallel_loop3A_637 : vector<16xf32>
      %parallel_loop3A_639 = vector.broadcast %squeeze3A_47 : f32 to vector<16xf32>
      %parallel_loop3A_640 = arith.mulf %parallel_loop3A_639, %parallel_loop3A_633 : vector<16xf32>
      %parallel_loop3A_641 = arith.addf %parallel_loop3A_638, %parallel_loop3A_640 : vector<16xf32>
      %parallel_loop3A_642 = vector.broadcast %squeeze3A_49 : f32 to vector<16xf32>
      %parallel_loop3A_643 = arith.mulf %parallel_loop3A_642, %parallel_loop3A_631 : vector<16xf32>
      %parallel_loop3A_644 = arith.subf %parallel_loop3A_641, %parallel_loop3A_643 : vector<16xf32>
      %parallel_loop3A_645 = vector.broadcast %squeeze3A_51 : f32 to vector<16xf32>
      %parallel_loop3A_646 = arith.mulf %parallel_loop3A_645, %parallel_loop3A_631 : vector<16xf32>
      %parallel_loop3A_647 = vector.broadcast %squeeze3A : f32 to vector<16xf32>
      %parallel_loop3A_648 = arith.mulf %parallel_loop3A_647, %parallel_loop3A_633 : vector<16xf32>
      %parallel_loop3A_649 = arith.subf %parallel_loop3A_646, %parallel_loop3A_648 : vector<16xf32>
      %parallel_loop3A_650 = vector.broadcast %squeeze3A_47 : f32 to vector<16xf32>
      %parallel_loop3A_651 = arith.mulf %parallel_loop3A_650, %parallel_loop3A_627 : vector<16xf32>
      %parallel_loop3A_652 = arith.addf %parallel_loop3A_649, %parallel_loop3A_651 : vector<16xf32>
      %parallel_loop3A_653 = vector.broadcast %squeeze3A_49 : f32 to vector<16xf32>
      %parallel_loop3A_654 = arith.mulf %parallel_loop3A_653, %parallel_loop3A_629 : vector<16xf32>
      %parallel_loop3A_655 = arith.addf %parallel_loop3A_652, %parallel_loop3A_654 : vector<16xf32>
      %parallel_loop3A_656 = vector.broadcast %squeeze3A_51 : f32 to vector<16xf32>
      %parallel_loop3A_657 = arith.mulf %parallel_loop3A_656, %parallel_loop3A_633 : vector<16xf32>
      %parallel_loop3A_658 = vector.broadcast %squeeze3A : f32 to vector<16xf32>
      %parallel_loop3A_659 = arith.mulf %parallel_loop3A_658, %parallel_loop3A_631 : vector<16xf32>
      %parallel_loop3A_660 = arith.addf %parallel_loop3A_657, %parallel_loop3A_659 : vector<16xf32>
      %parallel_loop3A_661 = vector.broadcast %squeeze3A_47 : f32 to vector<16xf32>
      %parallel_loop3A_662 = arith.mulf %parallel_loop3A_661, %parallel_loop3A_629 : vector<16xf32>
      %parallel_loop3A_663 = arith.subf %parallel_loop3A_660, %parallel_loop3A_662 : vector<16xf32>
      %parallel_loop3A_664 = vector.broadcast %squeeze3A_49 : f32 to vector<16xf32>
      %parallel_loop3A_665 = arith.mulf %parallel_loop3A_664, %parallel_loop3A_627 : vector<16xf32>
      %parallel_loop3A_666 = arith.addf %parallel_loop3A_663, %parallel_loop3A_665 : vector<16xf32>
      %parallel_loop3A_667 = vector.broadcast %squeeze3A_51 : f32 to vector<16xf32>
      %parallel_loop3A_668 = arith.mulf %parallel_loop3A_667, %parallel_loop3A_627 : vector<16xf32>
      %parallel_loop3A_669 = vector.broadcast %squeeze3A : f32 to vector<16xf32>
      %parallel_loop3A_670 = arith.mulf %parallel_loop3A_669, %parallel_loop3A_629 : vector<16xf32>
      %parallel_loop3A_671 = arith.subf %parallel_loop3A_668, %parallel_loop3A_670 : vector<16xf32>
      %parallel_loop3A_672 = vector.broadcast %squeeze3A_47 : f32 to vector<16xf32>
      %parallel_loop3A_673 = arith.mulf %parallel_loop3A_672, %parallel_loop3A_631 : vector<16xf32>
      %parallel_loop3A_674 = arith.subf %parallel_loop3A_671, %parallel_loop3A_673 : vector<16xf32>
      %parallel_loop3A_675 = vector.broadcast %squeeze3A_49 : f32 to vector<16xf32>
      %parallel_loop3A_676 = arith.mulf %parallel_loop3A_675, %parallel_loop3A_633 : vector<16xf32>
      %parallel_loop3A_677 = arith.subf %parallel_loop3A_674, %parallel_loop3A_676 : vector<16xf32>
      %parallel_loop3A_678 = vector.broadcast %select_n3A_328 : f32 to vector<16xf32>
      %parallel_loop3A_679 = arith.mulf %parallel_loop3A_678, %parallel_loop3A_541 : vector<16xf32>
      %parallel_loop3A_680 = arith.constant 6.250000e-02 : f32
      %parallel_loop3A_681 = vector.broadcast %parallel_loop3A_680 : f32 to vector<16xf32>
      %parallel_loop3A_682 = arith.mulf %parallel_loop3A_679, %parallel_loop3A_681 : vector<16xf32>
      %parallel_loop3A_683 = arith.mulf %parallel_loop3A_682, %parallel_loop3A_682 : vector<16xf32>
      %parallel_loop3A_684 = arith.constant -1.98412701E-4 : f32
      %parallel_loop3A_685 = vector.broadcast %parallel_loop3A_684 : f32 to vector<16xf32>
      %parallel_loop3A_686 = arith.mulf %parallel_loop3A_683, %parallel_loop3A_685 : vector<16xf32>
      %parallel_loop3A_687 = arith.constant 0.00833333377 : f32
      %parallel_loop3A_688 = vector.broadcast %parallel_loop3A_687 : f32 to vector<16xf32>
      %parallel_loop3A_689 = arith.addf %parallel_loop3A_688, %parallel_loop3A_686 : vector<16xf32>
      %parallel_loop3A_690 = arith.mulf %parallel_loop3A_683, %parallel_loop3A_689 : vector<16xf32>
      %parallel_loop3A_691 = arith.constant -0.166666672 : f32
      %parallel_loop3A_692 = vector.broadcast %parallel_loop3A_691 : f32 to vector<16xf32>
      %parallel_loop3A_693 = arith.addf %parallel_loop3A_692, %parallel_loop3A_690 : vector<16xf32>
      %parallel_loop3A_694 = arith.mulf %parallel_loop3A_683, %parallel_loop3A_693 : vector<16xf32>
      %parallel_loop3A_695 = arith.constant 1.000000e+00 : f32
      %parallel_loop3A_696 = vector.broadcast %parallel_loop3A_695 : f32 to vector<16xf32>
      %parallel_loop3A_697 = arith.addf %parallel_loop3A_696, %parallel_loop3A_694 : vector<16xf32>
      %parallel_loop3A_698 = arith.mulf %parallel_loop3A_682, %parallel_loop3A_697 : vector<16xf32>
      %parallel_loop3A_699 = arith.constant 2.48015876E-5 : f32
      %parallel_loop3A_700 = vector.broadcast %parallel_loop3A_699 : f32 to vector<16xf32>
      %parallel_loop3A_701 = arith.mulf %parallel_loop3A_683, %parallel_loop3A_700 : vector<16xf32>
      %parallel_loop3A_702 = arith.constant -0.00138888892 : f32
      %parallel_loop3A_703 = vector.broadcast %parallel_loop3A_702 : f32 to vector<16xf32>
      %parallel_loop3A_704 = arith.addf %parallel_loop3A_703, %parallel_loop3A_701 : vector<16xf32>
      %parallel_loop3A_705 = arith.mulf %parallel_loop3A_683, %parallel_loop3A_704 : vector<16xf32>
      %parallel_loop3A_706 = arith.constant 0.0416666679 : f32
      %parallel_loop3A_707 = vector.broadcast %parallel_loop3A_706 : f32 to vector<16xf32>
      %parallel_loop3A_708 = arith.addf %parallel_loop3A_707, %parallel_loop3A_705 : vector<16xf32>
      %parallel_loop3A_709 = arith.mulf %parallel_loop3A_683, %parallel_loop3A_708 : vector<16xf32>
      %parallel_loop3A_710 = arith.constant -5.000000e-01 : f32
      %parallel_loop3A_711 = vector.broadcast %parallel_loop3A_710 : f32 to vector<16xf32>
      %parallel_loop3A_712 = arith.addf %parallel_loop3A_711, %parallel_loop3A_709 : vector<16xf32>
      %parallel_loop3A_713 = arith.mulf %parallel_loop3A_683, %parallel_loop3A_712 : vector<16xf32>
      %parallel_loop3A_714 = arith.constant 1.000000e+00 : f32
      %parallel_loop3A_715 = vector.broadcast %parallel_loop3A_714 : f32 to vector<16xf32>
      %parallel_loop3A_716 = arith.addf %parallel_loop3A_715, %parallel_loop3A_713 : vector<16xf32>
      %parallel_loop3A_717 = arith.constant 2.000000e+00 : f32
      %parallel_loop3A_718 = vector.broadcast %parallel_loop3A_717 : f32 to vector<16xf32>
      %parallel_loop3A_719 = arith.mulf %parallel_loop3A_718, %parallel_loop3A_698 : vector<16xf32>
      %parallel_loop3A_720 = arith.mulf %parallel_loop3A_719, %parallel_loop3A_716 : vector<16xf32>
      %parallel_loop3A_721 = arith.constant 2.000000e+00 : f32
      %parallel_loop3A_722 = vector.broadcast %parallel_loop3A_721 : f32 to vector<16xf32>
      %parallel_loop3A_723 = arith.mulf %parallel_loop3A_722, %parallel_loop3A_698 : vector<16xf32>
      %parallel_loop3A_724 = arith.mulf %parallel_loop3A_723, %parallel_loop3A_698 : vector<16xf32>
      %parallel_loop3A_725 = arith.constant 1.000000e+00 : f32
      %parallel_loop3A_726 = vector.broadcast %parallel_loop3A_725 : f32 to vector<16xf32>
      %parallel_loop3A_727 = arith.subf %parallel_loop3A_726, %parallel_loop3A_724 : vector<16xf32>
      %parallel_loop3A_728 = arith.constant 2.000000e+00 : f32
      %parallel_loop3A_729 = vector.broadcast %parallel_loop3A_728 : f32 to vector<16xf32>
      %parallel_loop3A_730 = arith.mulf %parallel_loop3A_729, %parallel_loop3A_720 : vector<16xf32>
      %parallel_loop3A_731 = arith.mulf %parallel_loop3A_730, %parallel_loop3A_727 : vector<16xf32>
      %parallel_loop3A_732 = arith.constant 2.000000e+00 : f32
      %parallel_loop3A_733 = vector.broadcast %parallel_loop3A_732 : f32 to vector<16xf32>
      %parallel_loop3A_734 = arith.mulf %parallel_loop3A_733, %parallel_loop3A_720 : vector<16xf32>
      %parallel_loop3A_735 = arith.mulf %parallel_loop3A_734, %parallel_loop3A_720 : vector<16xf32>
      %parallel_loop3A_736 = arith.constant 1.000000e+00 : f32
      %parallel_loop3A_737 = vector.broadcast %parallel_loop3A_736 : f32 to vector<16xf32>
      %parallel_loop3A_738 = arith.subf %parallel_loop3A_737, %parallel_loop3A_735 : vector<16xf32>
      %parallel_loop3A_739 = arith.constant 2.000000e+00 : f32
      %parallel_loop3A_740 = vector.broadcast %parallel_loop3A_739 : f32 to vector<16xf32>
      %parallel_loop3A_741 = arith.mulf %parallel_loop3A_740, %parallel_loop3A_731 : vector<16xf32>
      %parallel_loop3A_742 = arith.mulf %parallel_loop3A_741, %parallel_loop3A_738 : vector<16xf32>
      %parallel_loop3A_743 = arith.constant 2.000000e+00 : f32
      %parallel_loop3A_744 = vector.broadcast %parallel_loop3A_743 : f32 to vector<16xf32>
      %parallel_loop3A_745 = arith.mulf %parallel_loop3A_744, %parallel_loop3A_731 : vector<16xf32>
      %parallel_loop3A_746 = arith.mulf %parallel_loop3A_745, %parallel_loop3A_731 : vector<16xf32>
      %parallel_loop3A_747 = arith.constant 1.000000e+00 : f32
      %parallel_loop3A_748 = vector.broadcast %parallel_loop3A_747 : f32 to vector<16xf32>
      %parallel_loop3A_749 = arith.subf %parallel_loop3A_748, %parallel_loop3A_746 : vector<16xf32>
      %parallel_loop3A_750 = arith.constant 2.000000e+00 : f32
      %parallel_loop3A_751 = vector.broadcast %parallel_loop3A_750 : f32 to vector<16xf32>
      %parallel_loop3A_752 = arith.mulf %parallel_loop3A_751, %parallel_loop3A_742 : vector<16xf32>
      %parallel_loop3A_753 = arith.mulf %parallel_loop3A_752, %parallel_loop3A_749 : vector<16xf32>
      %parallel_loop3A_754 = arith.constant 2.000000e+00 : f32
      %parallel_loop3A_755 = vector.broadcast %parallel_loop3A_754 : f32 to vector<16xf32>
      %parallel_loop3A_756 = arith.mulf %parallel_loop3A_755, %parallel_loop3A_742 : vector<16xf32>
      %parallel_loop3A_757 = arith.mulf %parallel_loop3A_756, %parallel_loop3A_742 : vector<16xf32>
      %parallel_loop3A_758 = arith.constant 1.000000e+00 : f32
      %parallel_loop3A_759 = vector.broadcast %parallel_loop3A_758 : f32 to vector<16xf32>
      %parallel_loop3A_760 = arith.subf %parallel_loop3A_759, %parallel_loop3A_757 : vector<16xf32>
      %parallel_loop3A_761 = vector.broadcast %mul3A_329 : f32 to vector<16xf32>
      %parallel_loop3A_762 = arith.mulf %parallel_loop3A_761, %parallel_loop3A_753 : vector<16xf32>
      %parallel_loop3A_763 = vector.broadcast %mul3A_330 : f32 to vector<16xf32>
      %parallel_loop3A_764 = arith.mulf %parallel_loop3A_763, %parallel_loop3A_753 : vector<16xf32>
      %parallel_loop3A_765 = vector.broadcast %mul3A_331 : f32 to vector<16xf32>
      %parallel_loop3A_766 = arith.mulf %parallel_loop3A_765, %parallel_loop3A_753 : vector<16xf32>
      %parallel_loop3A_767 = arith.mulf %parallel_loop3A_677, %parallel_loop3A_762 : vector<16xf32>
      %parallel_loop3A_768 = arith.mulf %parallel_loop3A_644, %parallel_loop3A_760 : vector<16xf32>
      %parallel_loop3A_769 = arith.addf %parallel_loop3A_767, %parallel_loop3A_768 : vector<16xf32>
      %parallel_loop3A_770 = arith.mulf %parallel_loop3A_655, %parallel_loop3A_766 : vector<16xf32>
      %parallel_loop3A_771 = arith.addf %parallel_loop3A_769, %parallel_loop3A_770 : vector<16xf32>
      %parallel_loop3A_772 = arith.mulf %parallel_loop3A_666, %parallel_loop3A_764 : vector<16xf32>
      %parallel_loop3A_773 = arith.subf %parallel_loop3A_771, %parallel_loop3A_772 : vector<16xf32>
      %parallel_loop3A_774 = arith.mulf %parallel_loop3A_677, %parallel_loop3A_764 : vector<16xf32>
      %parallel_loop3A_775 = arith.mulf %parallel_loop3A_644, %parallel_loop3A_766 : vector<16xf32>
      %parallel_loop3A_776 = arith.subf %parallel_loop3A_774, %parallel_loop3A_775 : vector<16xf32>
      %parallel_loop3A_777 = arith.mulf %parallel_loop3A_655, %parallel_loop3A_760 : vector<16xf32>
      %parallel_loop3A_778 = arith.addf %parallel_loop3A_776, %parallel_loop3A_777 : vector<16xf32>
      %parallel_loop3A_779 = arith.mulf %parallel_loop3A_666, %parallel_loop3A_762 : vector<16xf32>
      %parallel_loop3A_780 = arith.addf %parallel_loop3A_778, %parallel_loop3A_779 : vector<16xf32>
      %parallel_loop3A_781 = arith.mulf %parallel_loop3A_677, %parallel_loop3A_766 : vector<16xf32>
      %parallel_loop3A_782 = arith.mulf %parallel_loop3A_644, %parallel_loop3A_764 : vector<16xf32>
      %parallel_loop3A_783 = arith.addf %parallel_loop3A_781, %parallel_loop3A_782 : vector<16xf32>
      %parallel_loop3A_784 = arith.mulf %parallel_loop3A_655, %parallel_loop3A_762 : vector<16xf32>
      %parallel_loop3A_785 = arith.subf %parallel_loop3A_783, %parallel_loop3A_784 : vector<16xf32>
      %parallel_loop3A_786 = arith.mulf %parallel_loop3A_666, %parallel_loop3A_760 : vector<16xf32>
      %parallel_loop3A_787 = arith.addf %parallel_loop3A_785, %parallel_loop3A_786 : vector<16xf32>
      %parallel_loop3A_788 = arith.mulf %parallel_loop3A_677, %parallel_loop3A_760 : vector<16xf32>
      %parallel_loop3A_789 = arith.mulf %parallel_loop3A_644, %parallel_loop3A_762 : vector<16xf32>
      %parallel_loop3A_790 = arith.subf %parallel_loop3A_788, %parallel_loop3A_789 : vector<16xf32>
      %parallel_loop3A_791 = arith.mulf %parallel_loop3A_655, %parallel_loop3A_764 : vector<16xf32>
      %parallel_loop3A_792 = arith.subf %parallel_loop3A_790, %parallel_loop3A_791 : vector<16xf32>
      %parallel_loop3A_793 = arith.mulf %parallel_loop3A_666, %parallel_loop3A_766 : vector<16xf32>
      %parallel_loop3A_794 = arith.subf %parallel_loop3A_792, %parallel_loop3A_793 : vector<16xf32>
      %parallel_loop3A_795 = vector.broadcast %select_n3A_461 : f32 to vector<16xf32>
      %parallel_loop3A_796 = arith.mulf %parallel_loop3A_795, %parallel_loop3A_544 : vector<16xf32>
      %parallel_loop3A_797 = arith.constant 6.250000e-02 : f32
      %parallel_loop3A_798 = vector.broadcast %parallel_loop3A_797 : f32 to vector<16xf32>
      %parallel_loop3A_799 = arith.mulf %parallel_loop3A_796, %parallel_loop3A_798 : vector<16xf32>
      %parallel_loop3A_800 = arith.mulf %parallel_loop3A_799, %parallel_loop3A_799 : vector<16xf32>
      %parallel_loop3A_801 = arith.constant -1.98412701E-4 : f32
      %parallel_loop3A_802 = vector.broadcast %parallel_loop3A_801 : f32 to vector<16xf32>
      %parallel_loop3A_803 = arith.mulf %parallel_loop3A_800, %parallel_loop3A_802 : vector<16xf32>
      %parallel_loop3A_804 = arith.constant 0.00833333377 : f32
      %parallel_loop3A_805 = vector.broadcast %parallel_loop3A_804 : f32 to vector<16xf32>
      %parallel_loop3A_806 = arith.addf %parallel_loop3A_805, %parallel_loop3A_803 : vector<16xf32>
      %parallel_loop3A_807 = arith.mulf %parallel_loop3A_800, %parallel_loop3A_806 : vector<16xf32>
      %parallel_loop3A_808 = arith.constant -0.166666672 : f32
      %parallel_loop3A_809 = vector.broadcast %parallel_loop3A_808 : f32 to vector<16xf32>
      %parallel_loop3A_810 = arith.addf %parallel_loop3A_809, %parallel_loop3A_807 : vector<16xf32>
      %parallel_loop3A_811 = arith.mulf %parallel_loop3A_800, %parallel_loop3A_810 : vector<16xf32>
      %parallel_loop3A_812 = arith.constant 1.000000e+00 : f32
      %parallel_loop3A_813 = vector.broadcast %parallel_loop3A_812 : f32 to vector<16xf32>
      %parallel_loop3A_814 = arith.addf %parallel_loop3A_813, %parallel_loop3A_811 : vector<16xf32>
      %parallel_loop3A_815 = arith.mulf %parallel_loop3A_799, %parallel_loop3A_814 : vector<16xf32>
      %parallel_loop3A_816 = arith.constant 2.48015876E-5 : f32
      %parallel_loop3A_817 = vector.broadcast %parallel_loop3A_816 : f32 to vector<16xf32>
      %parallel_loop3A_818 = arith.mulf %parallel_loop3A_800, %parallel_loop3A_817 : vector<16xf32>
      %parallel_loop3A_819 = arith.constant -0.00138888892 : f32
      %parallel_loop3A_820 = vector.broadcast %parallel_loop3A_819 : f32 to vector<16xf32>
      %parallel_loop3A_821 = arith.addf %parallel_loop3A_820, %parallel_loop3A_818 : vector<16xf32>
      %parallel_loop3A_822 = arith.mulf %parallel_loop3A_800, %parallel_loop3A_821 : vector<16xf32>
      %parallel_loop3A_823 = arith.constant 0.0416666679 : f32
      %parallel_loop3A_824 = vector.broadcast %parallel_loop3A_823 : f32 to vector<16xf32>
      %parallel_loop3A_825 = arith.addf %parallel_loop3A_824, %parallel_loop3A_822 : vector<16xf32>
      %parallel_loop3A_826 = arith.mulf %parallel_loop3A_800, %parallel_loop3A_825 : vector<16xf32>
      %parallel_loop3A_827 = arith.constant -5.000000e-01 : f32
      %parallel_loop3A_828 = vector.broadcast %parallel_loop3A_827 : f32 to vector<16xf32>
      %parallel_loop3A_829 = arith.addf %parallel_loop3A_828, %parallel_loop3A_826 : vector<16xf32>
      %parallel_loop3A_830 = arith.mulf %parallel_loop3A_800, %parallel_loop3A_829 : vector<16xf32>
      %parallel_loop3A_831 = arith.constant 1.000000e+00 : f32
      %parallel_loop3A_832 = vector.broadcast %parallel_loop3A_831 : f32 to vector<16xf32>
      %parallel_loop3A_833 = arith.addf %parallel_loop3A_832, %parallel_loop3A_830 : vector<16xf32>
      %parallel_loop3A_834 = arith.constant 2.000000e+00 : f32
      %parallel_loop3A_835 = vector.broadcast %parallel_loop3A_834 : f32 to vector<16xf32>
      %parallel_loop3A_836 = arith.mulf %parallel_loop3A_835, %parallel_loop3A_815 : vector<16xf32>
      %parallel_loop3A_837 = arith.mulf %parallel_loop3A_836, %parallel_loop3A_833 : vector<16xf32>
      %parallel_loop3A_838 = arith.constant 2.000000e+00 : f32
      %parallel_loop3A_839 = vector.broadcast %parallel_loop3A_838 : f32 to vector<16xf32>
      %parallel_loop3A_840 = arith.mulf %parallel_loop3A_839, %parallel_loop3A_815 : vector<16xf32>
      %parallel_loop3A_841 = arith.mulf %parallel_loop3A_840, %parallel_loop3A_815 : vector<16xf32>
      %parallel_loop3A_842 = arith.constant 1.000000e+00 : f32
      %parallel_loop3A_843 = vector.broadcast %parallel_loop3A_842 : f32 to vector<16xf32>
      %parallel_loop3A_844 = arith.subf %parallel_loop3A_843, %parallel_loop3A_841 : vector<16xf32>
      %parallel_loop3A_845 = arith.constant 2.000000e+00 : f32
      %parallel_loop3A_846 = vector.broadcast %parallel_loop3A_845 : f32 to vector<16xf32>
      %parallel_loop3A_847 = arith.mulf %parallel_loop3A_846, %parallel_loop3A_837 : vector<16xf32>
      %parallel_loop3A_848 = arith.mulf %parallel_loop3A_847, %parallel_loop3A_844 : vector<16xf32>
      %parallel_loop3A_849 = arith.constant 2.000000e+00 : f32
      %parallel_loop3A_850 = vector.broadcast %parallel_loop3A_849 : f32 to vector<16xf32>
      %parallel_loop3A_851 = arith.mulf %parallel_loop3A_850, %parallel_loop3A_837 : vector<16xf32>
      %parallel_loop3A_852 = arith.mulf %parallel_loop3A_851, %parallel_loop3A_837 : vector<16xf32>
      %parallel_loop3A_853 = arith.constant 1.000000e+00 : f32
      %parallel_loop3A_854 = vector.broadcast %parallel_loop3A_853 : f32 to vector<16xf32>
      %parallel_loop3A_855 = arith.subf %parallel_loop3A_854, %parallel_loop3A_852 : vector<16xf32>
      %parallel_loop3A_856 = arith.constant 2.000000e+00 : f32
      %parallel_loop3A_857 = vector.broadcast %parallel_loop3A_856 : f32 to vector<16xf32>
      %parallel_loop3A_858 = arith.mulf %parallel_loop3A_857, %parallel_loop3A_848 : vector<16xf32>
      %parallel_loop3A_859 = arith.mulf %parallel_loop3A_858, %parallel_loop3A_855 : vector<16xf32>
      %parallel_loop3A_860 = arith.constant 2.000000e+00 : f32
      %parallel_loop3A_861 = vector.broadcast %parallel_loop3A_860 : f32 to vector<16xf32>
      %parallel_loop3A_862 = arith.mulf %parallel_loop3A_861, %parallel_loop3A_848 : vector<16xf32>
      %parallel_loop3A_863 = arith.mulf %parallel_loop3A_862, %parallel_loop3A_848 : vector<16xf32>
      %parallel_loop3A_864 = arith.constant 1.000000e+00 : f32
      %parallel_loop3A_865 = vector.broadcast %parallel_loop3A_864 : f32 to vector<16xf32>
      %parallel_loop3A_866 = arith.subf %parallel_loop3A_865, %parallel_loop3A_863 : vector<16xf32>
      %parallel_loop3A_867 = arith.constant 2.000000e+00 : f32
      %parallel_loop3A_868 = vector.broadcast %parallel_loop3A_867 : f32 to vector<16xf32>
      %parallel_loop3A_869 = arith.mulf %parallel_loop3A_868, %parallel_loop3A_859 : vector<16xf32>
      %parallel_loop3A_870 = arith.mulf %parallel_loop3A_869, %parallel_loop3A_866 : vector<16xf32>
      %parallel_loop3A_871 = arith.constant 2.000000e+00 : f32
      %parallel_loop3A_872 = vector.broadcast %parallel_loop3A_871 : f32 to vector<16xf32>
      %parallel_loop3A_873 = arith.mulf %parallel_loop3A_872, %parallel_loop3A_859 : vector<16xf32>
      %parallel_loop3A_874 = arith.mulf %parallel_loop3A_873, %parallel_loop3A_859 : vector<16xf32>
      %parallel_loop3A_875 = arith.constant 1.000000e+00 : f32
      %parallel_loop3A_876 = vector.broadcast %parallel_loop3A_875 : f32 to vector<16xf32>
      %parallel_loop3A_877 = arith.subf %parallel_loop3A_876, %parallel_loop3A_874 : vector<16xf32>
      %parallel_loop3A_878 = vector.broadcast %mul3A_462 : f32 to vector<16xf32>
      %parallel_loop3A_879 = arith.mulf %parallel_loop3A_878, %parallel_loop3A_870 : vector<16xf32>
      %parallel_loop3A_880 = vector.broadcast %mul3A_463 : f32 to vector<16xf32>
      %parallel_loop3A_881 = arith.mulf %parallel_loop3A_880, %parallel_loop3A_870 : vector<16xf32>
      %parallel_loop3A_882 = vector.broadcast %mul3A_464 : f32 to vector<16xf32>
      %parallel_loop3A_883 = arith.mulf %parallel_loop3A_882, %parallel_loop3A_870 : vector<16xf32>
      %parallel_loop3A_884 = arith.mulf %parallel_loop3A_794, %parallel_loop3A_879 : vector<16xf32>
      %parallel_loop3A_885 = arith.mulf %parallel_loop3A_773, %parallel_loop3A_877 : vector<16xf32>
      %parallel_loop3A_886 = arith.addf %parallel_loop3A_884, %parallel_loop3A_885 : vector<16xf32>
      %parallel_loop3A_887 = arith.mulf %parallel_loop3A_780, %parallel_loop3A_883 : vector<16xf32>
      %parallel_loop3A_888 = arith.addf %parallel_loop3A_886, %parallel_loop3A_887 : vector<16xf32>
      %parallel_loop3A_889 = arith.mulf %parallel_loop3A_787, %parallel_loop3A_881 : vector<16xf32>
      %parallel_loop3A_890 = arith.subf %parallel_loop3A_888, %parallel_loop3A_889 : vector<16xf32>
      %parallel_loop3A_891 = arith.mulf %parallel_loop3A_794, %parallel_loop3A_881 : vector<16xf32>
      %parallel_loop3A_892 = arith.mulf %parallel_loop3A_773, %parallel_loop3A_883 : vector<16xf32>
      %parallel_loop3A_893 = arith.subf %parallel_loop3A_891, %parallel_loop3A_892 : vector<16xf32>
      %parallel_loop3A_894 = arith.mulf %parallel_loop3A_780, %parallel_loop3A_877 : vector<16xf32>
      %parallel_loop3A_895 = arith.addf %parallel_loop3A_893, %parallel_loop3A_894 : vector<16xf32>
      %parallel_loop3A_896 = arith.mulf %parallel_loop3A_787, %parallel_loop3A_879 : vector<16xf32>
      %parallel_loop3A_897 = arith.addf %parallel_loop3A_895, %parallel_loop3A_896 : vector<16xf32>
      %parallel_loop3A_898 = arith.mulf %parallel_loop3A_794, %parallel_loop3A_883 : vector<16xf32>
      %parallel_loop3A_899 = arith.mulf %parallel_loop3A_773, %parallel_loop3A_881 : vector<16xf32>
      %parallel_loop3A_900 = arith.addf %parallel_loop3A_898, %parallel_loop3A_899 : vector<16xf32>
      %parallel_loop3A_901 = arith.mulf %parallel_loop3A_780, %parallel_loop3A_879 : vector<16xf32>
      %parallel_loop3A_902 = arith.subf %parallel_loop3A_900, %parallel_loop3A_901 : vector<16xf32>
      %parallel_loop3A_903 = arith.mulf %parallel_loop3A_787, %parallel_loop3A_877 : vector<16xf32>
      %parallel_loop3A_904 = arith.addf %parallel_loop3A_902, %parallel_loop3A_903 : vector<16xf32>
      %parallel_loop3A_905 = arith.mulf %parallel_loop3A_794, %parallel_loop3A_877 : vector<16xf32>
      %parallel_loop3A_906 = arith.mulf %parallel_loop3A_773, %parallel_loop3A_879 : vector<16xf32>
      %parallel_loop3A_907 = arith.subf %parallel_loop3A_905, %parallel_loop3A_906 : vector<16xf32>
      %parallel_loop3A_908 = arith.mulf %parallel_loop3A_780, %parallel_loop3A_881 : vector<16xf32>
      %parallel_loop3A_909 = arith.subf %parallel_loop3A_907, %parallel_loop3A_908 : vector<16xf32>
      %parallel_loop3A_910 = arith.mulf %parallel_loop3A_787, %parallel_loop3A_883 : vector<16xf32>
      %parallel_loop3A_911 = arith.subf %parallel_loop3A_909, %parallel_loop3A_910 : vector<16xf32>
      %parallel_loop3A_912 = vector.broadcast %sub3A_489 : f32 to vector<16xf32>
      %parallel_loop3A_913 = arith.mulf %parallel_loop3A_524, %parallel_loop3A_912 : vector<16xf32>
      %parallel_loop3A_914 = vector.broadcast %squeeze3A_466 : f32 to vector<16xf32>
      %parallel_loop3A_915 = arith.addf %parallel_loop3A_914, %parallel_loop3A_913 : vector<16xf32>
      %parallel_loop3A_916 = vector.broadcast %sub3A_492 : f32 to vector<16xf32>
      %parallel_loop3A_917 = arith.mulf %parallel_loop3A_541, %parallel_loop3A_916 : vector<16xf32>
      %parallel_loop3A_918 = arith.addf %parallel_loop3A_915, %parallel_loop3A_917 : vector<16xf32>
      %parallel_loop3A_919 = vector.broadcast %sub3A_495 : f32 to vector<16xf32>
      %parallel_loop3A_920 = arith.mulf %parallel_loop3A_544, %parallel_loop3A_919 : vector<16xf32>
      %parallel_loop3A_921 = arith.addf %parallel_loop3A_918, %parallel_loop3A_920 : vector<16xf32>
      %parallel_loop3A_922 = vector.broadcast %sub3A_490 : f32 to vector<16xf32>
      %parallel_loop3A_923 = arith.mulf %parallel_loop3A_524, %parallel_loop3A_922 : vector<16xf32>
      %parallel_loop3A_924 = vector.broadcast %squeeze3A_468 : f32 to vector<16xf32>
      %parallel_loop3A_925 = arith.addf %parallel_loop3A_924, %parallel_loop3A_923 : vector<16xf32>
      %parallel_loop3A_926 = vector.broadcast %sub3A_493 : f32 to vector<16xf32>
      %parallel_loop3A_927 = arith.mulf %parallel_loop3A_541, %parallel_loop3A_926 : vector<16xf32>
      %parallel_loop3A_928 = arith.addf %parallel_loop3A_925, %parallel_loop3A_927 : vector<16xf32>
      %parallel_loop3A_929 = vector.broadcast %sub3A_496 : f32 to vector<16xf32>
      %parallel_loop3A_930 = arith.mulf %parallel_loop3A_544, %parallel_loop3A_929 : vector<16xf32>
      %parallel_loop3A_931 = arith.addf %parallel_loop3A_928, %parallel_loop3A_930 : vector<16xf32>
      %parallel_loop3A_932 = vector.broadcast %sub3A_491 : f32 to vector<16xf32>
      %parallel_loop3A_933 = arith.mulf %parallel_loop3A_524, %parallel_loop3A_932 : vector<16xf32>
      %parallel_loop3A_934 = vector.broadcast %squeeze3A_470 : f32 to vector<16xf32>
      %parallel_loop3A_935 = arith.addf %parallel_loop3A_934, %parallel_loop3A_933 : vector<16xf32>
      %parallel_loop3A_936 = vector.broadcast %sub3A_494 : f32 to vector<16xf32>
      %parallel_loop3A_937 = arith.mulf %parallel_loop3A_541, %parallel_loop3A_936 : vector<16xf32>
      %parallel_loop3A_938 = arith.addf %parallel_loop3A_935, %parallel_loop3A_937 : vector<16xf32>
      %parallel_loop3A_939 = vector.broadcast %sub3A_497 : f32 to vector<16xf32>
      %parallel_loop3A_940 = arith.mulf %parallel_loop3A_544, %parallel_loop3A_939 : vector<16xf32>
      %parallel_loop3A_941 = arith.addf %parallel_loop3A_938, %parallel_loop3A_940 : vector<16xf32>
      %parallel_loop3A_942 = arith.constant 0 : i64
      %parallel_loop3A_943 = arith.index_cast %parallel_loop3A_942 : i64 to index
      %parallel_loop3A_944 = arith.index_cast %parallel_loop3A_502 : i32 to index
      %parallel_loop3A_945 = tpu.vector_load %arg11[%parallel_loop3A_943, %parallel_loop3A_944] {strides = array<i32>} : memref<7x512xf32, #tpu.memory_space<vmem>>, vector<1x16xf32>,
      %parallel_loop3A_946 = vector.shape_cast %parallel_loop3A_945 : vector<1x16xf32> to vector<16xf32>
      %parallel_loop3A_947 = vector.shape_cast %parallel_loop3A_890 : vector<16xf32> to vector<1x16xf32>
      tpu.vector_store %arg11[%parallel_loop3A_943, %parallel_loop3A_944], %parallel_loop3A_947 {strides = array<i32>} : memref<7x512xf32, #tpu.memory_space<vmem>>, vector<1x16xf32>,
      %parallel_loop3A_948 = arith.constant 1 : i64
      %parallel_loop3A_949 = arith.index_cast %parallel_loop3A_948 : i64 to index
      %parallel_loop3A_950 = arith.index_cast %parallel_loop3A_502 : i32 to index
      %parallel_loop3A_951 = tpu.vector_load %arg11[%parallel_loop3A_949, %parallel_loop3A_950] {strides = array<i32>} : memref<7x512xf32, #tpu.memory_space<vmem>>, vector<1x16xf32>,
      %parallel_loop3A_952 = vector.shape_cast %parallel_loop3A_951 : vector<1x16xf32> to vector<16xf32>
      %parallel_loop3A_953 = vector.shape_cast %parallel_loop3A_897 : vector<16xf32> to vector<1x16xf32>
      tpu.vector_store %arg11[%parallel_loop3A_949, %parallel_loop3A_950], %parallel_loop3A_953 {strides = array<i32>} : memref<7x512xf32, #tpu.memory_space<vmem>>, vector<1x16xf32>,
      %parallel_loop3A_954 = arith.constant 2 : i64
      %parallel_loop3A_955 = arith.index_cast %parallel_loop3A_954 : i64 to index
      %parallel_loop3A_956 = arith.index_cast %parallel_loop3A_502 : i32 to index
      %parallel_loop3A_957 = tpu.vector_load %arg11[%parallel_loop3A_955, %parallel_loop3A_956] {strides = array<i32>} : memref<7x512xf32, #tpu.memory_space<vmem>>, vector<1x16xf32>,
      %parallel_loop3A_958 = vector.shape_cast %parallel_loop3A_957 : vector<1x16xf32> to vector<16xf32>
      %parallel_loop3A_959 = vector.shape_cast %parallel_loop3A_904 : vector<16xf32> to vector<1x16xf32>
      tpu.vector_store %arg11[%parallel_loop3A_955, %parallel_loop3A_956], %parallel_loop3A_959 {strides = array<i32>} : memref<7x512xf32, #tpu.memory_space<vmem>>, vector<1x16xf32>,
      %parallel_loop3A_960 = arith.constant 3 : i64
      %parallel_loop3A_961 = arith.index_cast %parallel_loop3A_960 : i64 to index
      %parallel_loop3A_962 = arith.index_cast %parallel_loop3A_502 : i32 to index
      %parallel_loop3A_963 = tpu.vector_load %arg11[%parallel_loop3A_961, %parallel_loop3A_962] {strides = array<i32>} : memref<7x512xf32, #tpu.memory_space<vmem>>, vector<1x16xf32>,
      %parallel_loop3A_964 = vector.shape_cast %parallel_loop3A_963 : vector<1x16xf32> to vector<16xf32>
      %parallel_loop3A_965 = vector.shape_cast %parallel_loop3A_911 : vector<16xf32> to vector<1x16xf32>
      tpu.vector_store %arg11[%parallel_loop3A_961, %parallel_loop3A_962], %parallel_loop3A_965 {strides = array<i32>} : memref<7x512xf32, #tpu.memory_space<vmem>>, vector<1x16xf32>,
      %parallel_loop3A_966 = arith.constant 4 : i64
      %parallel_loop3A_967 = arith.index_cast %parallel_loop3A_966 : i64 to index
      %parallel_loop3A_968 = arith.index_cast %parallel_loop3A_502 : i32 to index
      %parallel_loop3A_969 = tpu.vector_load %arg11[%parallel_loop3A_967, %parallel_loop3A_968] {strides = array<i32>} : memref<7x512xf32, #tpu.memory_space<vmem>>, vector<1x16xf32>,
      %parallel_loop3A_970 = vector.shape_cast %parallel_loop3A_969 : vector<1x16xf32> to vector<16xf32>
      %parallel_loop3A_971 = vector.shape_cast %parallel_loop3A_921 : vector<16xf32> to vector<1x16xf32>
      tpu.vector_store %arg11[%parallel_loop3A_967, %parallel_loop3A_968], %parallel_loop3A_971 {strides = array<i32>} : memref<7x512xf32, #tpu.memory_space<vmem>>, vector<1x16xf32>,
      %parallel_loop3A_972 = arith.constant 5 : i64
      %parallel_loop3A_973 = arith.index_cast %parallel_loop3A_972 : i64 to index
      %parallel_loop3A_974 = arith.index_cast %parallel_loop3A_502 : i32 to index
      %parallel_loop3A_975 = tpu.vector_load %arg11[%parallel_loop3A_973, %parallel_loop3A_974] {strides = array<i32>} : memref<7x512xf32, #tpu.memory_space<vmem>>, vector<1x16xf32>,
      %parallel_loop3A_976 = vector.shape_cast %parallel_loop3A_975 : vector<1x16xf32> to vector<16xf32>
      %parallel_loop3A_977 = vector.shape_cast %parallel_loop3A_931 : vector<16xf32> to vector<1x16xf32>
      tpu.vector_store %arg11[%parallel_loop3A_973, %parallel_loop3A_974], %parallel_loop3A_977 {strides = array<i32>} : memref<7x512xf32, #tpu.memory_space<vmem>>, vector<1x16xf32>,
      %parallel_loop3A_978 = arith.constant 6 : i64
      %parallel_loop3A_979 = arith.index_cast %parallel_loop3A_978 : i64 to index
      %parallel_loop3A_980 = arith.index_cast %parallel_loop3A_502 : i32 to index
      %parallel_loop3A_981 = tpu.vector_load %arg11[%parallel_loop3A_979, %parallel_loop3A_980] {strides = array<i32>} : memref<7x512xf32, #tpu.memory_space<vmem>>, vector<1x16xf32>,
      %parallel_loop3A_982 = vector.shape_cast %parallel_loop3A_981 : vector<1x16xf32> to vector<16xf32>
      %parallel_loop3A_983 = vector.shape_cast %parallel_loop3A_941 : vector<16xf32> to vector<1x16xf32>
      tpu.vector_store %arg11[%parallel_loop3A_979, %parallel_loop3A_980], %parallel_loop3A_983 {strides = array<i32>} : memref<7x512xf32, #tpu.memory_space<vmem>>, vector<1x16xf32>,
    } {sc.loop_unroll_factor = 8 : i64, sc.parallel_access}
    "tpu.region"() ({
      %run_scoped3A = tpu.sem_alloc : memref<!tpu.dma_semaphore, #tpu.memory_space<semaphore_mem>>
      %dma_start3A_502 = arith.constant 0 : i32
      %dma_start3A_503 = arith.constant 0 : i32
      %dma_start3A_504 = tpu.memref_slice %arg5[%dma_start3A_502, %add3A, %dma_start3A_503] : memref<7x32x512xf32, #tpu.memory_space<hbm>> -> memref<7x1x512xf32, #tpu.memory_space<hbm>>
      %dma_start3A_505 = tpu.memref_squeeze %dma_start3A_504 : memref<7x1x512xf32, #tpu.memory_space<hbm>> -> memref<7x512xf32, #tpu.memory_space<hbm>>
      %dma_start3A_506 = arith.constant 0 : i32
      %dma_start3A_507 = arith.constant 0 : i32
      %dma_start3A_508 = tpu.memref_slice %arg5[%dma_start3A_506, %add3A, %dma_start3A_507] : memref<7x32x512xf32, #tpu.memory_space<hbm>> -> memref<7x1x512xf32, #tpu.memory_space<hbm>>
      %dma_start3A_509 = tpu.memref_squeeze %dma_start3A_508 : memref<7x1x512xf32, #tpu.memory_space<hbm>> -> memref<7x512xf32, #tpu.memory_space<hbm>>
      tpu.enqueue_dma source(%arg11 : memref<7x512xf32, #tpu.memory_space<vmem>>) target(%dma_start3A_509 : memref<7x512xf32, #tpu.memory_space<hbm>>) target_semaphore(%run_scoped3A : memref<!tpu.dma_semaphore, #tpu.memory_space<semaphore_mem>>)
      %dma_wait3A_510 = arith.constant 0 : i32
      %dma_wait3A_511 = arith.constant 0 : i32
      %dma_wait3A_512 = tpu.memref_slice %arg5[%dma_wait3A_510, %add3A, %dma_wait3A_511] : memref<7x32x512xf32, #tpu.memory_space<hbm>> -> memref<7x1x512xf32, #tpu.memory_space<hbm>>
      %dma_wait3A_513 = tpu.memref_squeeze %dma_wait3A_512 : memref<7x1x512xf32, #tpu.memory_space<hbm>> -> memref<7x512xf32, #tpu.memory_space<hbm>>
      %dma_wait3A_514 = arith.constant 0 : i32
      %dma_wait3A_515 = arith.constant 0 : i32
      %dma_wait3A_516 = tpu.memref_slice %arg5[%dma_wait3A_514, %add3A, %dma_wait3A_515] : memref<7x32x512xf32, #tpu.memory_space<hbm>> -> memref<7x1x512xf32, #tpu.memory_space<hbm>>
      %dma_wait3A_517 = tpu.memref_squeeze %dma_wait3A_516 : memref<7x1x512xf32, #tpu.memory_space<hbm>> -> memref<7x512xf32, #tpu.memory_space<hbm>>
      tpu.wait_dma2 semaphore(%run_scoped3A : memref<!tpu.dma_semaphore, #tpu.memory_space<semaphore_mem>>) src(%arg11 : memref<7x512xf32, #tpu.memory_space<vmem>>) dst(%dma_wait3A_517 : memref<7x512xf32, #tpu.memory_space<hbm>>)
      tpu.yield
    }) : () -> ()
    return
  }
}

</mosaic_0001>

<sc_bundles>
// kernel: kernel.3.cloned.1.call-start
scs
__scs_entry_jumppad:
0x0: {  	(pc) =	sbr.rel $0x88, $3  }
0x1: {  	(tag) =	ssettag $0x0;
	lr =	simm.s32 $0x1  }
0x2: {  	[smem:$0x3F9E] =	sst lr;
	_ =	strace $0xD0000000  }
0x3: {  	_ = 	snop  }
0x4: {  	_ = 	snop  }
0x5: {  	_ = 	snop  }
0x6: {  	_ = 	snop  }
0x7: {  	_ = 	snop  }
__scs_overlays_trampoline_lowered:
0x8: {  	[smem:$0x3FAD] =	sst s0  }
0x9: {  	[smem:$0x3FAE] =	sst s1  }
0xa: {  	[smem:$0x3FAF] =	sst s2  }
0xb: {  	[smem:$0x3FB0] =	sst s3  }
0xc: {  	[smem:$0x3FB1] =	sst s4  }
0xd: {  	[smem:$0x3FB2] =	sst s5  }
0xe: {  	[smem:$0x3FB3] =	sst s6  }
0xf: {  	[smem:$0x3FB4] =	sst s7  }
0x10: {  	[smem:$0x3FB5] =	sst s8  }
0x11: {  	[smem:$0x3FB6] =	sst s9;
	s0 =	simm.s32 @!p0 $0x0  }
0x12: {  	s1 =	sld [smem:$0x3F9C];
	s0 =	simm.s32 @p0 $0x1  }
0x13: {  	[smem:$0x3FB7] =	sst s0;
	s0 =	simm.s32 @!p1 $0x0  }
0x14: {  	s2 =	sld [smem:$0x3F9B];
	s0 =	simm.s32 @p1 $0x1  }
0x15: {  	[smem:$0x3FB8] =	sst s0;
	s0 =	simm.s32 @!p2 $0x0  }
0x16: {  	s3 =	sld [smem:$0x3FDB];
	s0 =	simm.s32 @p2 $0x1  }
0x17: {  	s4 =	simm.s32 $0x1BF5;
	[smem:$0x3FBA] =	sst s0  }
0x18: {  	s0 =	sld [smem:$0x3F9D];
	_ =	swait.ge [sflag:s4], $0x0  }
0x19: {  	s7 =	sld [smem:$0x3F9E]  }
0x1a: {  	s8 =	sadd.s32 $0xFFFFE003, lr  }
0x1b: {  	s9 =	sadd.s32 $0xFFFFFEF7, lr;
	s5 =	simm.s32 $0xFFFFFFFF;
	p2 =	slt.u32 s8, $0xFFFFF086  }
0x1c: {  	p1 =	slt.u32 s9, $0xF7A;
	s5 =	simm.s32 @!p2 $0x0  }
0x1d: {  	s5 =	simm.s32 @p1 $0x1;
	p0 =	seq.s32 s7, s2  }
0x1e: {  	s7 =	smul.u32 @!p0 $0xF7A, s2;
	p2 =	seq.s32 @!p0 s5, $0x0  }
0x1f: {  	s9 =	smul.u32 $0xF7A, s1;
	s8 =	simm.s32 @!p0 $0x1BF5;
	p2 =	por !p2, p0  }
0x20: {  	[sflag:s8] =	ssyncset.s32 @!p0 $0xFFFFF086;
	s6 =	sadd.s32 @!p0 s3, s7;
	s7 =	simm.s32 @!p0 $0x108  }
0x21: {  	s3 =	sadd.s32 s3, s9;
	s6 =	sadd.s32 @!p0 $0x88, s6;
	s7 =	simm.s32 @p2 $0x1082  }
0x22: {  	[simem:s7], [sflag:s8] =	dma.local @!p0 [hbm:s6], $0xF7A  }
0x23: {  	s9 =	sor.u32 $0xD0000000, s2;
	s6 =	simm.s32 $0x108;
	_ =	swait.ge @!p0 [sflag:s8], $0x0  }
0x24: {  	s3 =	sadd.s32 $0x88, s3;
	s6 =	simm.s32 @!p1 $0x1082;
	[sflag:s4] =	ssyncset.s32 $0xFFFFF086  }
0x25: {  	[simem:s6], [sflag:s4] =	dma.local [hbm:s3], $0xF7A  }
0x26: {  	[smem:$0x3F9E] =	sst s1;
	(tag) =	ssettag s2;
	_ =	strace s9  }
0x27: {  	s1 =	sld [smem:$0x3FAE]  }
0x28: {  	s2 =	sld [smem:$0x3FAF]  }
0x29: {  	s4 =	sld [smem:$0x3FB1]  }
0x2a: {  	p0 =	seq.s32 s5, $0x0;
	s5 =	sld [smem:$0x3FB2]  }
0x2b: {  	s6 =	sld [smem:$0x3FB3]  }
0x2c: {  	s7 =	sld [smem:$0x3FB4]  }
0x2d: {  	s3 =	simm.s32 $0x108;
	s8 =	sld [smem:$0x3FB5]  }
0x2e: {  	s3 =	simm.s32 @!p0 $0x1082;
	s9 =	sld [smem:$0x3FB6]  }
0x2f: {  	lr =	sadd.s32 s0, s3;
	s0 =	sld [smem:$0x3FAD]  }
0x30: {  	s3 =	sld [smem:$0x3FB0]  }
0x31: {  	[smem:$0x3FB9] =	sst s10  }
0x32: {  	s10 =	sld [smem:$0x3FB7];
	_ =	sdelay $0x3  }
0x33: {  	p0 =	seq.s32 s10, $0x1;
	s10 =	sld [smem:$0x3FB9];
	_ =	sdelay $0x3  }
0x34: {  	[smem:$0x3FB9] =	sst s10  }
0x35: {  	s10 =	sld [smem:$0x3FB8];
	_ =	sdelay $0x3  }
0x36: {  	p1 =	seq.s32 s10, $0x1;
	s10 =	sld [smem:$0x3FB9];
	_ =	sdelay $0x3  }
0x37: {  	[smem:$0x3FB9] =	sst s10  }
0x38: {  	s10 =	sld [smem:$0x3FBA]  }
0x39: {  	_ = 	snop;
	(pc) =	sbr.ind lr, $3  }
0x3a: {  	_ = 	snop  }
0x3b: {  	_ = 	snop  }
0x3c: {  	p2 =	seq.s32 s10, $0x1;
	s10 =	sld [smem:$0x3FB9]  }
0x3d: {  	_ =	shalt  }
0x3e: {  	_ =	shalt  }
0x3f: {  	_ =	shalt  }
0x40: {  	_ =	shalt  }
0x41: {  	_ =	shalt  }
0x42: {  	_ =	shalt  }
0x43: {  	_ =	shalt  }
0x44: {  	_ =	shalt  }
0x45: {  	_ =	shalt  }
0x46: {  	_ =	shalt  }
0x47: {  	_ =	shalt  }
0x48: {  	_ =	shalt  }
0x49: {  	_ =	shalt  }
0x4a: {  	_ =	shalt  }
0x4b: {  	_ =	shalt  }
0x4c: {  	_ =	shalt  }
0x4d: {  	_ =	shalt  }
0x4e: {  	_ =	shalt  }
0x4f: {  	_ =	shalt  }
0x50: {  	_ =	shalt  }
0x51: {  	_ =	shalt  }
0x52: {  	_ =	shalt  }
0x53: {  	_ =	shalt  }
0x54: {  	_ =	shalt  }
0x55: {  	_ =	shalt  }
0x56: {  	_ =	shalt  }
0x57: {  	_ =	shalt  }
0x58: {  	_ =	shalt  }
0x59: {  	_ =	shalt  }
0x5a: {  	_ =	shalt  }
0x5b: {  	_ =	shalt  }
0x5c: {  	_ =	shalt  }
0x5d: {  	_ =	shalt  }
0x5e: {  	_ =	shalt  }
0x5f: {  	_ =	shalt  }
0x60: {  	_ =	shalt  }
0x61: {  	_ =	shalt  }
0x62: {  	_ =	shalt  }
0x63: {  	_ =	shalt  }
0x64: {  	_ =	shalt  }
0x65: {  	_ =	shalt  }
0x66: {  	_ =	shalt  }
0x67: {  	_ =	shalt  }
0x68: {  	_ =	shalt  }
0x69: {  	_ =	shalt  }
0x6a: {  	_ =	shalt  }
0x6b: {  	_ =	shalt  }
0x6c: {  	_ =	shalt  }
0x6d: {  	_ =	shalt  }
0x6e: {  	_ =	shalt  }
0x6f: {  	_ =	shalt  }
0x70: {  	_ =	shalt  }
0x71: {  	_ =	shalt  }
0x72: {  	_ =	shalt  }
0x73: {  	_ =	shalt  }
0x74: {  	_ =	shalt  }
0x75: {  	_ =	shalt  }
0x76: {  	_ =	shalt  }
0x77: {  	_ =	shalt  }
0x78: {  	_ =	shalt  }
0x79: {  	_ =	shalt  }
0x7a: {  	_ =	shalt  }
0x7b: {  	_ =	shalt  }
0x7c: {  	_ =	shalt  }
0x7d: {  	_ =	shalt  }
0x7e: {  	_ =	shalt  }
0x7f: {  	_ =	shalt  }
0x80: {  	_ =	shalt  }
0x81: {  	_ =	shalt  }
0x82: {  	_ =	shalt  }
0x83: {  	_ =	shalt  }
0x84: {  	_ =	shalt  }
0x85: {  	_ =	shalt  }
0x86: {  	_ =	shalt  }
0x87: {  	_ =	shalt  }
.Lfunc_end0:
.L_simem_size_0:
called_computation_lowered:
.L_overlay_start_0:
0x88: {  	s2 =	sld [smem:$0x3FD9]  }
0x89: {  	s3 =	sld [smem:$0x3FFE];
	_ =	sdelay $0x1  }
0x8a: {  	s1 =	srdreg.scid  }
0x8b: {  	s0 =	sand.u32 $0x1, s1  }
0x8c: {  	s14 =	sshll.u32 s0, $0xA;
	s2 =	sadd.s32 s3, s2  }
0x8d: {  	s2 =	sadd.s32 s2, s14  }
0x8e: {  	[smem:$0x3FC5] =	sst s2  }
0x8f: {  	_ = 	snop  }
0x90: {  	s2 =	sld [smem:$0x3FD0];
	_ =	sdelay $0x2  }
0x91: {  	s15 =	simm.s32 $0xA;
	s4 =	simm.s32 $0x10  }
0x92: {  	[smem:s4], [sflag:s15] =	dma.local [hbm:s2], $0x1  }
0x93: {  	_ =	swait.eq [sflag:s15], $0x1  }
0x94: {  	[sflag:s15] =	ssyncset.done $0x0  }
0x95: {  	s16 =	sld [smem:$0x10];
	[sflag:s15] =	ssyncadd.s32 $0xFFFFFFFF  }
0x96: {  	s17 =	sld [smem:$0x11];
	(tm) =	ssettm $0x1  }
0x97: {  	s18 =	sld [smem:$0x3FFB];
	_ =	sdelay $0x3  }
0x98: {  	_ =	strace s18  }
0x99: {  	s4 =	sld [smem:$0x3FFC];
	_ =	sdelay $0x3  }
0x9a: {  	_ =	strace s4  }
0x9b: {  	s4 =	sld [smem:$0x3FFD];
	_ =	sdelay $0x3  }
0x9c: {  	_ =	strace s4  }
0x9d: {  	_ =	strace $0x8FFFFFFF  }
0x9e: {  	s19 =	sld [smem:$0x3FDB];
	_ =	sdelay $0x1  }
0x9f: {  	s5 =	simm.s32 $_scs_section_size  }
0xa0: {  	s6 =	simm.s32 $_size__tile_overlayer_lowered;
	s7 =	simm.s32 $_tile_overlayer_lowered  }
0xa1: {  	s22 =	simm.s32 $0x1BFF;
	s21 =	sshll.u32 s7, $0x1;
	s4 =	sadd.s32 s5, s19  }
0xa2: {  	s8 =	simm.s32 $0x0;
	s20 =	sshll.u32 s6, $0x1;
	s6 =	sadd.s32 s21, s4  }
0xa3: {  	[timem:s8], [sflag:s22] =	dma.local [hbm:s6], s20  }
0xa4: {  	_ =	swait.ge [sflag:s22], s20  }
0xa5: {  	s5 =	ssub.s32 $0x0, s20;
	[sflag:s22] =	ssyncset.done $0x0  }
0xa6: {  	[sflag:s22] =	ssyncadd.s32 s5;
	_ =	sdelay $0x1  }
0xa7: {  	s23 =	simm.s32 $0x1B8B  }
0xa8: {  	_ =	swait.ge [sflag:s23], $0x1  }
0xa9: {  	[sflag:s23] =	ssyncset.done $0x0  }
0xaa: {  	s25 =	simm.s32 $0x1B8E;
	s24 =	sld [smem:$0x3FFE];
	[sflag:s23] =	ssyncadd.s32 $0xFFFFFFFF  }
0xab: {  	s26 =	simm.s32 $execute0_lowered;
	[smem:$0x3FD2] =	sst s25  }
0xac: {  	s6 =	sshll.u32 s26, $0x1;
	_ =	strace $0x80000046;
	[dreg:$0x1] =	wrdreg $0xFFFFFFFF  }
0xad: {  	s28 =	simm.s32 $_size_execute0_lowered;
	s4 =	sadd.s32 s4, s6;
	[dreg:$0x0] =	wrdreg $0x0  }
0xae: {  	s6 =	sshll.u32 s28, $0x1;
	[dreg:$0x2] =	wrdreg s4  }
0xaf: {  	[dreg:$0x3] =	wrdreg s6  }
0xb0: {  	[dreg:$0x4] =	wrdreg $0xC0  }
0xb1: {  	_ =	task [dreg:s8], $0x5FFFF  }
0xb2: {  	[dreg:$0x1] =	wrdreg $0xFFFFFFFF  }
0xb3: {  	[dreg:$0x0] =	wrdreg $0x60  }
0xb4: {  	[dreg:$0x2] =	wrdreg s16  }
0xb5: {  	[dreg:$0x3] =	wrdreg s24  }
0xb6: {  	[dreg:$0x4] =	wrdreg s17  }
0xb7: {  	[dreg:$0x5] =	wrdreg $0x9  }
0xb8: {  	_ =	task.clear_ibuf [dreg:s8], $0x6FFFF;
	_ =	strace $0x90000046  }
0xb9: {  	s29 =	simm.s32 $0x9;
	_ =	strace $0x80000048  }
0xba: {  	_ =	swait.ge [sflag:s29], $0x1  }
0xbb: {  	[sflag:s29] =	ssyncadd.s32 $0xFFFFFFFF  }
0xbc: {  	_ =	strace $0x90000048  }
0xbd: {  	_ =	sfence  }
0xbe: {  	s30 =	sld [smem:$0x0];
	_ =	sdelay $0x2  }
0xbf: {  	s31 =	sshll.u32 s1, $0xD;
	s1 =	sshrl.u32 s1, $0x2  }
0xc0: {  	s3 =	sand.u32 $0x4000, s31;
	s1 =	sadd.s32 s1, s30  }
0xc1: {  	s0 =	sor.u32 s3, s0;
	s1 =	sshll.u32 s1, $0x11  }
0xc2: {  	s0 =	sor.u32 s1, s0  }
0xc3: {  	s0 =	sadd.s32 $0x8F2B, s0  }
0xc4: {  	[sflag:s0] =	ssyncadd.remote.s32 $0x1  }
0xc5: {  	_ =	sfence.sel $0xFFFF  }
0xc6: {  	[dreg:$0x0] =	wrdreg $0xFFFFFFFF;
	(pc) =	sbr.abs _section_cstart, $3  }
0xc7: {  	[dreg:$0x1] =	wrdreg $0xFFFFFFFF  }
0xc8: {  	_ =	task.clear_ibuf [dreg:s8], $0x2FFFF;
	_ =	strace $0x9FFFFFFF  }
0xc9: {  	(tm) =	ssettm $0x7FFFFFFF  }
tec
execute0_lowered:
.L_overlay_start_1:
0x0: {  	(tag) =	ssettag $0x1  }
0x1: {  	s0 =	rddreg [dreg:$0x0]  }
0x2: {  	s2 =	rddreg [dreg:$0x1]  }
0x3: {  	s3 =	rddreg [dreg:$0x2];
	s1 =	simm.s32 $0x0;
	s4 =	srdreg.scid  }
0x4: {  	s24 =	stileid.u32;
	[smem:$0x7FF] =	sst s1  }
0x5: {  	s4 =	sand.u32 $0x1, s4;
	s23 =	sadd.s32 $0x600, s2;
	s6 =	sadd.s32 $0xE00, s2  }
0x6: {  	s7 =	sshll.u32 s24, $0x1;
	_ =	strace $0x80000047;
	[dreg:$0x4] =	wrdreg s23  }
0x7: {  	s26 =	sshll.u32 s24, $0x7;
	s29 =	sadd.s32 $0xDCE, s2;
	[dreg:$0x5] =	wrdreg s6  }
0x8: {  	s30 =	sadd.s32 $0x13DA, s2;
	s5 =	ssub.s32 $0x2, s4;
	[dreg:$0x7] =	wrdreg s29  }
0x9: {  	s4 =	sor.u32 s4, s7;
	s6 =	sand.u32 $0x600, s26;
	[dreg:$0x8] =	wrdreg s30  }
0xa: {  	s25 =	sshrl.u32 s5, $0x1;
	s7 =	sshll.u32 s4, $0x6;
	s4 =	sshll.u32 s4, $0x4  }
0xb: {  	s3 =	sadd.s32 s3, s6;
	s0 =	sadd.s32 s0, s7;
	s28 =	sand.u32 $0x70, s4  }
0xc: {  	s5 =	ssub.s32 s5, s25;
	[dreg:$0x6] =	wrdreg s0;
	s0 =	sadd.s32 s28, s3  }
0xd: {  	s31 =	smax.u32 s5, $0x1;
	[dreg:$0x9] =	wrdreg s0  }
0xe: {  	s2 =	simm.s32 $0x0;
	[dreg:$0xa] =	wrdreg s31  }
.LBB2_1:
0xf: {  	[dreg:$0xb] =	wrdreg s2  }
0x10: {  	s0 =	simm.s32 $0x0;
	s1 =	rddreg [dreg:$0x6]  }
0x11: {  	[tilespmem:s0], [sflag:$0x2] =	stream.linear.gather [hbm4b:s1+s0], $0x200, $0x38;
	[tilespmem:$0x1400] =	vst v63  }
0x12: {  	s10 =	rddreg [dreg:$0x7];
	s11 =	simm.s32 $0x200  }
0x13: {  	[tilespmem:s11], [sflag:$0x1] =	stream.linear.gather [hbm4b:s10+s0], $0x10, $0x38;
	[tilespmem:$0x1400] =	vst v63  }
0x14: {  	s12 =	rddreg [dreg:$0x4];
	s13 =	simm.s32 $0x280  }
0x15: {  	[tilespmem:s13], [sflag:$0x1] =	stream.linear.gather [hbm4b:s12+s0], $0x10, $0x38;
	[tilespmem:$0x1400] =	vst v63  }
0x16: {  	s14 =	rddreg [dreg:$0x8];
	s15 =	simm.s32 $0x300  }
0x17: {  	[tilespmem:s15], [sflag:$0x1] =	stream.linear.gather [hbm4b:s14+s0], $0x10, $0x38;
	[tilespmem:$0x1400] =	vst v63  }
0x18: {  	s16 =	rddreg [dreg:$0x5];
	s17 =	simm.s32 $0x380;
	s18 =	simm.s32 $0x1  }
0x19: {  	[tilespmem:s17], [sflag:$0x1] =	stream.linear.gather [hbm4b:s16+s0], $0x10, $0x38;
	[tilespmem:$0x1400] =	vst v63  }
0x1a: {  	_ =	swait.ge [sflag:s18], $0x10  }
0x1b: {  	[sflag:s18] =	ssyncset.done $0x0  }
0x1c: {  	[sflag:s18] =	ssyncadd.s32 $0xFFFFFFF0  }
0x1d: {  	_ =	swait.ge [sflag:s18], $0x10  }
0x1e: {  	[sflag:s18] =	ssyncset.done $0x0  }
0x1f: {  	[sflag:s18] =	ssyncadd.s32 $0xFFFFFFF0  }
0x20: {  	_ =	swait.ge [sflag:s18], $0x10  }
0x21: {  	[sflag:s18] =	ssyncset.done $0x0  }
0x22: {  	[sflag:s18] =	ssyncadd.s32 $0xFFFFFFF0  }
0x23: {  	_ =	swait.ge [sflag:s18], $0x10  }
0x24: {  	[sflag:s18] =	ssyncset.done $0x0  }
0x25: {  	[sflag:s18] =	ssyncadd.s32 $0xFFFFFFF0  }
0x26: {  	v0 =	vld [tilespmem:$0x200];
	_ =	sdelay $0x4  }
0x27: {  	(v2sf) =	vpush v0, $0x4  }
0x28: {  	(v2sf) =	vpush v0, $0x5  }
0x29: {  	(v2sf) =	vpush v0, $0x6  }
0x2a: {  	(v2sf) =	vpush v0, $0x7  }
0x2b: {  	(v2sf) =	vpush v0, $0x8  }
0x2c: {  	(v2sf) =	vpush v0, $0x9  }
0x2d: {  	(v2sf) =	vpush v0, $0xA  }
0x2e: {  	(v2sf) =	vpush v0, $0xB;
	_ =	sdelay $0x7  }
0x2f: {  	s3 =	spop (v2sf)  }
0x30: {  	s4 =	spop (v2sf)  }
0x31: {  	s6 =	spop (v2sf)  }
0x32: {  	s7 =	ssub.f32 $0.0e+00, s3;
	s5 =	spop (v2sf)  }
0x33: {  	s6 =	ssub.f32 $0.0e+00, s6;
	s11 =	spop (v2sf)  }
0x34: {  	s10 =	spop (v2sf);
	s19 =	smul.f32 s11, s5  }
0x35: {  	s0 =	spop (v2sf);
	s13 =	smul.f32 s6, s10  }
0x36: {  	s21 =	smul.f32 s10, s5;
	s2 =	spop (v2sf)  }
0x37: {  	s12 =	ssub.f32 $0.0e+00, s4;
	(v2sf) =	vpush v0, $0xC;
	s20 =	smul.f32 s7, s2  }
0x38: {  	(v2sf) =	vpush v0, $0xD;
	s15 =	smul.f32 s7, s0  }
0x39: {  	s9 =	smul.f32 s12, s0;
	s3 =	sadd.f32 s20, s19  }
0x3a: {  	s22 =	smul.f32 s12, s2;
	s4 =	ssub.f32 s21, s15  }
0x3b: {  	(v2sf) =	vpush v0, $0xE;
	s25 =	smul.f32 s7, s10;
	s3 =	sadd.f32 s3, s9  }
0x3c: {  	(v2sf) =	vpush v0, $0xF;
	s23 =	smul.f32 s0, s5;
	s4 =	sadd.f32 s4, s22  }
0x3d: {  	s26 =	smul.f32 s6, s11;
	s24 =	ssub.f32 s3, s13  }
0x3e: {  	s28 =	smul.f32 s12, s11;
	s3 =	sadd.f32 s25, s23  }
0x3f: {  	s8 =	sadd.f32 s4, s26  }
0x40: {  	s29 =	smul.f32 s6, s2;
	s3 =	ssub.f32 s3, s28  }
0x41: {  	s4 =	smul.f32 s8, s8  }
0x42: {  	s30 =	smul.f32 s24, s24;
	s31 =	sadd.f32 s3, s29  }
0x43: {  	_ = 	snop  }
0x44: {  	s3 =	sadd.f32 s4, s30;
	s4 =	smul.f32 s31, s31  }
0x45: {  	s12 =	smul.f32 s12, s10;
	s19 =	ssub.f32 $0.0e+00, s10  }
0x46: {  	s13 =	spop (v2sf);
	s15 =	sadd.f32 s3, s4  }
0x47: {  	s9 =	spop (v2sf);
	s26 =	smul.f32 s13, s2  }
0x48: {  	s28 =	smul.f32 s19, s13;
	s4 =	smax.f32 s15, $9.999999680e-21  }
0x49: {  	[dreg:$0xd] =	wrdreg s8;
	s8 =	smul.f32 s9, s2;
	s16 =	sshrl.u32 s4, $0x1  }
0x4a: {  	s3 =	spop (v2sf);
	s20 =	ssub.s32 $0x5F3759DF, s16;
	s16 =	ssub.f32 $0.0e+00, s11  }
0x4b: {  	s18 =	spop (v2sf);
	s30 =	smul.f32 s19, s3  }
0x4c: {  	[dreg:$0xc] =	wrdreg s24;
	s29 =	smul.f32 s16, s18  }
0x4d: {  	s21 =	smul.f32 $5.000000000e-01, s4;
	s4 =	ssub.f32 $0.0e+00, s0  }
0x4e: {  	s23 =	smul.f32 s3, s2;
	s26 =	sadd.f32 s29, s26  }
0x4f: {  	[dreg:$0xe] =	wrdreg s31;
	s17 =	smul.f32 s16, s3  }
0x50: {  	s31 =	smul.f32 s4, s9;
	s26 =	sadd.f32 s26, s30  }
0x51: {  	s25 =	smul.f32 s16, s9;
	s17 =	ssub.f32 s8, s17  }
0x52: {  	s14 =	smul.f32 s19, s18;
	s24 =	ssub.f32 s26, s31  }
0x53: {  	v1 =	vld [tilespmem:$0x280];
	s22 =	smul.f32 s20, s21;
	s31 =	sadd.f32 s25, s23  }
0x54: {  	s17 =	sadd.f32 s17, s14;
	s26 =	smul.f32 s4, s13  }
0x55: {  	s30 =	smul.f32 s4, s18;
	s1 =	ssub.f32 s31, s28  }
0x56: {  	s23 =	smul.f32 s20, s22;
	s29 =	sadd.f32 s17, s26  }
0x57: {  	s8 =	smul.f32 s24, s24;
	s30 =	sadd.f32 s1, s30  }
0x58: {  	(v2sf) =	vpush v1, $0x0;
	s14 =	smul.f32 s29, s29;
	s1 =	ssub.f32 $1.500000000e+00, s23  }
0x59: {  	s17 =	smul.f32 s30, s30  }
0x5a: {  	(v2sf) =	vpush v1, $0x1;
	s8 =	sadd.f32 s14, s8;
	s1 =	smul.f32 s20, s1  }
0x5b: {  	(v2sf) =	vpush v1, $0x2;
	s19 =	smul.f32 s19, s9;
	[dreg:$0xf] =	wrdreg s24  }
0x5c: {  	(v2sf) =	vpush v1, $0x3;
	s20 =	sadd.f32 s8, s17;
	s24 =	smul.f32 s1, s21  }
0x5d: {  	s0 =	smul.f32 s6, s0  }
0x5e: {  	s17 =	smax.f32 s20, $9.999999680e-21;
	s8 =	smul.f32 s24, s1  }
0x5f: {  	s25 =	sshrl.u32 s17, $0x1;
	s17 =	smul.f32 $5.000000000e-01, s17  }
0x60: {  	s14 =	smul.f32 s7, s11;
	s22 =	ssub.s32 $0x5F3759DF, s25;
	s28 =	ssub.f32 $1.500000000e+00, s8  }
0x61: {  	s26 =	smul.f32 s22, s17  }
0x62: {  	s1 =	smul.f32 s28, s1  }
0x63: {  	s31 =	smul.f32 s22, s26  }
0x64: {  	s21 =	smul.f32 s1, s21  }
0x65: {  	s8 =	smul.f32 s16, s13;
	s11 =	ssub.f32 $1.500000000e+00, s31  }
0x66: {  	s25 =	smul.f32 s21, s1  }
0x67: {  	s6 =	spop (v2sf);
	s23 =	smul.f32 s22, s11  }
0x68: {  	s28 =	smul.f32 s2, s5;
	s10 =	ssub.f32 $1.500000000e+00, s25  }
0x69: {  	s7 =	spop (v2sf);
	s26 =	smul.f32 s23, s17  }
0x6a: {  	s5 =	spop (v2sf);
	s24 =	smul.f32 s10, s1  }
0x6b: {  	s16 =	spop (v2sf);
	s11 =	smul.f32 s26, s23  }
0x6c: {  	s25 =	smul.f32 s24, s15;
	s15 =	ssub.f32 $0.0e+00, s13  }
0x6d: {  	s22 =	ssub.f32 $1.500000000e+00, s11;
	s11 =	smul.f32 s7, s18  }
0x6e: {  	s26 =	smul.f32 s16, s15  }
0x6f: {  	s21 =	smul.f32 s7, s15  }
0x70: {  	s14 =	ssub.f32 s28, s14;
	s1 =	smul.f32 s22, s23  }
0x71: {  	s22 =	ssub.f32 $0.0e+00, s9;
	s23 =	smul.f32 s6, s18  }
0x72: {  	s9 =	ssub.f32 $0.0e+00, s3;
	s3 =	smul.f32 s4, s3  }
0x73: {  	s28 =	smul.f32 s5, s22;
	s13 =	sadd.f32 s26, s23  }
0x74: {  	s12 =	ssub.f32 s14, s12;
	s17 =	smul.f32 s1, s17  }
0x75: {  	s23 =	smul.f32 s5, s15;
	s31 =	sadd.f32 s13, s28  }
0x76: {  	s10 =	smul.f32 s7, s9;
	s13 =	ssub.f32 s12, s0  }
0x77: {  	s12 =	smul.f32 s5, s18;
	s14 =	ssub.f32 s11, s23  }
0x78: {  	s23 =	smul.f32 s16, s22;
	s31 =	ssub.f32 s31, s10  }
0x79: {  	s26 =	smul.f32 s6, s22;
	s0 =	sadd.f32 s21, s12  }
0x7a: {  	s28 =	smul.f32 s6, s9;
	s14 =	sadd.f32 s14, s23  }
0x7b: {  	s11 =	smul.f32 s18, s2;
	s12 =	ssub.f32 s0, s26  }
0x7c: {  	s10 =	smul.f32 s16, s9;
	s21 =	sand.u32 $0x7FFFFFFF, s13;
	s28 =	sadd.f32 s14, s28  }
0x7d: {  	s0 =	smax.f32 s25, s21;
	s2 =	smul.f32 s31, s31  }
0x7e: {  	s26 =	sadd.f32 s12, s10;
	s12 =	smul.f32 s17, s1  }
0x7f: {  	s17 =	smax.f32 s0, $1.000000000e-30;
	s10 =	smul.f32 s28, s28  }
0x80: {  	s8 =	ssub.f32 s11, s8;
	s14 =	smul.f32 $5.000000000e-01, s17  }
0x81: {  	s17 =	sshrl.u32 s17, $0x1;
	s0 =	sadd.f32 s10, s2;
	s11 =	smul.f32 s26, s26  }
0x82: {  	s6 =	smul.f32 s6, s15;
	s4 =	ssub.s32 $0x5F3759DF, s17;
	s12 =	ssub.f32 $1.500000000e+00, s12  }
0x83: {  	s17 =	smul.f32 s4, s14;
	s10 =	sadd.f32 s0, s11  }
0x84: {  	s8 =	ssub.f32 s8, s19;
	s12 =	smul.f32 s12, s1  }
0x85: {  	s2 =	smul.f32 s4, s17;
	s11 =	smax.f32 s10, $9.999999680e-21  }
0x86: {  	s19 =	ssub.f32 s8, s3;
	s23 =	sshrl.u32 s11, $0x1;
	s8 =	smul.f32 $5.000000000e-01, s11  }
0x87: {  	s20 =	smul.f32 s12, s20;
	s1 =	ssub.f32 $1.500000000e+00, s2;
	s17 =	ssub.s32 $0x5F3759DF, s23  }
0x88: {  	s0 =	smul.f32 s17, s8  }
0x89: {  	s11 =	sand.u32 $0x7FFFFFFF, s19;
	s1 =	smul.f32 s4, s1  }
0x8a: {  	s2 =	smax.f32 s20, s11;
	s4 =	smul.f32 s17, s0  }
0x8b: {  	s5 =	smul.f32 s5, s9;
	s23 =	smax.f32 s2, $1.000000000e-30  }
0x8c: {  	s2 =	sshrl.u32 s23, $0x1;
	s23 =	smul.f32 $5.000000000e-01, s23;
	s4 =	ssub.f32 $1.500000000e+00, s4  }
0x8d: {  	s3 =	smul.f32 s1, s14  }
0x8e: {  	s4 =	smul.f32 s17, s4  }
0x8f: {  	s3 =	smul.f32 s3, s1  }
0x90: {  	s2 =	ssub.s32 $0x5F3759DF, s2;
	s17 =	smul.f32 s4, s8  }
0x91: {  	s0 =	smul.f32 s2, s23  }
0x92: {  	s3 =	ssub.f32 $1.500000000e+00, s3;
	s17 =	smul.f32 s17, s4  }
0x93: {  	s0 =	smul.f32 s2, s0  }
0x94: {  	s1 =	smul.f32 s3, s1;
	s3 =	ssub.f32 $1.500000000e+00, s17  }
0x95: {  	s16 =	smul.f32 s16, s18;
	s0 =	ssub.f32 $1.500000000e+00, s0  }
0x96: {  	s3 =	smul.f32 s3, s4  }
0x97: {  	s0 =	smul.f32 s2, s0  }
0x98: {  	s18 =	smul.f32 s3, s8  }
0x99: {  	s17 =	smul.f32 s7, s22  }
0x9a: {  	s7 =	smul.f32 s18, s3  }
0x9b: {  	s2 =	ssub.f32 s16, s6;
	s22 =	smul.f32 s1, s14  }
0x9c: {  	s14 =	smul.f32 s0, s23;
	s7 =	ssub.f32 $1.500000000e+00, s7  }
0x9d: {  	s9 =	smul.f32 s22, s1;
	s2 =	ssub.f32 s2, s17  }
0x9e: {  	s18 =	smul.f32 s7, s3  }
0x9f: {  	s16 =	smul.f32 s14, s0;
	s4 =	ssub.f32 s2, s5  }
0xa0: {  	s15 =	ssub.f32 $1.500000000e+00, s9;
	s5 =	smul.f32 s18, s10  }
0xa1: {  	s17 =	ssub.f32 $1.500000000e+00, s16;
	s6 =	sand.u32 $0x7FFFFFFF, s4  }
0xa2: {  	s1 =	smul.f32 s15, s1;
	s8 =	smax.f32 s5, s6  }
0xa3: {  	s0 =	smul.f32 s17, s0;
	s2 =	smax.f32 s8, $1.000000000e-30  }
0xa4: {  	s22 =	smin.f32 s25, s21;
	s9 =	sshrl.u32 s2, $0x1;
	s2 =	smul.f32 $5.000000000e-01, s2  }
0xa5: {  	s3 =	smul.f32 s1, s22;
	s7 =	ssub.s32 $0x5F3759DF, s9  }
0xa6: {  	s14 =	smul.f32 s7, s2  }
0xa7: {  	s1 =	smul.f32 s3, s1  }
0xa8: {  	s9 =	smul.f32 s7, s14  }
0xa9: {  	s10 =	smul.f32 s0, s23  }
0xaa: {  	s22 =	smul.f32 s1, s1;
	s15 =	ssub.f32 $1.500000000e+00, s9  }
0xab: {  	s8 =	smul.f32 s10, s0  }
0xac: {  	s3 =	smul.f32 s7, s15  }
0xad: {  	s23 =	smul.f32 $1.172120030e-02, s22;
	s8 =	ssub.f32 $1.500000000e+00, s8  }
0xae: {  	s17 =	smul.f32 s3, s2  }
0xaf: {  	s0 =	smul.f32 s8, s0  }
0xb0: {  	s16 =	smin.f32 s20, s11;
	s8 =	smul.f32 s17, s3  }
0xb1: {  	s7 =	smul.f32 s0, s16  }
0xb2: {  	v25 =	vld [tilespmem:$0x300];
	s8 =	ssub.f32 $1.500000000e+00, s8  }
0xb3: {  	s10 =	ssub.f32 $5.265332010e-02, s23;
	s0 =	smul.f32 s7, s0  }
0xb4: {  	s3 =	smul.f32 s8, s3  }
0xb5: {  	s7 =	smul.f32 s10, s22  }
0xb6: {  	s2 =	smul.f32 s3, s2  }
0xb7: {  	(v2sf) =	vpush v25, $0x7;
	s8 =	smul.f32 s0, s0  }
0xb8: {  	s2 =	smul.f32 s2, s3  }
0xb9: {  	s7 =	sadd.f32 $-1.164328680e-01, s7;
	s14 =	smul.f32 $1.172120030e-02, s8  }
0xba: {  	s2 =	ssub.f32 $1.500000000e+00, s2  }
0xbb: {  	s7 =	smul.f32 s7, s22;
	s10 =	ssub.f32 $5.265332010e-02, s14  }
0xbc: {  	s17 =	smin.f32 s5, s6;
	s2 =	smul.f32 s2, s3  }
0xbd: {  	s15 =	sadd.f32 $1.935434640e-01, s7;
	s16 =	smul.f32 s10, s8  }
0xbe: {  	s10 =	smul.f32 s2, s17  }
0xbf: {  	s3 =	smul.f32 s15, s22;
	s7 =	sadd.f32 $-1.164328680e-01, s16  }
0xc0: {  	p0 =	sgt.f32 s25, s21;
	s2 =	smul.f32 s10, s2  }
0xc1: {  	s3 =	sadd.f32 $-3.326234820e-01, s3;
	s7 =	smul.f32 s7, s8  }
0xc2: {  	(v2sf) =	vpush v25, $0x8;
	s15 =	rddreg [dreg:$0xc];
	s10 =	smul.f32 s2, s2  }
0xc3: {  	(v2sf) =	vpush v25, $0x9;
	s3 =	smul.f32 s3, s22;
	s7 =	sadd.f32 $1.935434640e-01, s7  }
0xc4: {  	(v2sf) =	vpush v25, $0xA;
	s16 =	rddreg [dreg:$0xd];
	s22 =	smul.f32 $1.172120030e-02, s10  }
0xc5: {  	s3 =	sadd.f32 $9.999772310e-01, s3;
	s7 =	smul.f32 s7, s8  }
0xc6: {  	s21 =	spop (v2sf);
	s9 =	ssub.f32 $5.265332010e-02, s22  }
0xc7: {  	s1 =	smul.f32 s3, s1;
	s23 =	sadd.f32 $-3.326234820e-01, s7  }
0xc8: {  	s17 =	rddreg [dreg:$0xe];
	s14 =	smul.f32 s9, s10  }
0xc9: {  	(v2sf) =	vpush v25, $0xB;
	s3 =	smul.f32 s23, s8;
	s9 =	ssub.f32 $1.570796370e+00, s1  }
0xca: {  	v39 =	vld [tilespmem:$0x380];
	(v2sf) =	vpush v25, $0xC;
	s25 =	smul.f32 s12, s29;
	s7 =	sadd.f32 $-1.164328680e-01, s14  }
0xcb: {  	(v2sf) =	vpush v25, $0xD;
	s3 =	sadd.f32 $9.999772310e-01, s3;
	s1 =	smov.u32 @p0 s9;
	s9 =	smul.f32 s24, s15  }
0xcc: {  	(v2sf) =	vpush v25, $0xE;
	p0 =	slt.f32 s13, $0.0e+00;
	s7 =	smul.f32 s7, s10  }
0xcd: {  	s13 =	smul.f32 s24, s16;
	s8 =	ssub.f32 $3.141592740e+00, s1  }
0xce: {  	(v2sf) =	vpush v25, $0xF;
	s0 =	smul.f32 s3, s0;
	s7 =	sadd.f32 $1.935434640e-01, s7  }
0xcf: {  	(v2sf) =	vpush v39, $0x0;
	s14 =	smul.f32 s24, s17;
	s1 =	smov.u32 @p0 s8;
	p0 =	sgt.f32 s20, s11  }
0xd0: {  	s8 =	ssub.f32 $1.570796370e+00, s0;
	s7 =	smul.f32 s7, s10  }
0xd1: {  	s24 =	rddreg [dreg:$0xf];
	s11 =	spop (v2sf)  }
0xd2: {  	s0 =	smov.u32 @p0 s8;
	s8 =	spop (v2sf);
	s7 =	sadd.f32 $-3.326234820e-01, s7  }
0xd3: {  	(v2sf) =	vpush v39, $0x1;
	v46 =	vmov s25;
	s16 =	smul.f32 s12, s24;
	s22 =	spop (v2sf)  }
0xd4: {  	[tilespmem:$0x1FEE0] =	vst v46;
	v41 =	vmov s9;
	s3 =	ssub.f32 s22, s21;
	s7 =	smul.f32 s7, s10  }
0xd5: {  	v42 =	vmov s13;
	(v2sf) =	vpush v39, $0x2;
	[tilespmem:$0x1FE90] =	vst v41;
	p0 =	slt.f32 s19, $0.0e+00;
	s10 =	ssub.f32 $3.141592740e+00, s0  }
0xd6: {  	s12 =	smul.f32 s12, s30;
	v43 =	vmov s14;
	[tilespmem:$0x1FEA0] =	vst v42;
	s7 =	sadd.f32 $9.999772310e-01, s7  }
0xd7: {  	[tilespmem:$0x1FEB0] =	vst v43;
	v45 =	vmov s16;
	s21 =	smul.f32 s18, s31;
	s0 =	smov.u32 @p0 s10;
	p0 =	sgt.f32 s5, s6  }
0xd8: {  	v47 =	vmov s12;
	[tilespmem:$0x1FED0] =	vst v45;
	s2 =	smul.f32 s7, s2;
	s7 =	spop (v2sf)  }
0xd9: {  	v40 =	vmov s1;
	[tilespmem:$0x1FEF0] =	vst v47;
	s10 =	spop (v2sf);
	s24 =	ssub.f32 s7, s11  }
0xda: {  	[tilespmem:$0x1FE80] =	vst v40;
	v49 =	vmov s21;
	s5 =	ssub.f32 $1.570796370e+00, s2;
	s23 =	spop (v2sf)  }
0xdb: {  	v52 =	vmov s3;
	[tilespmem:$0x1FF10] =	vst v49;
	s29 =	spop (v2sf);
	s15 =	ssub.f32 s23, s22  }
0xdc: {  	[tilespmem:$0x1FF40] =	vst v52;
	v44 =	vmov s0;
	s22 =	smul.f32 s18, s28;
	s2 =	smov.u32 @p0 s5;
	p0 =	slt.f32 s4, $0.0e+00  }
0xdd: {  	[tilespmem:$0x1FEC0] =	vst v44;
	v55 =	vmov s24;
	s19 =	spop (v2sf);
	s4 =	ssub.f32 $3.141592740e+00, s2  }
0xde: {  	[tilespmem:$0x1FF70] =	vst v55;
	s20 =	spop (v2sf);
	v50 =	vmov s22  }
0xdf: {  	v53 =	vmov s15;
	[tilespmem:$0x1FF20] =	vst v50;
	s2 =	smov.u32 @p0 s4;
	s4 =	ssub.f32 s20, s23;
	s23 =	smul.f32 s18, s26  }
0xe0: {  	[tilespmem:$0x1FF50] =	vst v53;
	v48 =	vmov s2  }
0xe1: {  	s26 =	ssub.f32 s29, s7;
	[tilespmem:$0x1FF00] =	vst v48;
	v51 =	vmov s23  }
0xe2: {  	s25 =	spop (v2sf);
	v54 =	vmov s4;
	[tilespmem:$0x1FF30] =	vst v51  }
0xe3: {  	s1 =	ssub.f32 s25, s29;
	v56 =	vmov s26;
	[tilespmem:$0x1FF60] =	vst v54  }
0xe4: {  	s31 =	simm.s32 $0x2;
	s28 =	spop (v2sf);
	[tilespmem:$0x1FF80] =	vst v56  }
0xe5: {  	v58 =	vbroadcast v25, $0x7;
	v57 =	vmov s1;
	_ =	swait.ge [sflag:s31], $0x200  }
0xe6: {  	v59 =	vbroadcast v25, $0x8;
	s29 =	ssub.f32 s10, s8;
	[tilespmem:$0x1FF90] =	vst v57  }
0xe7: {  	[tilespmem:$0x1FFA0] =	vst v58  }
0xe8: {  	v61 =	vbroadcast v25, $0x9;
	s30 =	ssub.f32 s19, s10;
	v60 =	vmov s29;
	[tilespmem:$0x1FFB0] =	vst v59  }
0xe9: {  	s0 =	ssub.f32 s28, s19;
	[tilespmem:$0x1FFC0] =	vst v60  }
0xea: {  	v62 =	vmov s30;
	[tilespmem:$0x1FFD0] =	vst v61  }
0xeb: {  	v17 =	vbroadcast v0, $0x7;
	v18 =	vbroadcast v0, $0x4;
	s24 =	simm.s32 $0xFFFFFF80;
	v63 =	vmov s0;
	[sflag:s31] =	ssyncset.done $0x0;
	[tilespmem:$0x1FFE0] =	vst v62  }
0xec: {  	v20 =	vbroadcast v0, $0x5;
	v21 =	vbroadcast v0, $0x6;
	s25 =	simm.s32 $0x5C0;
	s26 =	simm.s32 $0x40;
	[tilespmem:$0x1FFF0] =	vst v63;
	[sflag:s31] =	ssyncadd.s32 $0xFFFFFE00  }
.LBB2_2:
0xed: {  	v0 =	vld [tilespmem:s26+$0xFFFFFFC0];
	_ =	sdelay $0x4  }
0xee: {  	v0 =	vadd.f32 $2.000000000e+00, v0;
	_ =	sdelay $0x1  }
0xef: {  	v28 =	vmul.f32 v0, v0;
	v29 =	vmul.f32 $3.000000000e+00, v0;
	_ =	sdelay $0x1  }
0xf0: {  	v30 =	vadd.f32 $5.000000000e+00, v29;
	v31 =	vmul.f32 $3.000000000e+00, v28;
	_ =	sdelay $0x1  }
0xf1: {  	v28 =	vmul.f32 v28, v0;
	v52 =	vsub.f32 v30, v31  }
0xf2: {  	v15 =	vld [tilespmem:$0x1FE80]  }
0xf3: {  	v0 =	vadd.f32 v52, v28;
	_ =	sdelay $0x1  }
0xf4: {  	v0 =	vmul.f32 $1.666666720e-01, v0;
	_ =	sdelay $0x1  }
0xf5: {  	v53 =	vmul.f32 v0, v15;
	_ =	sdelay $0x1  }
0xf6: {  	v30 =	vmul.f32 $6.250000000e-02, v53;
	_ =	sdelay $0x1  }
0xf7: {  	v32 =	vmul.f32 v30, v30;
	_ =	sdelay $0x1  }
0xf8: {  	v33 =	vmul.f32 $1.984127010e-04, v32;
	v34 =	vmul.f32 $2.480158760e-05, v32;
	_ =	sdelay $0x1  }
0xf9: {  	v33 =	vsub.f32 $8.333333770e-03, v33;
	v34 =	vadd.f32 $-1.388888920e-03, v34;
	_ =	sdelay $0x1  }
0xfa: {  	v33 =	vmul.f32 v33, v32;
	v34 =	vmul.f32 v34, v32;
	_ =	sdelay $0x1  }
0xfb: {  	v33 =	vadd.f32 $-1.666666720e-01, v33;
	v34 =	vadd.f32 $4.166666790e-02, v34  }
0xfc: {  	v29 =	vadd.f32 $1.000000000e+00, v29  }
0xfd: {  	v33 =	vmul.f32 v33, v32;
	v34 =	vmul.f32 v34, v32  }
0xfe: {  	v29 =	vadd.f32 v31, v29;
	v54 =	vadd.f32 v28, v28  }
0xff: {  	v61 =	vld [tilespmem:$0x1FEC0];
	v33 =	vadd.f32 $1.000000000e+00, v33;
	v34 =	vadd.f32 $-5.000000000e-01, v34  }
0x100: {  	v29 =	vsub.f32 v29, v54  }
0x101: {  	v55 =	vmul.f32 v33, v30;
	v32 =	vmul.f32 v34, v32  }
0x102: {  	v30 =	vmul.f32 $1.666666720e-01, v29  }
0x103: {  	v56 =	vadd.f32 $1.000000000e+00, v32;
	v57 =	vadd.f32 v55, v55  }
0x104: {  	v58 =	vmul.f32 v30, v61  }
0x105: {  	v29 =	vmul.f32 v56, v57;
	v31 =	vmul.f32 v57, v55  }
0x106: {  	v59 =	vmul.f32 $6.250000000e-02, v58  }
0x107: {  	v31 =	vsub.f32 $1.000000000e+00, v31;
	v60 =	vadd.f32 v29, v29  }
0x108: {  	v62 =	vmul.f32 v59, v59  }
0x109: {  	v31 =	vmul.f32 v31, v60;
	v29 =	vmul.f32 v60, v29  }
0x10a: {  	v63 =	vmul.f32 $1.984127010e-04, v62;
	v35 =	vmul.f32 $2.480158760e-05, v62  }
0x10b: {  	v29 =	vsub.f32 $1.000000000e+00, v29;
	v36 =	vadd.f32 v31, v31  }
0x10c: {  	v13 =	vld [tilespmem:$0x1FE90];
	v33 =	vsub.f32 $8.333333770e-03, v63;
	v35 =	vadd.f32 $-1.388888920e-03, v35  }
0x10d: {  	v12 =	vld [tilespmem:$0x1FEA0];
	v29 =	vmul.f32 v29, v36;
	v31 =	vmul.f32 v36, v31  }
0x10e: {  	v14 =	vld [tilespmem:$0x1FF00];
	v33 =	vmul.f32 v33, v62;
	v35 =	vmul.f32 v35, v62  }
0x10f: {  	v11 =	vld [tilespmem:$0x1FEB0];
	v36 =	vsub.f32 $1.000000000e+00, v31;
	v37 =	vadd.f32 v29, v29  }
0x110: {  	v31 =	vmul.f32 $1.666666720e-01, v28;
	v1 =	vadd.f32 $-1.666666720e-01, v33;
	v2 =	vadd.f32 $4.166666790e-02, v35  }
0x111: {  	v3 =	vmul.f32 v36, v37;
	v29 =	vmul.f32 v37, v29  }
0x112: {  	v28 =	vmul.f32 v1, v62;
	v33 =	vmul.f32 v2, v62  }
0x113: {  	v10 =	vmul.f32 v31, v14;
	v36 =	vmul.f32 v3, v13  }
0x114: {  	v29 =	vsub.f32 $1.000000000e+00, v29;
	v4 =	vmul.f32 v3, v12;
	v28 =	vadd.f32 $1.000000000e+00, v28  }
0x115: {  	v35 =	vmul.f32 v3, v11;
	v33 =	vadd.f32 $-5.000000000e-01, v33;
	v38 =	vmul.f32 v36, v17  }
0x116: {  	v39 =	vmul.f32 v29, v18;
	v28 =	vmul.f32 v28, v59  }
0x117: {  	v5 =	vmul.f32 v33, v62;
	v6 =	vmul.f32 v35, v20  }
0x118: {  	v7 =	vmul.f32 v4, v21;
	v40 =	vmul.f32 v4, v17  }
0x119: {  	v8 =	vmul.f32 v35, v18;
	v42 =	vmul.f32 v29, v20  }
0x11a: {  	v9 =	vmul.f32 v36, v21;
	v43 =	vmul.f32 v29, v17  }
0x11b: {  	v24 =	vmul.f32 v36, v18;
	v32 =	vadd.f32 $1.000000000e+00, v5;
	v41 =	vadd.f32 v28, v28  }
0x11c: {  	v25 =	vmul.f32 v35, v17;
	v48 =	vmul.f32 v4, v20  }
0x11d: {  	v32 =	vmul.f32 v32, v41;
	v28 =	vmul.f32 v41, v28  }
0x11e: {  	v37 =	vmul.f32 v4, v18;
	v41 =	vmul.f32 $6.250000000e-02, v10  }
0x11f: {  	v35 =	vmul.f32 v35, v21;
	v28 =	vsub.f32 $1.000000000e+00, v28;
	v44 =	vadd.f32 v32, v32  }
0x120: {  	v38 =	vadd.f32 v39, v38;
	v39 =	vsub.f32 v40, v8;
	v26 =	vmul.f32 v41, v41  }
0x121: {  	v63 =	vld [tilespmem:s26+$0xFFFFFFD0];
	v34 =	vsub.f32 v43, v24;
	v28 =	vmul.f32 v28, v44;
	v32 =	vmul.f32 v44, v32  }
0x122: {  	v37 =	vadd.f32 v37, v25;
	v33 =	vadd.f32 v38, v6;
	v49 =	vmul.f32 $1.984127010e-04, v26  }
0x123: {  	v47 =	vmul.f32 $2.480158760e-05, v26;
	v32 =	vsub.f32 $1.000000000e+00, v32;
	v46 =	vadd.f32 v28, v28  }
0x124: {  	v54 =	vmul.f32 v36, v20;
	v39 =	vadd.f32 v39, v42;
	v42 =	vsub.f32 $8.333333770e-03, v49  }
0x125: {  	v50 =	vadd.f32 $-1.388888920e-03, v47;
	v32 =	vmul.f32 v32, v46;
	v28 =	vmul.f32 v46, v28  }
0x126: {  	v34 =	vsub.f32 v34, v48;
	v52 =	vmul.f32 v42, v26;
	v46 =	vadd.f32 $2.000000000e+00, v63  }
0x127: {  	v4 =	vld [tilespmem:$0x1FED0];
	v53 =	vmul.f32 v50, v26;
	v28 =	vsub.f32 $1.000000000e+00, v28;
	v51 =	vadd.f32 v32, v32  }
0x128: {  	v3 =	vld [tilespmem:$0x1FEF0];
	v29 =	vmul.f32 v29, v21;
	v33 =	vsub.f32 v33, v7;
	v55 =	vadd.f32 $-1.666666720e-01, v52  }
0x129: {  	v2 =	vld [tilespmem:$0x1FEE0];
	v56 =	vadd.f32 $4.166666790e-02, v53;
	v25 =	vmul.f32 v46, v46;
	v28 =	vmul.f32 v28, v51  }
0x12a: {  	v34 =	vsub.f32 v34, v35;
	v32 =	vmul.f32 v51, v32;
	v36 =	vmul.f32 v55, v26  }
0x12b: {  	v38 =	vadd.f32 v39, v9;
	v59 =	vmul.f32 v56, v26;
	v50 =	vmul.f32 $3.000000000e+00, v25  }
0x12c: {  	v35 =	vsub.f32 v37, v54;
	v40 =	vmul.f32 v25, v46;
	v57 =	vmul.f32 v28, v4  }
0x12d: {  	v32 =	vsub.f32 $1.000000000e+00, v32;
	v58 =	vmul.f32 v28, v3;
	v36 =	vadd.f32 $1.000000000e+00, v36  }
0x12e: {  	v39 =	vadd.f32 $-5.000000000e-01, v59;
	v28 =	vmul.f32 v28, v2;
	v60 =	vmul.f32 v34, v57  }
0x12f: {  	v29 =	vadd.f32 v35, v29;
	v62 =	vmul.f32 v33, v32;
	v1 =	vmul.f32 v38, v58  }
0x130: {  	v5 =	vmul.f32 v36, v41;
	v6 =	vmul.f32 v39, v26  }
0x131: {  	v7 =	vmul.f32 v29, v28;
	v9 =	vmul.f32 v34, v28  }
0x132: {  	v10 =	vmul.f32 v33, v58;
	v41 =	vmul.f32 $3.000000000e+00, v46  }
0x133: {  	v26 =	vmul.f32 v38, v32;
	v36 =	vadd.f32 $1.000000000e+00, v6;
	v8 =	vadd.f32 v5, v5  }
0x134: {  	v48 =	vmul.f32 v29, v57;
	v52 =	vmul.f32 v34, v58;
	v49 =	vadd.f32 $5.000000000e+00, v41  }
0x135: {  	v36 =	vmul.f32 v36, v8;
	v35 =	vmul.f32 v8, v5  }
0x136: {  	v54 =	vmul.f32 v33, v28;
	v34 =	vmul.f32 v34, v32;
	v53 =	vsub.f32 v49, v50  }
0x137: {  	v33 =	vmul.f32 v33, v57;
	v35 =	vsub.f32 $1.000000000e+00, v35;
	v27 =	vadd.f32 v36, v36  }
0x138: {  	v56 =	vmul.f32 v38, v28;
	v38 =	vmul.f32 v38, v57;
	v46 =	vadd.f32 v53, v40  }
0x139: {  	v37 =	vadd.f32 v62, v60;
	v35 =	vmul.f32 v35, v27;
	v36 =	vmul.f32 v27, v36  }
0x13a: {  	v24 =	vsub.f32 v9, v10;
	v43 =	vadd.f32 v54, v52;
	v28 =	vmul.f32 $1.666666720e-01, v46  }
0x13b: {  	v58 =	vmul.f32 v29, v58;
	v36 =	vsub.f32 $1.000000000e+00, v36;
	v55 =	vadd.f32 v35, v35  }
0x13c: {  	v19 =	vld [tilespmem:$0x1FF40];
	v33 =	vsub.f32 v34, v33;
	v37 =	vadd.f32 v37, v1;
	v59 =	vmul.f32 v28, v15  }
0x13d: {  	v10 =	vld [tilespmem:$0x1FF10];
	v39 =	vadd.f32 v24, v26;
	v36 =	vmul.f32 v36, v55;
	v35 =	vmul.f32 v55, v35  }
0x13e: {  	v38 =	vsub.f32 v43, v38;
	v24 =	vld [tilespmem:$0x1FF30];
	v37 =	vsub.f32 v37, v7;
	v60 =	vmul.f32 $6.250000000e-02, v59  }
0x13f: {  	v29 =	vmul.f32 v29, v32;
	v7 =	vld [tilespmem:$0x1FF20];
	v35 =	vsub.f32 $1.000000000e+00, v35;
	v57 =	vadd.f32 v36, v36  }
0x140: {  	v33 =	vsub.f32 v33, v56;
	v5 =	vmul.f32 v60, v60  }
0x141: {  	v29 =	vadd.f32 v38, v29;
	v38 =	vmul.f32 v0, v19;
	v35 =	vmul.f32 v35, v57  }
0x142: {  	v32 =	vsub.f32 v33, v58;
	v36 =	vmul.f32 v57, v36;
	v9 =	vmul.f32 $1.984127010e-04, v5  }
0x143: {  	v39 =	vadd.f32 v39, v48;
	v25 =	vmul.f32 $2.480158760e-05, v5;
	v63 =	vmul.f32 v35, v10  }
0x144: {  	v62 =	vsub.f32 $1.000000000e+00, v36;
	v1 =	vmul.f32 v35, v7;
	v35 =	vmul.f32 v35, v24  }
0x145: {  	v46 =	vsub.f32 $8.333333770e-03, v9;
	v47 =	vadd.f32 $-1.388888920e-03, v25;
	v6 =	vmul.f32 v32, v63  }
0x146: {  	v8 =	vmul.f32 v37, v62;
	v48 =	vmul.f32 v39, v35  }
0x147: {  	v46 =	vmul.f32 v46, v5;
	v47 =	vmul.f32 v47, v5  }
0x148: {  	v41 =	vadd.f32 $1.000000000e+00, v41;
	v49 =	vmul.f32 v29, v1;
	v51 =	vmul.f32 v32, v1  }
0x149: {  	v52 =	vmul.f32 v37, v35;
	v46 =	vadd.f32 $-1.666666720e-01, v46;
	v47 =	vadd.f32 $4.166666790e-02, v47  }
0x14a: {  	v53 =	vmul.f32 v39, v62;
	v54 =	vmul.f32 v29, v63  }
0x14b: {  	v26 =	vadd.f32 v50, v41;
	v46 =	vmul.f32 v46, v5;
	v47 =	vmul.f32 v47, v5  }
0x14c: {  	v27 =	vadd.f32 v40, v40;
	v55 =	vmul.f32 v32, v35;
	v56 =	vmul.f32 v37, v1  }
0x14d: {  	v57 =	vmul.f32 v39, v63;
	v45 =	vadd.f32 $1.000000000e+00, v46;
	v46 =	vadd.f32 $-5.000000000e-01, v47  }
0x14e: {  	v58 =	vmul.f32 v29, v62;
	v39 =	vmul.f32 v39, v1;
	v1 =	vld [tilespmem:$0x1FF60];
	v47 =	vsub.f32 v26, v27  }
0x14f: {  	v33 =	vmul.f32 v45, v60;
	v50 =	vmul.f32 v46, v5;
	v60 =	vadd.f32 v8, v6;
	v6 =	vld [tilespmem:$0x1FF50]  }
0x150: {  	v42 =	vmul.f32 v29, v35;
	v29 =	vmul.f32 $1.666666720e-01, v47;
	v45 =	vld [tilespmem:$0x1FF70]  }
0x151: {  	v59 =	vmul.f32 v32, v62;
	v8 =	vld [tilespmem:$0x1FF80];
	v62 =	vadd.f32 $1.000000000e+00, v50;
	v36 =	vadd.f32 v33, v33  }
0x152: {  	v22 =	vld [tilespmem:$0x1FFC0];
	v37 =	vmul.f32 v37, v63;
	v5 =	vsub.f32 v51, v52;
	v63 =	vmul.f32 v29, v61  }
0x153: {  	v32 =	vmul.f32 v31, v1;
	v44 =	vadd.f32 v60, v48;
	v35 =	vmul.f32 v62, v36  }
0x154: {  	v33 =	vmul.f32 v36, v33;
	v43 =	vmul.f32 $6.250000000e-02, v63;
	v36 =	vadd.f32 v5, v53  }
0x155: {  	v5 =	vld [tilespmem:$0x1FF90];
	v16 =	vsub.f32 v44, v49;
	v41 =	vmul.f32 v30, v6;
	v46 =	vmul.f32 v0, v45  }
0x156: {  	v23 =	vld [tilespmem:$0x1FFE0];
	v34 =	vmul.f32 v30, v8;
	v25 =	vsub.f32 $1.000000000e+00, v33;
	v26 =	vadd.f32 v35, v35  }
0x157: {  	v50 =	vmul.f32 v43, v43;
	[tilespmem:$0x1FC90] =	vst v16;
	v16 =	vadd.f32 v36, v54;
	v36 =	vmul.f32 v0, v22  }
0x158: {  	v27 =	vmul.f32 v25, v26;
	v35 =	vmul.f32 v26, v35  }
0x159: {  	v52 =	vmul.f32 $1.984127010e-04, v50;
	v53 =	vmul.f32 $2.480158760e-05, v50;
	v26 =	vld [tilespmem:$0x1FFF0]  }
0x15a: {  	v33 =	vmul.f32 v31, v5;
	v54 =	vsub.f32 $1.000000000e+00, v35;
	v60 =	vadd.f32 v27, v27  }
0x15b: {  	v35 =	vmul.f32 v30, v23;
	v62 =	vsub.f32 $8.333333770e-03, v52;
	v63 =	vadd.f32 $-1.388888920e-03, v53  }
0x15c: {  	v0 =	vmul.f32 v54, v60;
	v44 =	vmul.f32 v60, v27  }
0x15d: {  	v9 =	vadd.f32 v56, v55;
	v54 =	vmul.f32 v62, v50;
	v47 =	vmul.f32 v63, v50  }
0x15e: {  	v37 =	vsub.f32 v59, v37;
	v30 =	vmul.f32 v31, v26;
	v31 =	vmul.f32 $1.666666720e-01, v40  }
0x15f: {  	v44 =	vsub.f32 $1.000000000e+00, v44;
	v55 =	vadd.f32 v0, v0  }
0x160: {  	v56 =	vadd.f32 $-1.666666720e-01, v54;
	v47 =	vadd.f32 $4.166666790e-02, v47;
	v25 =	vmul.f32 v31, v14  }
0x161: {  	v37 =	vsub.f32 v37, v39;
	v44 =	vmul.f32 v44, v55;
	v0 =	vmul.f32 v55, v0  }
0x162: {  	v48 =	vsub.f32 v9, v57;
	v59 =	vmul.f32 v56, v50;
	v60 =	vmul.f32 v47, v50  }
0x163: {  	v0 =	vsub.f32 $1.000000000e+00, v0;
	v47 =	vmul.f32 v44, v13;
	v49 =	vmul.f32 v44, v12  }
0x164: {  	v44 =	vmul.f32 v44, v11;
	v39 =	vadd.f32 $1.000000000e+00, v59;
	v40 =	vadd.f32 $-5.000000000e-01, v60  }
0x165: {  	v62 =	vmul.f32 v47, v17;
	v63 =	vmul.f32 v0, v18  }
0x166: {  	[tilespmem:$0x1FCA0] =	vst v16;
	v16 =	vadd.f32 v48, v58;
	v27 =	vld [tilespmem:$0x1FFA0];
	v9 =	vmul.f32 v39, v43;
	v56 =	vmul.f32 v40, v50  }
0x167: {  	v57 =	vmul.f32 v44, v20;
	v58 =	vmul.f32 v49, v21  }
0x168: {  	[tilespmem:$0x1FCB0] =	vst v16;
	v16 =	vsub.f32 v37, v42;
	v59 =	vmul.f32 v49, v17;
	v50 =	vmul.f32 v44, v17  }
0x169: {  	v51 =	vmul.f32 v49, v18;
	v49 =	vmul.f32 v49, v20;
	v60 =	vadd.f32 v9, v9  }
0x16a: {  	v39 =	vadd.f32 $1.000000000e+00, v56;
	v48 =	vadd.f32 v63, v62;
	v62 =	vmul.f32 v44, v18  }
0x16b: {  	v38 =	vadd.f32 v38, v27;
	v63 =	vmul.f32 v0, v20;
	v37 =	vmul.f32 v60, v9  }
0x16c: {  	v44 =	vmul.f32 v44, v21;
	v39 =	vmul.f32 v39, v60;
	v43 =	vsub.f32 v59, v62  }
0x16d: {  	v40 =	vadd.f32 v48, v57;
	v48 =	vmul.f32 $6.250000000e-02, v25;
	v37 =	vsub.f32 $1.000000000e+00, v37  }
0x16e: {  	v9 =	vmul.f32 v47, v21;
	v56 =	vadd.f32 v39, v39;
	v57 =	vadd.f32 v43, v63  }
0x16f: {  	v38 =	vadd.f32 v38, v41;
	v59 =	vmul.f32 v47, v18;
	v52 =	vmul.f32 v48, v48  }
0x170: {  	v37 =	vmul.f32 v37, v56;
	v39 =	vmul.f32 v56, v39;
	v41 =	vadd.f32 v57, v9;
	v57 =	vld [tilespmem:s26+$0xFFFFFFE0]  }
0x171: {  	v50 =	vadd.f32 v51, v50;
	v47 =	vmul.f32 v47, v20;
	v62 =	vmul.f32 $1.984127010e-04, v52  }
0x172: {  	v63 =	vmul.f32 $2.480158760e-05, v52;
	v39 =	vsub.f32 $1.000000000e+00, v39;
	v60 =	vadd.f32 v37, v37  }
0x173: {  	v40 =	vsub.f32 v40, v58;
	v58 =	vmul.f32 v0, v17;
	v42 =	vsub.f32 $8.333333770e-03, v62  }
0x174: {  	v9 =	vadd.f32 $-1.388888920e-03, v63;
	v39 =	vmul.f32 v39, v60;
	v37 =	vmul.f32 v60, v37  }
0x175: {  	v43 =	vsub.f32 v58, v59;
	v42 =	vmul.f32 v42, v52;
	v51 =	vadd.f32 $2.000000000e+00, v57  }
0x176: {  	v55 =	vmul.f32 v9, v52;
	v37 =	vsub.f32 $1.000000000e+00, v37;
	v25 =	vadd.f32 v39, v39  }
0x177: {  	v0 =	vmul.f32 v0, v21;
	v43 =	vsub.f32 v43, v49;
	v42 =	vadd.f32 $-1.666666720e-01, v42  }
0x178: {  	v56 =	vadd.f32 $4.166666790e-02, v55;
	v57 =	vmul.f32 $3.000000000e+00, v51;
	v37 =	vmul.f32 v37, v25  }
0x179: {  	v47 =	vsub.f32 v50, v47;
	v39 =	vmul.f32 v25, v39;
	v42 =	vmul.f32 v42, v52  }
0x17a: {  	v43 =	vsub.f32 v43, v44;
	v49 =	vmul.f32 v56, v52;
	v56 =	vmul.f32 v51, v51  }
0x17b: {  	v44 =	vmul.f32 v37, v4;
	v39 =	vsub.f32 $1.000000000e+00, v39;
	v50 =	vmul.f32 v37, v3  }
0x17c: {  	v42 =	vadd.f32 $1.000000000e+00, v42;
	v37 =	vmul.f32 v37, v2;
	v54 =	vmul.f32 $3.000000000e+00, v56  }
0x17d: {  	v49 =	vadd.f32 $-5.000000000e-01, v49;
	v51 =	vmul.f32 v56, v51;
	v58 =	vmul.f32 v43, v44  }
0x17e: {  	v47 =	vadd.f32 v47, v0;
	v59 =	vmul.f32 v40, v39;
	v0 =	vmul.f32 v41, v50  }
0x17f: {  	v42 =	vmul.f32 v42, v48;
	v60 =	vmul.f32 v49, v52  }
0x180: {  	v49 =	vmul.f32 v47, v37;
	v62 =	vmul.f32 v43, v37  }
0x181: {  	v63 =	vmul.f32 v40, v50;
	v48 =	vadd.f32 $1.000000000e+00, v60;
	v9 =	vadd.f32 v42, v42  }
0x182: {  	v55 =	vmul.f32 v43, v50;
	v53 =	vadd.f32 v59, v58;
	v60 =	vadd.f32 $5.000000000e+00, v57  }
0x183: {  	v52 =	vsub.f32 v62, v63;
	v48 =	vmul.f32 v48, v9;
	v42 =	vmul.f32 v9, v42  }
0x184: {  	v43 =	vmul.f32 v43, v39;
	v0 =	vadd.f32 v53, v0;
	v53 =	vsub.f32 v60, v54  }
0x185: {  	v62 =	vmul.f32 v41, v39;
	v42 =	vsub.f32 $1.000000000e+00, v42;
	v63 =	vadd.f32 v48, v48  }
0x186: {  	v25 =	vld [tilespmem:$0x1FFB0];
	v39 =	vmul.f32 v47, v39;
	v9 =	vmul.f32 v47, v44;
	v53 =	vadd.f32 v53, v51  }
0x187: {  	v52 =	vadd.f32 v52, v62;
	v42 =	vmul.f32 v42, v63;
	v48 =	vmul.f32 v63, v48  }
0x188: {  	v60 =	vmul.f32 v40, v37;
	v49 =	vsub.f32 v0, v49;
	v0 =	vmul.f32 $1.666666720e-01, v53  }
0x189: {  	v40 =	vmul.f32 v40, v44;
	v48 =	vsub.f32 $1.000000000e+00, v48;
	v62 =	vadd.f32 v42, v42  }
0x18a: {  	[tilespmem:$0x1FCC0] =	vst v16;
	v16 =	vadd.f32 v38, v32;
	v44 =	vmul.f32 v41, v44;
	v63 =	vmul.f32 v0, v15  }
0x18b: {  	v46 =	vadd.f32 v46, v25;
	v48 =	vmul.f32 v48, v62;
	v42 =	vmul.f32 v62, v42  }
0x18c: {  	v52 =	vadd.f32 v52, v9;
	v40 =	vsub.f32 v43, v40;
	v43 =	vmul.f32 $6.250000000e-02, v63  }
0x18d: {  	v37 =	vmul.f32 v41, v37;
	v9 =	vsub.f32 $1.000000000e+00, v42;
	v58 =	vadd.f32 v48, v48  }
0x18e: {  	v59 =	vadd.f32 v60, v55;
	v60 =	vmul.f32 v47, v50;
	v47 =	vmul.f32 v43, v43  }
0x18f: {  	v34 =	vadd.f32 v46, v34;
	v37 =	vsub.f32 v40, v37;
	v41 =	vmul.f32 v9, v58  }
0x190: {  	v44 =	vsub.f32 v59, v44;
	v42 =	vmul.f32 v58, v48;
	v62 =	vmul.f32 $1.984127010e-04, v47  }
0x191: {  	v37 =	vsub.f32 v37, v60;
	v63 =	vmul.f32 $2.480158760e-05, v47;
	v40 =	vmul.f32 v41, v10  }
0x192: {  	v48 =	vmul.f32 v41, v7;
	v42 =	vsub.f32 $1.000000000e+00, v42;
	v41 =	vmul.f32 v41, v24  }
0x193: {  	v39 =	vadd.f32 v44, v39;
	v50 =	vsub.f32 $8.333333770e-03, v62;
	v44 =	vmul.f32 v37, v40  }
0x194: {  	v53 =	vadd.f32 $-1.388888920e-03, v63;
	v62 =	vld [tilespmem:$0x1FFD0];
	v55 =	vmul.f32 v49, v42;
	v32 =	vmul.f32 v52, v41  }
0x195: {  	v57 =	vadd.f32 $1.000000000e+00, v57;
	v38 =	vmul.f32 v39, v48;
	v46 =	vmul.f32 v50, v47  }
0x196: {  	v33 =	vadd.f32 v34, v33;
	v9 =	vmul.f32 v53, v47;
	v53 =	vmul.f32 v37, v48  }
0x197: {  	v57 =	vadd.f32 v54, v57;
	v56 =	vmul.f32 v49, v41;
	v58 =	vmul.f32 v52, v42  }
0x198: {  	[tilespmem:$0x1FCE0] =	vst v33;
	v33 =	vmul.f32 v39, v40;
	v34 =	vmul.f32 v37, v41;
	v46 =	vadd.f32 $-1.666666720e-01, v46  }
0x199: {  	v59 =	vmul.f32 v52, v40;
	v50 =	vadd.f32 $4.166666790e-02, v9;
	v36 =	vadd.f32 v36, v62  }
0x19a: {  	v63 =	vadd.f32 v51, v51;
	v60 =	vmul.f32 v39, v42;
	v37 =	vmul.f32 v37, v42  }
0x19b: {  	v9 =	vmul.f32 v50, v47;
	v35 =	vadd.f32 v36, v35;
	v36 =	vmul.f32 v46, v47  }
0x19c: {  	v40 =	vmul.f32 v49, v40;
	v42 =	vsub.f32 v57, v63;
	v44 =	vadd.f32 v55, v44  }
0x19d: {  	v39 =	vmul.f32 v39, v41;
	v46 =	vadd.f32 $-5.000000000e-01, v9;
	v36 =	vadd.f32 $1.000000000e+00, v36  }
0x19e: {  	v50 =	vmul.f32 v49, v48;
	v32 =	vadd.f32 v44, v32;
	v30 =	vadd.f32 v35, v30  }
0x19f: {  	v9 =	vmul.f32 v46, v47;
	v36 =	vmul.f32 v36, v43  }
0x1a0: {  	v32 =	vsub.f32 v32, v38;
	v38 =	vmul.f32 v28, v45;
	[tilespmem:$0x1FCF0] =	vst v30;
	v30 =	vmul.f32 $1.666666720e-01, v42  }
0x1a1: {  	v46 =	vmul.f32 v52, v48;
	v52 =	vadd.f32 $1.000000000e+00, v9;
	v54 =	vadd.f32 v36, v36  }
0x1a2: {  	v55 =	vsub.f32 v53, v56;
	v35 =	vmul.f32 v28, v19;
	v56 =	vmul.f32 v30, v61  }
0x1a3: {  	v41 =	vmul.f32 v52, v54;
	v36 =	vmul.f32 v54, v36  }
0x1a4: {  	v47 =	vmul.f32 v31, v1;
	v44 =	vmul.f32 $6.250000000e-02, v56  }
0x1a5: {  	v48 =	vmul.f32 v29, v8;
	v36 =	vsub.f32 $1.000000000e+00, v36;
	v57 =	vadd.f32 v41, v41  }
0x1a6: {  	v37 =	vsub.f32 v37, v40;
	[tilespmem:$0x1FD00] =	vst v32;
	v32 =	vmul.f32 v31, v5;
	v49 =	vmul.f32 v44, v44  }
0x1a7: {  	v34 =	vadd.f32 v50, v34;
	v36 =	vmul.f32 v36, v57;
	v41 =	vmul.f32 v57, v41  }
0x1a8: {  	v38 =	vadd.f32 v38, v25;
	v42 =	vadd.f32 v55, v58;
	v9 =	vmul.f32 $1.984127010e-04, v49  }
0x1a9: {  	v56 =	vmul.f32 $2.480158760e-05, v49;
	v41 =	vsub.f32 $1.000000000e+00, v41;
	v63 =	vadd.f32 v36, v36  }
0x1aa: {  	v31 =	vmul.f32 v31, v26;
	v33 =	vadd.f32 v42, v33;
	v58 =	vsub.f32 $8.333333770e-03, v9  }
0x1ab: {  	v42 =	vadd.f32 $-1.388888920e-03, v56;
	v41 =	vmul.f32 v41, v63;
	v36 =	vmul.f32 v63, v36  }
0x1ac: {  	v43 =	vmul.f32 v29, v6;
	v57 =	vsub.f32 v34, v59;
	v52 =	vmul.f32 v58, v49  }
0x1ad: {  	v42 =	vmul.f32 v42, v49;
	v59 =	vsub.f32 $1.000000000e+00, v36;
	v63 =	vadd.f32 v41, v41  }
0x1ae: {  	[tilespmem:$0x1FD10] =	vst v33;
	v33 =	vmul.f32 v29, v23;
	v34 =	vmul.f32 v28, v22;
	v53 =	vadd.f32 $-1.666666720e-01, v52  }
0x1af: {  	v42 =	vadd.f32 $4.166666790e-02, v42;
	v29 =	vmul.f32 v59, v63;
	v36 =	vmul.f32 v63, v41  }
0x1b0: {  	v37 =	vsub.f32 v37, v46;
	v28 =	vmul.f32 $1.666666720e-01, v51;
	v40 =	vmul.f32 v53, v49  }
0x1b1: {  	v42 =	vmul.f32 v42, v49;
	v41 =	vmul.f32 v29, v13;
	v36 =	vsub.f32 $1.000000000e+00, v36  }
0x1b2: {  	v46 =	vmul.f32 v29, v12;
	v29 =	vmul.f32 v29, v11;
	v40 =	vadd.f32 $1.000000000e+00, v40  }
0x1b3: {  	v42 =	vadd.f32 $-5.000000000e-01, v42;
	v54 =	vmul.f32 v41, v17;
	v55 =	vmul.f32 v36, v18  }
0x1b4: {  	v9 =	vadd.f32 v57, v60;
	v56 =	vmul.f32 v29, v20;
	v57 =	vmul.f32 v40, v44  }
0x1b5: {  	v35 =	vadd.f32 v35, v27;
	v58 =	vmul.f32 v42, v49;
	v59 =	vmul.f32 v46, v21  }
0x1b6: {  	v38 =	vadd.f32 v38, v48;
	v60 =	vmul.f32 v46, v17;
	v63 =	vmul.f32 v29, v18  }
0x1b7: {  	v35 =	vadd.f32 v35, v43;
	[tilespmem:$0x1FD20] =	vst v9;
	v9 =	vmul.f32 v36, v20;
	v50 =	vmul.f32 v29, v17  }
0x1b8: {  	v37 =	vsub.f32 v37, v39;
	v48 =	vmul.f32 v46, v18;
	v46 =	vmul.f32 v46, v20  }
0x1b9: {  	v29 =	vmul.f32 v29, v21;
	v39 =	vadd.f32 $1.000000000e+00, v58;
	v44 =	vadd.f32 v57, v57  }
0x1ba: {  	v43 =	vadd.f32 v55, v54;
	v55 =	vmul.f32 v28, v14;
	v40 =	vsub.f32 v60, v63  }
0x1bb: {  	v35 =	vadd.f32 v35, v47;
	[tilespmem:$0x1FD30] =	vst v37;
	v39 =	vmul.f32 v39, v44;
	v37 =	vmul.f32 v44, v57  }
0x1bc: {  	v43 =	vadd.f32 v43, v56;
	v49 =	vmul.f32 $6.250000000e-02, v55;
	v40 =	vadd.f32 v40, v9  }
0x1bd: {  	v63 =	vmul.f32 v41, v18;
	v37 =	vsub.f32 $1.000000000e+00, v37;
	v56 =	vadd.f32 v39, v39  }
0x1be: {  	[tilespmem:$0x1FD40] =	vst v35;
	v52 =	vmul.f32 v49, v49;
	v35 =	vsub.f32 v43, v59;
	v59 =	vmul.f32 v36, v17  }
0x1bf: {  	v55 =	vadd.f32 v48, v50;
	v37 =	vmul.f32 v37, v56;
	v39 =	vmul.f32 v56, v39;
	v56 =	vld [tilespmem:s26+$0xFFFFFFF0]  }
0x1c0: {  	v57 =	vmul.f32 $1.984127010e-04, v52;
	v58 =	vmul.f32 $2.480158760e-05, v52;
	v9 =	vsub.f32 v59, v63  }
0x1c1: {  	v44 =	vmul.f32 v41, v21;
	v39 =	vsub.f32 $1.000000000e+00, v39;
	v60 =	vadd.f32 v37, v37  }
0x1c2: {  	v41 =	vmul.f32 v41, v20;
	v42 =	vsub.f32 $8.333333770e-03, v57;
	v43 =	vadd.f32 $-1.388888920e-03, v58  }
0x1c3: {  	v46 =	vsub.f32 v9, v46;
	v39 =	vmul.f32 v39, v60;
	v37 =	vmul.f32 v60, v37  }
0x1c4: {  	v42 =	vmul.f32 v42, v52;
	v43 =	vmul.f32 v43, v52;
	v48 =	vadd.f32 $2.000000000e+00, v56  }
0x1c5: {  	v36 =	vmul.f32 v36, v21;
	v37 =	vsub.f32 $1.000000000e+00, v37;
	v54 =	vadd.f32 v39, v39  }
0x1c6: {  	v42 =	vadd.f32 $-1.666666720e-01, v42;
	v43 =	vadd.f32 $4.166666790e-02, v43;
	v9 =	vmul.f32 v48, v48  }
0x1c7: {  	v40 =	vadd.f32 v40, v44;
	v37 =	vmul.f32 v37, v54;
	v39 =	vmul.f32 v54, v39  }
0x1c8: {  	v41 =	vsub.f32 v55, v41;
	v42 =	vmul.f32 v42, v52;
	v43 =	vmul.f32 v43, v52  }
0x1c9: {  	v29 =	vsub.f32 v46, v29;
	v55 =	vmul.f32 $3.000000000e+00, v9;
	v46 =	vmul.f32 v37, v4  }
0x1ca: {  	v42 =	vadd.f32 $1.000000000e+00, v42;
	v43 =	vadd.f32 $-5.000000000e-01, v43;
	v47 =	vmul.f32 v37, v2  }
0x1cb: {  	v39 =	vsub.f32 $1.000000000e+00, v39;
	v37 =	vmul.f32 v37, v3;
	v57 =	vmul.f32 v29, v46  }
0x1cc: {  	v42 =	vmul.f32 v42, v49;
	v43 =	vmul.f32 v43, v52  }
0x1cd: {  	v36 =	vadd.f32 v41, v36;
	v58 =	vmul.f32 v35, v39;
	v59 =	vmul.f32 v40, v37  }
0x1ce: {  	v60 =	vmul.f32 v29, v47;
	v43 =	vadd.f32 $1.000000000e+00, v43;
	v49 =	vadd.f32 v42, v42  }
0x1cf: {  	v53 =	vmul.f32 v36, v47;
	v51 =	vmul.f32 v40, v39  }
0x1d0: {  	v63 =	vmul.f32 v43, v49;
	v42 =	vmul.f32 v49, v42  }
0x1d1: {  	v52 =	vmul.f32 v36, v46;
	v44 =	vadd.f32 v58, v57;
	v49 =	vmul.f32 $3.000000000e+00, v48  }
0x1d2: {  	v56 =	vmul.f32 v29, v37;
	v42 =	vsub.f32 $1.000000000e+00, v42;
	v58 =	vadd.f32 v63, v63  }
0x1d3: {  	v57 =	vmul.f32 v35, v37;
	v43 =	vadd.f32 v44, v59;
	v59 =	vadd.f32 $5.000000000e+00, v49  }
0x1d4: {  	v42 =	vmul.f32 v42, v58;
	v41 =	vmul.f32 v58, v63  }
0x1d5: {  	v50 =	vsub.f32 v60, v57;
	v44 =	vmul.f32 v9, v48;
	v60 =	vsub.f32 v59, v55  }
0x1d6: {  	v37 =	vmul.f32 v36, v37;
	v41 =	vsub.f32 $1.000000000e+00, v41;
	v63 =	vadd.f32 v42, v42  }
0x1d7: {  	v36 =	vmul.f32 v36, v39;
	v9 =	vmul.f32 v29, v39;
	v58 =	vadd.f32 v60, v44  }
0x1d8: {  	v32 =	vadd.f32 v38, v32;
	v59 =	vmul.f32 v35, v46;
	v41 =	vmul.f32 v41, v63  }
0x1d9: {  	v43 =	vsub.f32 v43, v53;
	v42 =	vmul.f32 v63, v42;
	v29 =	vmul.f32 $1.666666720e-01, v58  }
0x1da: {  	v35 =	vmul.f32 v35, v47;
	v47 =	vmul.f32 v40, v47;
	v48 =	vsub.f32 v9, v59  }
0x1db: {  	v42 =	vsub.f32 $1.000000000e+00, v42;
	v60 =	vadd.f32 v41, v41;
	v63 =	vmul.f32 v29, v15  }
0x1dc: {  	v50 =	vadd.f32 v50, v51;
	v40 =	vmul.f32 v40, v46;
	v35 =	vadd.f32 v35, v56  }
0x1dd: {  	v57 =	vsub.f32 v48, v47;
	v42 =	vmul.f32 v42, v60;
	v47 =	vmul.f32 $6.250000000e-02, v63  }
0x1de: {  	v35 =	vsub.f32 v35, v40;
	v48 =	vadd.f32 v50, v52;
	v58 =	vmul.f32 v60, v41  }
0x1df: {  	v37 =	vsub.f32 v57, v37;
	v40 =	vmul.f32 v42, v10;
	v41 =	vmul.f32 v47, v47  }
0x1e0: {  	v39 =	vsub.f32 $1.000000000e+00, v58;
	v46 =	vmul.f32 v42, v7;
	v42 =	vmul.f32 v42, v24  }
0x1e1: {  	[tilespmem:$0x1FCD0] =	vst v16;
	v35 =	vadd.f32 v35, v36;
	v59 =	vmul.f32 $1.984127010e-04, v41;
	v60 =	vmul.f32 $2.480158760e-05, v41  }
0x1e2: {  	v16 =	vmovc v24;
	v34 =	vadd.f32 v34, v62;
	v63 =	vmul.f32 v37, v40;
	v24 =	vmul.f32 v43, v39  }
0x1e3: {  	v49 =	vadd.f32 $1.000000000e+00, v49;
	v53 =	vmul.f32 v48, v42;
	v54 =	vmul.f32 v35, v46  }
0x1e4: {  	v33 =	vadd.f32 v34, v33;
	v56 =	vmul.f32 v37, v46;
	v34 =	vmul.f32 v43, v42  }
0x1e5: {  	v49 =	vadd.f32 v55, v49;
	v57 =	vmul.f32 v37, v42;
	v52 =	vmul.f32 v48, v40  }
0x1e6: {  	v37 =	vmul.f32 v37, v39;
	v50 =	vsub.f32 $8.333333770e-03, v59;
	v51 =	vadd.f32 $-1.388888920e-03, v60  }
0x1e7: {  	v60 =	vmul.f32 v48, v39;
	v36 =	vadd.f32 v24, v63;
	v63 =	vadd.f32 v44, v44  }
0x1e8: {  	v31 =	vadd.f32 v33, v31;
	v58 =	vmul.f32 v50, v41;
	v59 =	vmul.f32 v51, v41  }
0x1e9: {  	v51 =	vmul.f32 v35, v40;
	v24 =	vsub.f32 v49, v63;
	v50 =	vmul.f32 v0, v22  }
0x1ea: {  	[tilespmem:$0x1FD50] =	vst v32;
	v32 =	vadd.f32 $-1.666666720e-01, v58;
	v38 =	vadd.f32 $4.166666790e-02, v59;
	v58 =	vmul.f32 v43, v46  }
0x1eb: {  	[tilespmem:$0x1FD60] =	vst v31;
	v59 =	vmul.f32 v35, v39;
	v31 =	vmul.f32 $1.666666720e-01, v24  }
0x1ec: {  	v32 =	vmul.f32 v32, v41;
	v38 =	vmul.f32 v38, v41  }
0x1ed: {  	v34 =	vsub.f32 v56, v34;
	v39 =	vmul.f32 v43, v40;
	v56 =	vmul.f32 v31, v61  }
0x1ee: {  	v35 =	vmul.f32 v35, v42;
	v32 =	vadd.f32 $1.000000000e+00, v32;
	v38 =	vadd.f32 $-5.000000000e-01, v38  }
0x1ef: {  	v36 =	vadd.f32 v36, v53;
	v42 =	vmul.f32 v28, v1;
	v40 =	vmul.f32 $6.250000000e-02, v56  }
0x1f0: {  	v34 =	vadd.f32 v34, v60;
	v32 =	vmul.f32 v32, v47;
	v49 =	vmul.f32 v38, v41  }
0x1f1: {  	v36 =	vsub.f32 v36, v54;
	v38 =	vmul.f32 v48, v46;
	v46 =	vmul.f32 v40, v40  }
0x1f2: {  	v43 =	vmul.f32 v30, v8;
	v33 =	vadd.f32 $1.000000000e+00, v49;
	v55 =	vadd.f32 v32, v32  }
0x1f3: {  	v34 =	vadd.f32 v34, v51;
	[tilespmem:$0x1FD70] =	vst v36;
	v36 =	vmul.f32 v30, v6;
	v54 =	vmul.f32 $1.984127010e-04, v46  }
0x1f4: {  	v63 =	vadd.f32 v58, v57;
	v33 =	vmul.f32 v33, v55;
	v32 =	vmul.f32 v55, v32  }
0x1f5: {  	v53 =	vsub.f32 v37, v39;
	v55 =	vmul.f32 $2.480158760e-05, v46;
	v37 =	vsub.f32 $8.333333770e-03, v54  }
0x1f6: {  	[tilespmem:$0x1FD80] =	vst v34;
	v34 =	vmul.f32 v0, v45;
	v32 =	vsub.f32 $1.000000000e+00, v32;
	v60 =	vadd.f32 v33, v33  }
0x1f7: {  	v41 =	vmul.f32 v0, v19;
	v39 =	vadd.f32 $-1.388888920e-03, v55;
	v37 =	vmul.f32 v37, v46  }
0x1f8: {  	v47 =	vsub.f32 v63, v52;
	v24 =	vmul.f32 v32, v60;
	v51 =	vmul.f32 v60, v33  }
0x1f9: {  	v38 =	vsub.f32 v53, v38;
	v39 =	vmul.f32 v39, v46;
	v37 =	vadd.f32 $-1.666666720e-01, v37  }
0x1fa: {  	v0 =	vmul.f32 $1.666666720e-01, v44;
	v56 =	vsub.f32 $1.000000000e+00, v51;
	v57 =	vadd.f32 v24, v24  }
0x1fb: {  	v63 =	vadd.f32 v47, v59;
	v39 =	vadd.f32 $4.166666790e-02, v39;
	v52 =	vmul.f32 v37, v46  }
0x1fc: {  	v54 =	vadd.f32 v41, v27;
	v49 =	vmul.f32 v56, v57;
	v48 =	vmul.f32 v57, v24  }
0x1fd: {  	v51 =	vsub.f32 v38, v35;
	v53 =	vmul.f32 v39, v46;
	v35 =	vadd.f32 $1.000000000e+00, v52  }
0x1fe: {  	v32 =	vmul.f32 v28, v5;
	v58 =	vsub.f32 $1.000000000e+00, v48;
	v60 =	vadd.f32 v49, v49  }
0x1ff: {  	v33 =	vmul.f32 v30, v23;
	v37 =	vadd.f32 $-5.000000000e-01, v53;
	v35 =	vmul.f32 v35, v40  }
0x200: {  	v36 =	vadd.f32 v54, v36;
	v24 =	vmul.f32 v58, v60;
	v55 =	vmul.f32 v60, v49  }
0x201: {  	v30 =	vmul.f32 v28, v26;
	v37 =	vmul.f32 v37, v46;
	v59 =	vadd.f32 v35, v35  }
0x202: {  	v41 =	vmul.f32 v24, v13;
	v39 =	vsub.f32 $1.000000000e+00, v55;
	v44 =	vmul.f32 v24, v12  }
0x203: {  	v36 =	vadd.f32 v36, v42;
	v28 =	vmul.f32 v24, v11;
	v35 =	vmul.f32 v59, v35  }
0x204: {  	v37 =	vadd.f32 $1.000000000e+00, v37;
	v56 =	vmul.f32 v41, v17;
	v57 =	vmul.f32 v39, v18  }
0x205: {  	v34 =	vadd.f32 v34, v25;
	[tilespmem:$0x1FDB0] =	vst v36;
	v58 =	vmul.f32 v28, v20;
	v36 =	vmul.f32 v44, v21  }
0x206: {  	[tilespmem:$0x1FD90] =	vst v63;
	v63 =	vmul.f32 v44, v17;
	v37 =	vmul.f32 v37, v59  }
0x207: {  	v34 =	vadd.f32 v34, v43;
	v60 =	vmovc v11;
	v11 =	vmul.f32 v28, v18;
	v24 =	vmul.f32 v39, v20  }
0x208: {  	v48 =	vmul.f32 v41, v21;
	v35 =	vsub.f32 $1.000000000e+00, v35;
	v59 =	vmul.f32 v39, v17  }
0x209: {  	v54 =	vmul.f32 v41, v20;
	v39 =	vmul.f32 v39, v21;
	v46 =	vadd.f32 v37, v37  }
0x20a: {  	v38 =	vadd.f32 v57, v56;
	v56 =	vmul.f32 v28, v17;
	v57 =	vmul.f32 v0, v14  }
0x20b: {  	v40 =	vsub.f32 v63, v11;
	v11 =	vmul.f32 v41, v18;
	v35 =	vmul.f32 v35, v46  }
0x20c: {  	v38 =	vadd.f32 v38, v58;
	v37 =	vmul.f32 v46, v37;
	v47 =	vmul.f32 $6.250000000e-02, v57;
	v57 =	vld [tilespmem:s26+$0x0]  }
0x20d: {  	v58 =	vmul.f32 v44, v18;
	v44 =	vmul.f32 v44, v20;
	v63 =	vadd.f32 v35, v35  }
0x20e: {  	v36 =	vsub.f32 v38, v36;
	v53 =	vmul.f32 v47, v47;
	v38 =	vsub.f32 v59, v11  }
0x20f: {  	v40 =	vadd.f32 v40, v24;
	v37 =	vsub.f32 $1.000000000e+00, v37;
	v35 =	vmul.f32 v63, v35  }
0x210: {  	v9 =	vmovc v15;
	v15 =	vmovc v14;
	v14 =	vmul.f32 $1.984127010e-04, v53;
	v24 =	vmul.f32 $2.480158760e-05, v53;
	v38 =	vsub.f32 v38, v44  }
0x211: {  	v37 =	vmul.f32 v37, v63;
	v44 =	vadd.f32 $2.000000000e+00, v57;
	v35 =	vsub.f32 $1.000000000e+00, v35  }
0x212: {  	v28 =	vmul.f32 v28, v21;
	v43 =	vsub.f32 $8.333333770e-03, v14;
	v49 =	vadd.f32 $-1.388888920e-03, v24  }
0x213: {  	[tilespmem:$0x1FDA0] =	vst v51;
	v46 =	vadd.f32 v37, v37;
	v24 =	vmul.f32 v44, v44;
	v51 =	vmul.f32 $3.000000000e+00, v44  }
0x214: {  	v42 =	vadd.f32 v58, v56;
	v43 =	vmul.f32 v43, v53;
	v52 =	vmul.f32 v49, v53  }
0x215: {  	v40 =	vadd.f32 v40, v48;
	v35 =	vmul.f32 v35, v46;
	v37 =	vmul.f32 v46, v37  }
0x216: {  	v44 =	vmul.f32 v24, v44;
	v55 =	vadd.f32 $-1.666666720e-01, v43;
	v56 =	vadd.f32 $4.166666790e-02, v52  }
0x217: {  	v38 =	vsub.f32 v38, v28;
	v49 =	vmul.f32 v35, v4;
	v43 =	vmul.f32 v35, v2  }
0x218: {  	v37 =	vsub.f32 $1.000000000e+00, v37;
	v41 =	vmul.f32 v55, v53;
	v63 =	vmul.f32 v56, v53  }
0x219: {  	v28 =	vsub.f32 v42, v54;
	v35 =	vmul.f32 v35, v3;
	v58 =	vmul.f32 v38, v49  }
0x21a: {  	v59 =	vmul.f32 v36, v37;
	v41 =	vadd.f32 $1.000000000e+00, v41;
	v42 =	vadd.f32 $-5.000000000e-01, v63  }
0x21b: {  	v39 =	vadd.f32 v28, v39;
	v11 =	vmul.f32 v40, v35;
	v52 =	vmul.f32 v38, v43  }
0x21c: {  	v28 =	vmul.f32 v41, v47;
	v14 =	vmul.f32 v42, v53  }
0x21d: {  	v46 =	vmul.f32 v36, v35;
	v54 =	vmul.f32 v39, v43;
	v48 =	vadd.f32 v59, v58  }
0x21e: {  	v56 =	vmul.f32 $3.000000000e+00, v24;
	v41 =	vadd.f32 $1.000000000e+00, v14;
	v63 =	vadd.f32 v28, v28  }
0x21f: {  	v57 =	vmul.f32 v38, v35;
	v42 =	vadd.f32 v48, v11;
	v11 =	vadd.f32 $5.000000000e+00, v51  }
0x220: {  	v41 =	vmul.f32 v41, v63;
	v28 =	vmul.f32 v63, v28  }
0x221: {  	v38 =	vmul.f32 v38, v37;
	v35 =	vmul.f32 v39, v35;
	v14 =	vsub.f32 v11, v56  }
0x222: {  	v59 =	vmul.f32 v40, v43;
	v28 =	vsub.f32 $1.000000000e+00, v28;
	v24 =	vadd.f32 v41, v41  }
0x223: {  	v48 =	vsub.f32 v52, v46;
	v52 =	vmul.f32 v40, v37;
	v47 =	vadd.f32 v14, v44  }
0x224: {  	v11 =	vmul.f32 v28, v24;
	v41 =	vmul.f32 v24, v41  }
0x225: {  	v50 =	vadd.f32 v50, v62;
	v63 =	vmul.f32 v36, v43;
	v28 =	vmul.f32 $1.666666720e-01, v47  }
0x226: {  	v14 =	vmul.f32 v40, v49;
	v41 =	vsub.f32 $1.000000000e+00, v41;
	v24 =	vadd.f32 v11, v11  }
0x227: {  	v33 =	vadd.f32 v50, v33;
	v36 =	vmul.f32 v36, v49;
	v55 =	vmul.f32 v28, v9  }
0x228: {  	v48 =	vadd.f32 v48, v52;
	v41 =	vmul.f32 v41, v24;
	v47 =	vmul.f32 v24, v11  }
0x229: {  	v58 =	vadd.f32 v63, v57;
	v36 =	vsub.f32 v38, v36;
	v40 =	vmul.f32 $6.250000000e-02, v55  }
0x22a: {  	v53 =	vmul.f32 v39, v49;
	v63 =	vsub.f32 $1.000000000e+00, v47;
	v11 =	vadd.f32 v41, v41  }
0x22b: {  	v37 =	vmul.f32 v39, v37;
	v42 =	vsub.f32 v42, v54;
	v38 =	vmul.f32 v40, v40  }
0x22c: {  	v53 =	vadd.f32 v48, v53;
	v36 =	vsub.f32 v36, v59;
	v43 =	vmul.f32 v63, v11  }
0x22d: {  	v14 =	vsub.f32 v58, v14;
	v41 =	vmul.f32 v11, v41;
	v24 =	vmul.f32 $1.984127010e-04, v38  }
0x22e: {  	v35 =	vsub.f32 v36, v35;
	v57 =	vmul.f32 $2.480158760e-05, v38;
	v49 =	vmul.f32 v43, v10  }
0x22f: {  	v41 =	vsub.f32 $1.000000000e+00, v41;
	v52 =	vmul.f32 v43, v7;
	v36 =	vsub.f32 $8.333333770e-03, v24  }
0x230: {  	v43 =	vmul.f32 v43, v16;
	v58 =	vadd.f32 $-1.388888920e-03, v57;
	v59 =	vmul.f32 v35, v49  }
0x231: {  	v37 =	vadd.f32 v14, v37;
	v63 =	vmul.f32 v42, v41;
	v24 =	vmul.f32 v36, v38  }
0x232: {  	v51 =	vadd.f32 $1.000000000e+00, v51;
	v46 =	vmul.f32 v58, v38;
	v47 =	vmul.f32 v53, v43  }
0x233: {  	v14 =	vadd.f32 v34, v32;
	v50 =	vmul.f32 v37, v52;
	v55 =	vmul.f32 v35, v52  }
0x234: {  	v54 =	vmul.f32 v42, v43;
	v32 =	vadd.f32 $-1.666666720e-01, v24;
	v34 =	vadd.f32 $4.166666790e-02, v46  }
0x235: {  	v57 =	vmul.f32 v53, v41;
	v58 =	vmul.f32 v53, v49  }
0x236: {  	[tilespmem:$0x1FDC0] =	vst v14;
	v11 =	vadd.f32 v56, v51;
	v14 =	vmul.f32 v32, v38;
	v24 =	vmul.f32 v34, v38  }
0x237: {  	v39 =	vadd.f32 v63, v59;
	v63 =	vadd.f32 v33, v30;
	v59 =	vmul.f32 v37, v41  }
0x238: {  	v34 =	vmul.f32 v37, v49;
	v30 =	vadd.f32 $1.000000000e+00, v14;
	v32 =	vadd.f32 $-5.000000000e-01, v24  }
0x239: {  	[tilespmem:$0x1FDD0] =	vst v63;
	v46 =	vadd.f32 v39, v47;
	v47 =	vmul.f32 v35, v43;
	v63 =	vmul.f32 v42, v52  }
0x23a: {  	v54 =	vsub.f32 v55, v54;
	v30 =	vmul.f32 v30, v40;
	v32 =	vmul.f32 v32, v38  }
0x23b: {  	v35 =	vmul.f32 v35, v41;
	v52 =	vmul.f32 v53, v52;
	v14 =	vadd.f32 v44, v44  }
0x23c: {  	v24 =	vmul.f32 v42, v49;
	v32 =	vadd.f32 $1.000000000e+00, v32;
	v49 =	vadd.f32 v30, v30  }
0x23d: {  	v37 =	vmul.f32 v37, v43;
	v39 =	vmul.f32 v0, v1;
	v38 =	vsub.f32 v11, v14  }
0x23e: {  	v43 =	vmul.f32 v31, v8;
	v55 =	vmul.f32 v32, v49  }
0x23f: {  	v56 =	vadd.f32 v54, v57;
	v30 =	vmul.f32 v49, v30;
	v32 =	vmul.f32 $1.666666720e-01, v38  }
0x240: {  	v53 =	vsub.f32 v46, v50;
	v42 =	vmul.f32 v29, v19;
	v35 =	vsub.f32 v35, v24  }
0x241: {  	v46 =	vmovc v61;
	v30 =	vsub.f32 $1.000000000e+00, v30;
	v57 =	vadd.f32 v55, v55;
	v61 =	vmul.f32 v32, v61  }
0x242: {  	v36 =	vadd.f32 v63, v47;
	v63 =	vadd.f32 v56, v34;
	v56 =	vmul.f32 v29, v22  }
0x243: {  	v48 =	vmovc v6;
	v24 =	vsub.f32 v35, v52;
	v30 =	vmul.f32 v30, v57;
	v40 =	vmul.f32 $6.250000000e-02, v61  }
0x244: {  	v38 =	vmul.f32 v31, v6;
	v6 =	vmovc v1;
	v1 =	vsub.f32 v36, v58;
	v33 =	vmul.f32 v57, v55  }
0x245: {  	v36 =	vmul.f32 v29, v45;
	v11 =	vadd.f32 v30, v30;
	v55 =	vmul.f32 v40, v40  }
0x246: {  	v24 =	vsub.f32 v24, v37;
	v29 =	vmul.f32 v0, v26;
	v33 =	vsub.f32 $1.000000000e+00, v33  }
0x247: {  	v47 =	vmovc v45;
	v26 =	vadd.f32 v42, v27;
	v30 =	vmul.f32 v11, v30;
	v45 =	vmul.f32 $1.984127010e-04, v55  }
0x248: {  	v14 =	vadd.f32 v1, v59;
	v33 =	vmul.f32 v33, v11;
	v61 =	vmul.f32 $2.480158760e-05, v55  }
0x249: {  	v41 =	vmul.f32 v0, v5;
	[tilespmem:$0x1FDF0] =	vst v63;
	v30 =	vsub.f32 $1.000000000e+00, v30;
	v35 =	vsub.f32 $8.333333770e-03, v45  }
0x24a: {  	v31 =	vmul.f32 v31, v23;
	[tilespmem:$0x1FE00] =	vst v14;
	v63 =	vadd.f32 v33, v33;
	v14 =	vadd.f32 $-1.388888920e-03, v61  }
0x24b: {  	v0 =	vmul.f32 $1.666666720e-01, v44;
	v36 =	vadd.f32 v36, v25;
	v35 =	vmul.f32 v35, v55  }
0x24c: {  	v34 =	vadd.f32 v26, v38;
	v30 =	vmul.f32 v30, v63;
	v52 =	vmul.f32 v14, v55  }
0x24d: {  	v36 =	vadd.f32 v36, v43;
	v33 =	vmul.f32 v63, v33;
	v35 =	vadd.f32 $-1.666666720e-01, v35  }
0x24e: {  	v42 =	vmul.f32 v30, v13;
	v37 =	vadd.f32 $4.166666790e-02, v52;
	v44 =	vmul.f32 v30, v12  }
0x24f: {  	v33 =	vsub.f32 $1.000000000e+00, v33;
	v30 =	vmul.f32 v30, v60;
	v35 =	vmul.f32 v35, v55  }
0x250: {  	[tilespmem:$0x1FDE0] =	vst v53;
	v59 =	vadd.f32 v34, v39;
	v37 =	vmul.f32 v37, v55;
	v53 =	vmul.f32 v42, v17  }
0x251: {  	v14 =	vmovc v13;
	v13 =	vmov v12;
	v54 =	vmul.f32 v33, v18;
	v57 =	vmul.f32 v30, v20  }
0x252: {  	v12 =	vmovc v60;
	v60 =	vadd.f32 v36, v41;
	v34 =	vmul.f32 v44, v21;
	v39 =	vmul.f32 v44, v17  }
0x253: {  	v1 =	vmul.f32 v30, v18;
	v45 =	vmul.f32 v33, v20  }
0x254: {  	[tilespmem:$0x1FE30] =	vst v60;
	v41 =	vmul.f32 v42, v21;
	v60 =	vmul.f32 v0, v15;
	v35 =	vadd.f32 $1.000000000e+00, v35  }
0x255: {  	v37 =	vadd.f32 $-5.000000000e-01, v37;
	v63 =	vadd.f32 v54, v53;
	v53 =	vmul.f32 v30, v17  }
0x256: {  	v38 =	vsub.f32 v39, v1;
	v43 =	vmul.f32 $6.250000000e-02, v60;
	v1 =	vmul.f32 v42, v18  }
0x257: {  	v42 =	vmul.f32 v42, v20;
	v30 =	vmul.f32 v30, v21  }
0x258: {  	v35 =	vmul.f32 v35, v40;
	v61 =	vmul.f32 v37, v55  }
0x259: {  	[tilespmem:$0x1FE20] =	vst v59;
	v55 =	vadd.f32 v56, v62;
	v37 =	vadd.f32 v63, v57;
	v59 =	vmul.f32 v43, v43  }
0x25a: {  	v52 =	vmovc v62;
	v62 =	vmul.f32 v33, v17;
	v36 =	vadd.f32 $1.000000000e+00, v61;
	v50 =	vadd.f32 v35, v35  }
0x25b: {  	v38 =	vadd.f32 v38, v45;
	v61 =	vmul.f32 v44, v18;
	v26 =	vmul.f32 $2.480158760e-05, v59  }
0x25c: {  	v34 =	vsub.f32 v37, v34;
	v36 =	vmul.f32 v36, v50;
	v35 =	vmul.f32 v50, v35  }
0x25d: {  	v49 =	vmovc v25;
	v37 =	vsub.f32 v62, v1;
	v25 =	vmul.f32 $1.984127010e-04, v59;
	v57 =	vadd.f32 $-1.388888920e-03, v26  }
0x25e: {  	v44 =	vmul.f32 v44, v20;
	v62 =	vld [tilespmem:s26+$0x10];
	v35 =	vsub.f32 $1.000000000e+00, v35;
	v63 =	vadd.f32 v36, v36  }
0x25f: {  	v40 =	vsub.f32 $8.333333770e-03, v25;
	v39 =	vadd.f32 v61, v53;
	v50 =	vmul.f32 v57, v59  }
0x260: {  	v37 =	vsub.f32 v37, v44;
	v35 =	vmul.f32 v35, v63;
	v36 =	vmul.f32 v63, v36  }
0x261: {  	v40 =	vmul.f32 v40, v59;
	v39 =	vsub.f32 v39, v42;
	v44 =	vadd.f32 $4.166666790e-02, v50  }
0x262: {  	v11 =	vmovc v27;
	v33 =	vmul.f32 v33, v21;
	v36 =	vsub.f32 $1.000000000e+00, v36;
	v27 =	vadd.f32 v35, v35  }
0x263: {  	v42 =	vadd.f32 $2.000000000e+00, v62;
	v40 =	vadd.f32 $-1.666666720e-01, v40;
	v61 =	vmul.f32 v44, v59  }
0x264: {  	v30 =	vsub.f32 v37, v30;
	v36 =	vmul.f32 v36, v27;
	v35 =	vmul.f32 v27, v35  }
0x265: {  	v50 =	vmul.f32 v42, v42;
	v60 =	vmul.f32 v40, v59;
	v40 =	vadd.f32 $-5.000000000e-01, v61  }
0x266: {  	v58 =	vmul.f32 $3.000000000e+00, v42;
	v35 =	vsub.f32 $1.000000000e+00, v35;
	v53 =	vadd.f32 v36, v36  }
0x267: {  	v42 =	vmul.f32 v50, v42;
	v37 =	vadd.f32 $1.000000000e+00, v60;
	v25 =	vmul.f32 v40, v59  }
0x268: {  	v38 =	vadd.f32 v38, v41;
	v35 =	vmul.f32 v35, v53;
	v36 =	vmul.f32 v53, v36  }
0x269: {  	v33 =	vadd.f32 v39, v33;
	v37 =	vmul.f32 v37, v43;
	v59 =	vmul.f32 $3.000000000e+00, v50  }
0x26a: {  	v39 =	vadd.f32 $1.000000000e+00, v25;
	v36 =	vsub.f32 $1.000000000e+00, v36;
	v44 =	vmul.f32 v35, v4  }
0x26b: {  	v45 =	vadd.f32 v37, v37;
	v56 =	vmul.f32 v35, v2;
	v35 =	vmul.f32 v35, v3  }
0x26c: {  	v25 =	vadd.f32 $5.000000000e+00, v58;
	v63 =	vmul.f32 v30, v44;
	v1 =	vmul.f32 v34, v36  }
0x26d: {  	v39 =	vmul.f32 v39, v45;
	v37 =	vmul.f32 v45, v37  }
0x26e: {  	v50 =	vsub.f32 v25, v59;
	v27 =	vmul.f32 v38, v35;
	v26 =	vadd.f32 v1, v63  }
0x26f: {  	v43 =	vmul.f32 v33, v56;
	v37 =	vsub.f32 $1.000000000e+00, v37;
	v45 =	vmul.f32 v38, v36  }
0x270: {  	v25 =	vmul.f32 v30, v35;
	v40 =	vadd.f32 v26, v27;
	v27 =	vadd.f32 v39, v39  }
0x271: {  	v31 =	vadd.f32 v55, v31;
	v1 =	vmul.f32 v30, v56;
	v26 =	vmul.f32 v34, v35  }
0x272: {  	v55 =	vadd.f32 v50, v42;
	v37 =	vmul.f32 v37, v27;
	v39 =	vmul.f32 v27, v39  }
0x273: {  	v41 =	vsub.f32 v1, v26;
	v1 =	vmul.f32 v33, v44;
	v26 =	vmul.f32 v34, v56  }
0x274: {  	v27 =	vmul.f32 v30, v36;
	v39 =	vsub.f32 $1.000000000e+00, v39;
	v63 =	vadd.f32 v37, v37  }
0x275: {  	v30 =	vmul.f32 $1.666666720e-01, v55;
	v34 =	vmul.f32 v34, v44  }
0x276: {  	v44 =	vmul.f32 v38, v44;
	v41 =	vadd.f32 v41, v45;
	v39 =	vmul.f32 v39, v63  }
0x277: {  	v40 =	vsub.f32 v40, v43;
	v37 =	vmul.f32 v63, v37;
	v63 =	vmul.f32 v30, v9  }
0x278: {  	v38 =	vmul.f32 v38, v56;
	v34 =	vsub.f32 v27, v34;
	v41 =	vadd.f32 v41, v1  }
0x279: {  	v37 =	vsub.f32 $1.000000000e+00, v37;
	v1 =	vadd.f32 v39, v39;
	v43 =	vmul.f32 $6.250000000e-02, v63  }
0x27a: {  	v50 =	vmovc v9;
	v36 =	vmul.f32 v33, v36;
	v33 =	vmul.f32 v33, v35;
	v9 =	vadd.f32 v26, v25  }
0x27b: {  	v34 =	vsub.f32 v34, v38;
	v37 =	vmul.f32 v37, v1;
	v35 =	vmul.f32 v43, v43  }
0x27c: {  	v25 =	vsub.f32 v9, v44;
	v39 =	vmul.f32 v1, v39  }
0x27d: {  	v33 =	vsub.f32 v34, v33;
	v44 =	vmul.f32 v37, v10;
	v26 =	vmul.f32 $1.984127010e-04, v35  }
0x27e: {  	v27 =	vmul.f32 $2.480158760e-05, v35;
	v39 =	vsub.f32 $1.000000000e+00, v39;
	v56 =	vmul.f32 v37, v7  }
0x27f: {  	v36 =	vadd.f32 v25, v36;
	v37 =	vmul.f32 v37, v16;
	v57 =	vmul.f32 v33, v44  }
0x280: {  	v34 =	vsub.f32 $8.333333770e-03, v26;
	v45 =	vadd.f32 $-1.388888920e-03, v27;
	v55 =	vmul.f32 v40, v39  }
0x281: {  	v53 =	vmovc v7;
	v7 =	vadd.f32 v31, v29;
	v61 =	vmul.f32 v41, v37;
	v38 =	vmul.f32 v36, v56  }
0x282: {  	v25 =	vmul.f32 v34, v35;
	v26 =	vmul.f32 v45, v35  }
0x283: {  	v58 =	vadd.f32 $1.000000000e+00, v58;
	[tilespmem:$0x1FE40] =	vst v7;
	v1 =	vmul.f32 v40, v37;
	v7 =	vmul.f32 v41, v39  }
0x284: {  	v62 =	vmul.f32 v36, v44;
	v29 =	vadd.f32 $-1.666666720e-01, v25;
	v31 =	vadd.f32 $4.166666790e-02, v26  }
0x285: {  	v60 =	vmul.f32 v33, v37;
	v45 =	vadd.f32 v55, v57;
	v55 =	vmul.f32 v33, v56  }
0x286: {  	v58 =	vadd.f32 v59, v58;
	v29 =	vmul.f32 v29, v35;
	v31 =	vmul.f32 v31, v35  }
0x287: {  	v33 =	vmul.f32 v33, v39;
	v34 =	vadd.f32 v45, v61;
	v57 =	vsub.f32 v55, v1  }
0x288: {  	v25 =	vmul.f32 v40, v56;
	v29 =	vadd.f32 $1.000000000e+00, v29;
	v31 =	vadd.f32 $-5.000000000e-01, v31  }
0x289: {  	v45 =	vmul.f32 v41, v44;
	v1 =	vmul.f32 v36, v39;
	v26 =	vadd.f32 v42, v42  }
0x28a: {  	v61 =	vadd.f32 v57, v7;
	v29 =	vmul.f32 v29, v43;
	v31 =	vmul.f32 v31, v35  }
0x28b: {  	v55 =	vsub.f32 v58, v26;
	v57 =	vmul.f32 v41, v56;
	v59 =	vsub.f32 v34, v38  }
0x28c: {  	v34 =	vmul.f32 v36, v37;
	v58 =	vadd.f32 $1.000000000e+00, v31;
	v43 =	vadd.f32 v29, v29  }
0x28d: {  	v7 =	vadd.f32 v25, v60;
	v38 =	vmul.f32 v28, v19;
	v31 =	vmul.f32 $1.666666720e-01, v55  }
0x28e: {  	v61 =	vadd.f32 v61, v62;
	v62 =	vmul.f32 v58, v43;
	v29 =	vmul.f32 v43, v29  }
0x28f: {  	v41 =	vmul.f32 v32, v48;
	v37 =	vsub.f32 v7, v45;
	v39 =	vmul.f32 v31, v46  }
0x290: {  	v45 =	vmul.f32 v32, v23;
	v29 =	vsub.f32 $1.000000000e+00, v29;
	v26 =	vadd.f32 v62, v62  }
0x291: {  	v35 =	vmul.f32 v40, v44;
	v39 =	vmul.f32 $6.250000000e-02, v39  }
0x292: {  	v40 =	vmul.f32 v28, v47;
	v29 =	vmul.f32 v29, v26  }
0x293: {  	v51 =	vmovc v22;
	v38 =	vadd.f32 v38, v11;
	v36 =	vmul.f32 v26, v62;
	v43 =	vmul.f32 v39, v39  }
0x294: {  	[tilespmem:$0x1FE50] =	vst v59;
	v44 =	vmul.f32 v32, v8;
	v59 =	vadd.f32 v37, v1;
	v28 =	vmul.f32 v28, v51  }
0x295: {  	v36 =	vsub.f32 $1.000000000e+00, v36;
	v55 =	vadd.f32 v29, v29;
	v60 =	vmul.f32 $1.984127010e-04, v43  }
0x296: {  	[tilespmem:$0x1FE60] =	vst v61;
	v32 =	vmul.f32 $1.666666720e-01, v42;
	v38 =	vadd.f32 v38, v41;
	v61 =	vmul.f32 $2.480158760e-05, v43  }
0x297: {  	v63 =	vmul.f32 v36, v55;
	v29 =	vmul.f32 v55, v29;
	v1 =	vsub.f32 $8.333333770e-03, v60  }
0x298: {  	v22 =	vmovc v8;
	[tilespmem:$0x1FE10] =	vst v24;
	v33 =	vsub.f32 v33, v35;
	v35 =	vmul.f32 v0, v6;
	v7 =	vadd.f32 $-1.388888920e-03, v61  }
0x299: {  	v24 =	vmovc v15;
	v15 =	vmovc v46;
	v29 =	vsub.f32 $1.000000000e+00, v29;
	v8 =	vadd.f32 v63, v63;
	v1 =	vmul.f32 v1, v43  }
0x29a: {  	v40 =	vadd.f32 v40, v49;
	v46 =	vmovc v6;
	v33 =	vsub.f32 v33, v57;
	v6 =	vmul.f32 v0, v5  }
0x29b: {  	v36 =	vmul.f32 v7, v43;
	v29 =	vmul.f32 v29, v8;
	v1 =	vadd.f32 $-1.666666720e-01, v1  }
0x29c: {  	v40 =	vadd.f32 v40, v44;
	v62 =	vsub.f32 v33, v34;
	v33 =	vmul.f32 v8, v63  }
0x29d: {  	v36 =	vadd.f32 $4.166666790e-02, v36;
	v37 =	vmul.f32 v29, v14;
	v1 =	vmul.f32 v1, v43  }
0x29e: {  	v33 =	vsub.f32 $1.000000000e+00, v33;
	v41 =	vmul.f32 v29, v13;
	v29 =	vmul.f32 v29, v12  }
0x29f: {  	v60 =	vadd.f32 v40, v6;
	v36 =	vmul.f32 v36, v43;
	v55 =	vmul.f32 v37, v17  }
0x2a0: {  	v1 =	vadd.f32 $1.000000000e+00, v1;
	v56 =	vmul.f32 v33, v18;
	v58 =	vmul.f32 v29, v20  }
0x2a1: {  	v25 =	vmovc v5;
	v36 =	vadd.f32 $-5.000000000e-01, v36;
	v5 =	vmul.f32 v41, v17;
	v6 =	vmul.f32 v29, v18  }
0x2a2: {  	v28 =	vadd.f32 v28, v52;
	v57 =	vmovc v49;
	v8 =	vmul.f32 v33, v20;
	v49 =	vmul.f32 v37, v21  }
0x2a3: {  	v9 =	vmovc v16;
	v61 =	vadd.f32 v38, v35;
	v1 =	vmul.f32 v1, v39;
	v63 =	vmul.f32 v36, v43  }
0x2a4: {  	v16 =	vmovc v52;
	v35 =	vadd.f32 v56, v55;
	v52 =	vsub.f32 v5, v6;
	v56 =	vmul.f32 v32, v24  }
0x2a5: {  	v36 =	vmul.f32 v41, v21;
	v34 =	vadd.f32 $1.000000000e+00, v63;
	v7 =	vadd.f32 v1, v1  }
0x2a6: {  	v27 =	vmovc v19;
	v19 =	vld [tilespmem:$0x1FFF0];
	v55 =	vmul.f32 v29, v17;
	v35 =	vadd.f32 v35, v58;
	v40 =	vmul.f32 $6.250000000e-02, v56  }
0x2a7: {  	v58 =	vmul.f32 v41, v18;
	v38 =	vadd.f32 v52, v8;
	v34 =	vmul.f32 v34, v7  }
0x2a8: {  	v1 =	vmul.f32 v7, v1;
	v35 =	vsub.f32 v35, v36;
	v44 =	vmul.f32 v40, v40  }
0x2a9: {  	v6 =	vmul.f32 v37, v20;
	v36 =	vadd.f32 v38, v49;
	v39 =	vadd.f32 v58, v55  }
0x2aa: {  	v1 =	vsub.f32 $1.000000000e+00, v1;
	v5 =	vadd.f32 v34, v34;
	v49 =	vmul.f32 $1.984127010e-04, v44  }
0x2ab: {  	v0 =	vmul.f32 v0, v19;
	v52 =	vmul.f32 $2.480158760e-05, v44;
	v39 =	vsub.f32 v39, v6  }
0x2ac: {  	v6 =	vld [tilespmem:s26+$0x20];
	v1 =	vmul.f32 v1, v5;
	v34 =	vmul.f32 v5, v34;
	v55 =	vsub.f32 $8.333333770e-03, v49  }
0x2ad: {  	v37 =	vmul.f32 v37, v18;
	v7 =	vmul.f32 v33, v17;
	v56 =	vadd.f32 $-1.388888920e-03, v52  }
0x2ae: {  	v34 =	vsub.f32 $1.000000000e+00, v34;
	v8 =	vadd.f32 v1, v1;
	v38 =	vmul.f32 v55, v44  }
0x2af: {  	v29 =	vmul.f32 v29, v21;
	v37 =	vsub.f32 v7, v37;
	v42 =	vmul.f32 v56, v44  }
0x2b0: {  	v34 =	vmul.f32 v34, v8;
	v1 =	vmul.f32 v8, v1;
	v38 =	vadd.f32 $-1.666666720e-01, v38  }
0x2b1: {  	v41 =	vmul.f32 v41, v20;
	v5 =	vadd.f32 $4.166666790e-02, v42;
	v42 =	vadd.f32 $2.000000000e+00, v6  }
0x2b2: {  	v33 =	vmul.f32 v33, v21;
	v1 =	vsub.f32 $1.000000000e+00, v1;
	v58 =	vadd.f32 v34, v34  }
0x2b3: {  	v37 =	vsub.f32 v37, v41;
	v38 =	vmul.f32 v38, v44;
	v41 =	vmul.f32 v5, v44  }
0x2b4: {  	v52 =	vmul.f32 v42, v42;
	v1 =	vmul.f32 v1, v58  }
0x2b5: {  	v29 =	vsub.f32 v37, v29;
	v34 =	vmul.f32 v58, v34;
	v38 =	vadd.f32 $1.000000000e+00, v38  }
0x2b6: {  	v41 =	vadd.f32 $-5.000000000e-01, v41;
	v5 =	vmul.f32 $3.000000000e+00, v52;
	v37 =	vmul.f32 v1, v4  }
0x2b7: {  	v45 =	vadd.f32 v28, v45;
	v43 =	vmul.f32 v1, v2;
	v1 =	vmul.f32 v1, v3  }
0x2b8: {  	v34 =	vsub.f32 $1.000000000e+00, v34;
	v28 =	vmul.f32 v38, v40;
	v49 =	vmul.f32 v41, v44  }
0x2b9: {  	v33 =	vadd.f32 v39, v33;
	v41 =	vmul.f32 $3.000000000e+00, v42;
	v40 =	vmul.f32 v52, v42  }
0x2ba: {  	v7 =	vmul.f32 v29, v37;
	v8 =	vmul.f32 v35, v34  }
0x2bb: {  	v56 =	vmov v2;
	v63 =	vmul.f32 v36, v1;
	v2 =	vmul.f32 v33, v43  }
0x2bc: {  	v44 =	vmul.f32 v29, v43;
	v38 =	vadd.f32 $1.000000000e+00, v49;
	v58 =	vadd.f32 v28, v28  }
0x2bd: {  	v54 =	vmovc v3;
	v3 =	vmul.f32 v35, v1;
	v39 =	vadd.f32 v8, v7;
	v8 =	vadd.f32 $5.000000000e+00, v41  }
0x2be: {  	[tilespmem:$0x1FE70] =	vst v62;
	v38 =	vmul.f32 v38, v58;
	v28 =	vmul.f32 v58, v28  }
0x2bf: {  	v55 =	vmovc v4;
	v62 =	vmul.f32 v36, v34;
	v39 =	vadd.f32 v39, v63;
	v4 =	vsub.f32 v8, v5  }
0x2c0: {  	v42 =	vmul.f32 v33, v37;
	v28 =	vsub.f32 $1.000000000e+00, v28;
	v49 =	vadd.f32 v38, v38  }
0x2c1: {  	v6 =	vmul.f32 v29, v1;
	v52 =	vmul.f32 v35, v43;
	v4 =	vadd.f32 v4, v40  }
0x2c2: {  	v2 =	vsub.f32 v39, v2;
	v39 =	vmul.f32 v28, v49;
	v38 =	vmul.f32 v49, v38  }
0x2c3: {  	v35 =	vmul.f32 v35, v37;
	v3 =	vsub.f32 v44, v3;
	v28 =	vmul.f32 $1.666666720e-01, v4  }
0x2c4: {  	v44 =	vmul.f32 v36, v37;
	v58 =	vsub.f32 $1.000000000e+00, v38;
	v63 =	vadd.f32 v39, v39  }
0x2c5: {  	v4 =	vmul.f32 v29, v34;
	v49 =	vmul.f32 v28, v50  }
0x2c6: {  	v6 =	vadd.f32 v52, v6;
	v52 =	vmul.f32 v58, v63;
	v58 =	vmul.f32 v63, v39  }
0x2c7: {  	v3 =	vadd.f32 v3, v62;
	v62 =	vmul.f32 v36, v43;
	v4 =	vsub.f32 v4, v35  }
0x2c8: {  	v36 =	vmul.f32 $6.250000000e-02, v49;
	v29 =	vsub.f32 $1.000000000e+00, v58;
	v63 =	vadd.f32 v52, v52  }
0x2c9: {  	v1 =	vmul.f32 v33, v1;
	v34 =	vmul.f32 v33, v34  }
0x2ca: {  	v4 =	vsub.f32 v4, v62;
	v33 =	vmul.f32 v36, v36;
	v29 =	vmul.f32 v29, v63  }
0x2cb: {  	v6 =	vsub.f32 v6, v44;
	v3 =	vadd.f32 v3, v42;
	v7 =	vmul.f32 v63, v52  }
0x2cc: {  	v1 =	vsub.f32 v4, v1;
	v43 =	vmul.f32 $1.984127010e-04, v33;
	v37 =	vmul.f32 v29, v10  }
0x2cd: {  	v7 =	vsub.f32 $1.000000000e+00, v7;
	v38 =	vmul.f32 v29, v53;
	v29 =	vmul.f32 v29, v9  }
0x2ce: {  	v6 =	vadd.f32 v6, v34;
	v44 =	vmul.f32 $2.480158760e-05, v33;
	v58 =	vmul.f32 v1, v37  }
0x2cf: {  	v52 =	vmovc v9;
	v4 =	vsub.f32 $8.333333770e-03, v43;
	v62 =	vmul.f32 v2, v7;
	v9 =	vmul.f32 v3, v29  }
0x2d0: {  	v49 =	vmovc v10;
	v35 =	vadd.f32 $-1.388888920e-03, v44;
	v42 =	vmul.f32 v6, v38;
	v10 =	vmul.f32 v1, v38  }
0x2d1: {  	v44 =	vmul.f32 v1, v29;
	v1 =	vmul.f32 v1, v7  }
0x2d2: {  	v43 =	vadd.f32 $1.000000000e+00, v41;
	v4 =	vmul.f32 v4, v33;
	v63 =	vmul.f32 v35, v33  }
0x2d3: {  	v8 =	vadd.f32 v62, v58;
	v62 =	vadd.f32 v45, v0;
	v45 =	vmul.f32 v2, v29  }
0x2d4: {  	v58 =	vmul.f32 v3, v7;
	v4 =	vadd.f32 $-1.666666720e-01, v4;
	v34 =	vadd.f32 $4.166666790e-02, v63  }
0x2d5: {  	v0 =	vsub.f32 v10, v45;
	v63 =	vmul.f32 v6, v37;
	v45 =	vmul.f32 v2, v38  }
0x2d6: {  	v35 =	vadd.f32 v8, v9;
	v8 =	vmul.f32 v3, v37;
	v2 =	vmul.f32 v2, v37  }
0x2d7: {  	v5 =	vadd.f32 v5, v43;
	v3 =	vmul.f32 v3, v38;
	v4 =	vmul.f32 v4, v33  }
0x2d8: {  	v34 =	vmul.f32 v34, v33;
	v39 =	vadd.f32 v0, v58;
	v58 =	vsub.f32 v35, v42  }
0x2d9: {  	v37 =	vmul.f32 v31, v48;
	v44 =	vadd.f32 v45, v44;
	v45 =	vadd.f32 v40, v40  }
0x2da: {  	v38 =	vmul.f32 v32, v46;
	v4 =	vadd.f32 $1.000000000e+00, v4;
	v34 =	vadd.f32 $-5.000000000e-01, v34  }
0x2db: {  	v35 =	vmul.f32 v6, v7;
	v6 =	vmul.f32 v6, v29;
	v5 =	vsub.f32 v5, v45  }
0x2dc: {  	v1 =	vsub.f32 v1, v2;
	v4 =	vmul.f32 v4, v36;
	v33 =	vmul.f32 v34, v33  }
0x2dd: {  	v2 =	vmul.f32 v31, v22;
	v63 =	vadd.f32 v39, v63;
	v34 =	vmul.f32 $1.666666720e-01, v5  }
0x2de: {  	v5 =	vmul.f32 v32, v25;
	v39 =	vadd.f32 $1.000000000e+00, v33;
	v42 =	vadd.f32 v4, v4  }
0x2df: {  	v8 =	vsub.f32 v44, v8;
	v33 =	vmul.f32 v30, v27;
	v43 =	vmul.f32 v34, v15  }
0x2e0: {  	v1 =	vsub.f32 v1, v3;
	v7 =	vmul.f32 v39, v42;
	v4 =	vmul.f32 v42, v4  }
0x2e1: {  	v29 =	vadd.f32 v8, v35;
	v45 =	vadd.f32 v33, v11;
	v41 =	vmul.f32 $6.250000000e-02, v43  }
0x2e2: {  	v8 =	vmul.f32 v30, v51;
	v4 =	vsub.f32 $1.000000000e+00, v4;
	v0 =	vadd.f32 v7, v7  }
0x2e3: {  	v39 =	vmul.f32 v30, v47;
	v30 =	vsub.f32 v1, v6;
	v1 =	vmul.f32 v41, v41  }
0x2e4: {  	v10 =	vadd.f32 v45, v37;
	v4 =	vmul.f32 v4, v0;
	v7 =	vmul.f32 v0, v7  }
0x2e5: {  	v26 =	vmovc v47;
	v47 =	vmovc v11;
	v11 =	vadd.f32 v39, v57;
	v43 =	vmul.f32 $1.984127010e-04, v1;
	v44 =	vmul.f32 $2.480158760e-05, v1  }
0x2e6: {  	v36 =	vmul.f32 v32, v19;
	v7 =	vsub.f32 $1.000000000e+00, v7;
	v42 =	vadd.f32 v4, v4  }
0x2e7: {  	v32 =	vmul.f32 $1.666666720e-01, v40;
	v45 =	vsub.f32 $8.333333770e-03, v43;
	v33 =	vadd.f32 $-1.388888920e-03, v44  }
0x2e8: {  	v3 =	vmul.f32 v7, v42;
	v4 =	vmul.f32 v42, v4  }
0x2e9: {  	v2 =	vadd.f32 v11, v2;
	v0 =	vmul.f32 v45, v1;
	v33 =	vmul.f32 v33, v1  }
0x2ea: {  	v11 =	vmul.f32 v32, v24;
	v4 =	vsub.f32 $1.000000000e+00, v4;
	v9 =	vadd.f32 v3, v3  }
0x2eb: {  	v35 =	vmul.f32 v31, v23;
	v7 =	vadd.f32 $-1.666666720e-01, v0;
	v44 =	vadd.f32 $4.166666790e-02, v33  }
0x2ec: {  	v33 =	vadd.f32 v2, v5;
	v5 =	vmul.f32 $6.250000000e-02, v11;
	v4 =	vmul.f32 v4, v9  }
0x2ed: {  	v3 =	vmul.f32 v9, v3;
	v7 =	vmul.f32 v7, v1  }
0x2ee: {  	v8 =	vadd.f32 v8, v16;
	v0 =	vmul.f32 v44, v1;
	v42 =	vmul.f32 v5, v5  }
0x2ef: {  	v31 =	vadd.f32 v10, v38;
	v37 =	vmul.f32 v4, v14;
	v39 =	vmul.f32 v4, v13  }
0x2f0: {  	v3 =	vsub.f32 $1.000000000e+00, v3;
	v4 =	vmul.f32 v4, v12;
	v10 =	vmul.f32 $1.984127010e-04, v42  }
0x2f1: {  	v8 =	vadd.f32 v8, v35;
	v11 =	vmul.f32 $2.480158760e-05, v42;
	v6 =	vmul.f32 v37, v17  }
0x2f2: {  	v7 =	vadd.f32 $1.000000000e+00, v7;
	v38 =	vmul.f32 v3, v18;
	v40 =	vmul.f32 v4, v20  }
0x2f3: {  	v35 =	vadd.f32 $-5.000000000e-01, v0;
	v43 =	vmul.f32 v39, v21;
	v2 =	vmul.f32 v39, v17  }
0x2f4: {  	v9 =	vmul.f32 v4, v18;
	v44 =	vmul.f32 v3, v20  }
0x2f5: {  	v7 =	vmul.f32 v7, v41;
	v1 =	vmul.f32 v35, v1  }
0x2f6: {  	v35 =	vmul.f32 v37, v21;
	v6 =	vadd.f32 v38, v6;
	v2 =	vsub.f32 v2, v9  }
0x2f7: {  	v41 =	vmul.f32 v4, v17;
	v9 =	vsub.f32 $8.333333770e-03, v10;
	v10 =	vadd.f32 $-1.388888920e-03, v11  }
0x2f8: {  	v4 =	vmul.f32 v4, v21;
	v1 =	vadd.f32 $1.000000000e+00, v1;
	v11 =	vadd.f32 v7, v7  }
0x2f9: {  	v6 =	vadd.f32 v6, v40;
	v38 =	vmul.f32 v9, v42;
	v40 =	vmul.f32 v10, v42  }
0x2fa: {  	v2 =	vadd.f32 v2, v44;
	v7 =	vmul.f32 v11, v7;
	v9 =	vmul.f32 v39, v18  }
0x2fb: {  	v1 =	vmul.f32 v1, v11;
	v38 =	vadd.f32 $-1.666666720e-01, v38;
	v40 =	vadd.f32 $4.166666790e-02, v40  }
0x2fc: {  	v44 =	vmul.f32 v37, v20;
	v7 =	vsub.f32 $1.000000000e+00, v7;
	v9 =	vadd.f32 v9, v41  }
0x2fd: {  	v37 =	vmul.f32 v37, v18;
	v10 =	vadd.f32 v1, v1;
	v2 =	vadd.f32 v2, v35  }
0x2fe: {  	v35 =	vmul.f32 v38, v42;
	v11 =	vmul.f32 v40, v42;
	v40 =	vsub.f32 v9, v44;
	v44 =	vld [tilespmem:s26+$0x30]  }
0x2ff: {  	v6 =	vsub.f32 v6, v43;
	v7 =	vmul.f32 v7, v10;
	v1 =	vmul.f32 v10, v1  }
0x300: {  	v10 =	vmul.f32 v3, v17;
	v35 =	vadd.f32 $1.000000000e+00, v35;
	v38 =	vadd.f32 $-5.000000000e-01, v11  }
0x301: {  	v39 =	vmul.f32 v39, v20;
	v1 =	vsub.f32 $1.000000000e+00, v1;
	v11 =	vadd.f32 v7, v7  }
0x302: {  	v37 =	vsub.f32 v10, v37;
	v5 =	vmul.f32 v35, v5;
	v42 =	vmul.f32 v38, v42  }
0x303: {  	v1 =	vmul.f32 v1, v11;
	v7 =	vmul.f32 v11, v7;
	v9 =	vadd.f32 $2.000000000e+00, v44  }
0x304: {  	v3 =	vmul.f32 v3, v21;
	v35 =	vadd.f32 $1.000000000e+00, v42;
	v45 =	vadd.f32 v5, v5  }
0x305: {  	v7 =	vsub.f32 $1.000000000e+00, v7;
	v0 =	vadd.f32 v1, v1;
	v11 =	vmul.f32 v9, v9  }
0x306: {  	v37 =	vsub.f32 v37, v39;
	v41 =	vmul.f32 $3.000000000e+00, v9;
	v35 =	vmul.f32 v35, v45  }
0x307: {  	v3 =	vadd.f32 v40, v3;
	v5 =	vmul.f32 v45, v5;
	v7 =	vmul.f32 v7, v0  }
0x308: {  	v4 =	vsub.f32 v37, v4;
	v1 =	vmul.f32 v0, v1;
	v43 =	vmul.f32 $3.000000000e+00, v11  }
0x309: {  	v9 =	vmul.f32 v11, v9;
	v10 =	vadd.f32 v35, v35;
	v5 =	vsub.f32 $1.000000000e+00, v5  }
0x30a: {  	v0 =	vadd.f32 $5.000000000e+00, v41;
	v42 =	vmul.f32 v7, v55;
	v44 =	vmul.f32 v7, v56  }
0x30b: {  	v1 =	vsub.f32 $1.000000000e+00, v1;
	v35 =	vmul.f32 v10, v35;
	v5 =	vmul.f32 v5, v10  }
0x30c: {  	v7 =	vmul.f32 v7, v54;
	v37 =	vsub.f32 v0, v43;
	v10 =	vmul.f32 v4, v42  }
0x30d: {  	v11 =	vmul.f32 v6, v1;
	v35 =	vsub.f32 $1.000000000e+00, v35;
	v45 =	vadd.f32 v5, v5  }
0x30e: {  	v39 =	vmul.f32 v3, v44;
	v0 =	vadd.f32 v37, v9  }
0x30f: {  	v10 =	vadd.f32 v11, v10;
	v11 =	vmul.f32 v2, v7;
	v40 =	vmul.f32 v35, v45  }
0x310: {  	v5 =	vmul.f32 v45, v5;
	v35 =	vmul.f32 $1.666666720e-01, v0  }
0x311: {  	v38 =	vmul.f32 v4, v44;
	v37 =	vadd.f32 v10, v11;
	v10 =	vmul.f32 v6, v7  }
0x312: {  	v5 =	vsub.f32 $1.000000000e+00, v5;
	v45 =	vadd.f32 v40, v40;
	v0 =	vmul.f32 v35, v50  }
0x313: {  	v11 =	vsub.f32 v37, v39;
	v37 =	vmul.f32 v4, v1;
	v50 =	vmul.f32 v6, v42  }
0x314: {  	v4 =	vmul.f32 v4, v7;
	v7 =	vmul.f32 v3, v7  }
0x315: {  	v36 =	vadd.f32 v8, v36;
	v6 =	vmul.f32 v6, v44;
	v5 =	vmul.f32 v5, v45  }
0x316: {  	v10 =	vsub.f32 v38, v10;
	v8 =	vmul.f32 $6.250000000e-02, v0;
	v0 =	vmul.f32 v2, v1  }
0x317: {  	v37 =	vsub.f32 v37, v50;
	v39 =	vmul.f32 v45, v40;
	v50 =	vmul.f32 v2, v44  }
0x318: {  	v2 =	vmul.f32 v2, v42;
	v4 =	vadd.f32 v6, v4;
	v45 =	vmul.f32 v8, v8  }
0x319: {  	v1 =	vmul.f32 v3, v1;
	v10 =	vadd.f32 v10, v0;
	v37 =	vsub.f32 v37, v50  }
0x31a: {  	v0 =	vmul.f32 v3, v42;
	v40 =	vsub.f32 $1.000000000e+00, v39;
	v50 =	vmul.f32 $1.984127010e-04, v45  }
0x31b: {  	v44 =	vmul.f32 v5, v49;
	v2 =	vsub.f32 v4, v2;
	v7 =	vsub.f32 v37, v7  }
0x31c: {  	v10 =	vadd.f32 v10, v0;
	v42 =	vmul.f32 $2.480158760e-05, v45;
	v0 =	vsub.f32 $8.333333770e-03, v50  }
0x31d: {  	v39 =	vmul.f32 v11, v40;
	v1 =	vadd.f32 v2, v1;
	v50 =	vmul.f32 v7, v44  }
0x31e: {  	v38 =	vadd.f32 $-1.388888920e-03, v42;
	v42 =	vmul.f32 v5, v52;
	v37 =	vmul.f32 v0, v45  }
0x31f: {  	v2 =	vmul.f32 v5, v53;
	v3 =	vadd.f32 v39, v50;
	v50 =	vadd.f32 $1.000000000e+00, v41  }
0x320: {  	v4 =	vmul.f32 v10, v42;
	v6 =	vadd.f32 $-1.666666720e-01, v37;
	v37 =	vmul.f32 v38, v45  }
0x321: {  	v5 =	vadd.f32 v43, v50;
	v43 =	vadd.f32 v9, v9  }
0x322: {  	v3 =	vadd.f32 v3, v4;
	v50 =	vmul.f32 v1, v2;
	v41 =	vadd.f32 $4.166666790e-02, v37  }
0x323: {  	v0 =	vmul.f32 v6, v45;
	v5 =	vsub.f32 v5, v43;
	v43 =	vmul.f32 v11, v42  }
0x324: {  	v38 =	vsub.f32 v3, v50;
	v3 =	vmul.f32 v7, v42;
	v6 =	vmul.f32 v41, v45  }
0x325: {  	v4 =	vadd.f32 $1.000000000e+00, v0;
	v0 =	vmul.f32 v7, v2;
	v41 =	vmul.f32 v1, v44  }
0x326: {  	v37 =	vmul.f32 $1.666666720e-01, v5;
	v7 =	vmul.f32 v7, v40  }
0x327: {  	v4 =	vmul.f32 v4, v8;
	v8 =	vmul.f32 v10, v40  }
0x328: {  	v6 =	vadd.f32 $-5.000000000e-01, v6;
	v39 =	vsub.f32 v0, v43;
	v0 =	vmul.f32 v11, v2  }
0x329: {  	v40 =	vmul.f32 v1, v40;
	v2 =	vmul.f32 v10, v2  }
0x32a: {  	v1 =	vmul.f32 v1, v42;
	v50 =	vmul.f32 v6, v45;
	v6 =	vadd.f32 v39, v8  }
0x32b: {  	v45 =	vmul.f32 v37, v15;
	v3 =	vadd.f32 v0, v3;
	v0 =	vmul.f32 v10, v44  }
0x32c: {  	v44 =	vmul.f32 v11, v44;
	v5 =	vadd.f32 $1.000000000e+00, v50;
	v50 =	vadd.f32 v4, v4  }
0x32d: {  	v10 =	vmul.f32 v28, v26;
	v8 =	vmul.f32 $6.250000000e-02, v45  }
0x32e: {  	v39 =	vadd.f32 v6, v41;
	v5 =	vmul.f32 v5, v50;
	v4 =	vmul.f32 v50, v4  }
0x32f: {  	v3 =	vsub.f32 v3, v0;
	v6 =	vsub.f32 v7, v44;
	v11 =	vmul.f32 v8, v8  }
0x330: {  	v7 =	vmul.f32 v28, v27;
	v4 =	vsub.f32 $1.000000000e+00, v4;
	v45 =	vadd.f32 v5, v5  }
0x331: {  	v41 =	vadd.f32 v3, v40;
	v50 =	vmul.f32 $1.984127010e-04, v11;
	v44 =	vmul.f32 $2.480158760e-05, v11  }
0x332: {  	v2 =	vsub.f32 v6, v2;
	v4 =	vmul.f32 v4, v45;
	v5 =	vmul.f32 v45, v5  }
0x333: {  	v40 =	vmul.f32 $1.666666720e-01, v9;
	v45 =	vsub.f32 $8.333333770e-03, v50;
	v3 =	vadd.f32 $-1.388888920e-03, v44  }
0x334: {  	v9 =	vmul.f32 v34, v22;
	v5 =	vsub.f32 $1.000000000e+00, v5;
	v50 =	vadd.f32 v4, v4  }
0x335: {  	v7 =	vadd.f32 v7, v47;
	v6 =	vmul.f32 v45, v11;
	v45 =	vmul.f32 v3, v11  }
0x336: {  	v42 =	vsub.f32 v2, v1;
	v3 =	vmul.f32 v5, v50;
	v4 =	vmul.f32 v50, v4  }
0x337: {  	v1 =	vmul.f32 v34, v48;
	v50 =	vadd.f32 $-1.666666720e-01, v6;
	v2 =	vadd.f32 $4.166666790e-02, v45  }
0x338: {  	v6 =	vmul.f32 v32, v46;
	v4 =	vsub.f32 $1.000000000e+00, v4;
	v45 =	vadd.f32 v3, v3  }
0x339: {  	v5 =	vmul.f32 v50, v11;
	v2 =	vmul.f32 v2, v11  }
0x33a: {  	v1 =	vadd.f32 v7, v1;
	v50 =	vmul.f32 v40, v24;
	v4 =	vmul.f32 v4, v45  }
0x33b: {  	v5 =	vadd.f32 $1.000000000e+00, v5;
	v3 =	vmul.f32 v45, v3;
	v2 =	vadd.f32 $-5.000000000e-01, v2  }
0x33c: {  	v24 =	vadd.f32 v10, v57;
	v10 =	vmul.f32 $6.250000000e-02, v50;
	v7 =	vmul.f32 v4, v14  }
0x33d: {  	v15 =	vld [tilespmem:$0x1FD30];
	v5 =	vmul.f32 v5, v8;
	v2 =	vmul.f32 v2, v11  }
0x33e: {  	v3 =	vsub.f32 $1.000000000e+00, v3;
	v11 =	vmul.f32 v4, v13;
	v8 =	vadd.f32 v24, v9;
	v24 =	vld [tilespmem:$0x1FC90]  }
0x33f: {  	v4 =	vmul.f32 v4, v12;
	v45 =	vmul.f32 v10, v10  }
0x340: {  	v43 =	vadd.f32 v1, v6;
	v1 =	vmul.f32 v7, v17;
	v50 =	vmul.f32 v3, v18  }
0x341: {  	v2 =	vadd.f32 $1.000000000e+00, v2;
	v44 =	vadd.f32 v5, v5;
	v9 =	vmul.f32 $1.984127010e-04, v45  }
0x342: {  	[tilespmem:s25+$0xFFFFFFD0] =	vst v15;
	v15 =	vld [tilespmem:$0x1FD40];
	v12 =	vmul.f32 $2.480158760e-05, v45;
	v1 =	vadd.f32 v50, v1;
	v50 =	vmul.f32 v4, v20  }
0x343: {  	v2 =	vmul.f32 v2, v44;
	v5 =	vmul.f32 v44, v5;
	[tilespmem:s25+$0xFFFFFE40] =	vst v24;
	v24 =	vld [tilespmem:$0x1FCB0]  }
0x344: {  	v12 =	vadd.f32 $-1.388888920e-03, v12;
	v1 =	vadd.f32 v1, v50;
	v50 =	vmul.f32 v11, v21  }
0x345: {  	v0 =	vld [tilespmem:$0x1FCA0];
	v9 =	vsub.f32 $8.333333770e-03, v9;
	v5 =	vsub.f32 $1.000000000e+00, v5  }
0x346: {  	v14 =	vld [tilespmem:$0x1FCF0];
	v13 =	vadd.f32 v2, v2;
	v1 =	vsub.f32 v1, v50;
	v50 =	vmul.f32 v12, v45  }
0x347: {  	[tilespmem:s25+$0x50] =	vst v15;
	v15 =	vld [tilespmem:$0x1FD60];
	v44 =	vmul.f32 v32, v25;
	v9 =	vmul.f32 v9, v45  }
0x348: {  	v5 =	vmul.f32 v5, v13;
	v2 =	vmul.f32 v13, v2;
	[tilespmem:s25+$0xFFFFFF40] =	vst v24;
	v24 =	vld [tilespmem:$0x1FCD0];
	v6 =	vadd.f32 $4.166666790e-02, v50  }
0x349: {  	v44 =	vadd.f32 v8, v44;
	v8 =	vadd.f32 $-1.666666720e-01, v9  }
0x34a: {  	[tilespmem:s25+$0xFFFFFEC0] =	vst v0;
	v12 =	vld [tilespmem:$0x1FCE0];
	v2 =	vsub.f32 $1.000000000e+00, v2;
	v13 =	vadd.f32 v5, v5;
	v6 =	vmul.f32 v6, v45  }
0x34b: {  	v0 =	vld [tilespmem:$0x1FCC0];
	[tilespmem:s25+$0x140] =	vst v14;
	v14 =	vmul.f32 v3, v17;
	v9 =	vmul.f32 v11, v17  }
0x34c: {  	[tilespmem:s25+$0x150] =	vst v15;
	v50 =	vld [tilespmem:$0x1FD00];
	v8 =	vmul.f32 v8, v45;
	v2 =	vmul.f32 v2, v13;
	v6 =	vadd.f32 $-5.000000000e-01, v6  }
0x34d: {  	v15 =	vld [tilespmem:$0x1FD70];
	v5 =	vmul.f32 v13, v5;
	[tilespmem:s25+$0x40] =	vst v24;
	v24 =	vmul.f32 v4, v18  }
0x34e: {  	v8 =	vadd.f32 $1.000000000e+00, v8;
	v13 =	vmul.f32 v4, v17;
	v6 =	vmul.f32 v6, v45;
	v45 =	vld [tilespmem:$0x1FDC0]  }
0x34f: {  	[tilespmem:s25+$0xC0] =	vst v12;
	v12 =	vmul.f32 v3, v20;
	v3 =	vmul.f32 v3, v21;
	v9 =	vsub.f32 v9, v24;
	v24 =	vld [tilespmem:$0x1FD20]  }
0x350: {  	[tilespmem:s25+$0xFFFFFFC0] =	vst v0;
	v8 =	vmul.f32 v8, v10;
	v10 =	vmul.f32 v11, v18  }
0x351: {  	v5 =	vsub.f32 $1.000000000e+00, v5;
	[tilespmem:s25+$0xFFFFFE50] =	vst v50;
	v50 =	vmul.f32 v7, v21;
	v9 =	vadd.f32 v9, v12  }
0x352: {  	v0 =	vld [tilespmem:$0x1FD10];
	[tilespmem:s25+$0xFFFFFE60] =	vst v15;
	v11 =	vmul.f32 v11, v20;
	v15 =	vadd.f32 v8, v8;
	v6 =	vadd.f32 $1.000000000e+00, v6  }
0x353: {  	v12 =	vadd.f32 v2, v2;
	v9 =	vadd.f32 v9, v50;
	v50 =	vmul.f32 v7, v18;
	[tilespmem:s25+$0xE0] =	vst v45;
	v45 =	vld [tilespmem:$0x1FE00]  }
0x354: {  	v4 =	vmul.f32 v4, v21;
	v8 =	vmul.f32 v15, v8;
	[tilespmem:s25+$0xFFFFFF50] =	vst v24;
	v24 =	vld [tilespmem:$0x1FD50]  }
0x355: {  	[tilespmem:s25+$0xFFFFFF80] =	vst v59;
	v6 =	vmul.f32 v6, v15;
	v5 =	vmul.f32 v5, v12;
	v14 =	vsub.f32 v14, v50;
	v50 =	vld [tilespmem:$0x1FD90]  }
0x356: {  	[tilespmem:s25+$0x80] =	vst v61;
	v10 =	vadd.f32 v10, v13;
	v15 =	vld [tilespmem:$0x1FDF0];
	v2 =	vmul.f32 v12, v2;
	v7 =	vmul.f32 v7, v20  }
0x357: {  	[tilespmem:s25+$0xFFFFFED0] =	vst v0;
	v8 =	vsub.f32 $1.000000000e+00, v8;
	v12 =	vmul.f32 v5, v54;
	v54 =	vld [tilespmem:$0x1FE10];
	v11 =	vsub.f32 v14, v11  }
0x358: {  	v7 =	vsub.f32 v10, v7;
	v10 =	vmul.f32 v28, v51;
	v2 =	vsub.f32 $1.000000000e+00, v2;
	[tilespmem:s25+$0xFFFFFF70] =	vst v45;
	v45 =	vld [tilespmem:$0x1FE40]  }
0x359: {  	[tilespmem:s25+$0xD0] =	vst v24;
	v24 =	vld [tilespmem:$0x1FDB0];
	v4 =	vsub.f32 v11, v4;
	v11 =	vmul.f32 v5, v55;
	v55 =	vadd.f32 v6, v6  }
0x35a: {  	v28 =	vmul.f32 v1, v2;
	v5 =	vmul.f32 v5, v56;
	[tilespmem:s25+$0xFFFFFF60] =	vst v50;
	v50 =	vld [tilespmem:$0x1FDD0]  }
0x35b: {  	[tilespmem:s25+$0xFFFFFEF0] =	vst v15;
	v8 =	vmul.f32 v8, v55;
	v6 =	vmul.f32 v55, v6  }
0x35c: {  	v3 =	vadd.f32 v7, v3;
	[tilespmem:s25+$0xFFFFFFF0] =	vst v54;
	v55 =	vmul.f32 v34, v23;
	v54 =	vmul.f32 v4, v2  }
0x35d: {  	v56 =	vld [tilespmem:$0x1FE20];
	v6 =	vsub.f32 $1.000000000e+00, v6;
	v15 =	vadd.f32 v8, v8;
	[tilespmem:s25+$0x170] =	vst v45;
	v45 =	vmul.f32 v9, v2  }
0x35e: {  	v0 =	vld [tilespmem:$0x1FD80];
	v10 =	vadd.f32 v10, v16;
	v2 =	vmul.f32 v3, v2;
	[tilespmem:s25+$0x60] =	vst v24;
	v24 =	vmul.f32 v4, v11  }
0x35f: {  	[tilespmem:s25+$0x160] =	vst v50;
	v50 =	vmul.f32 v9, v12;
	v6 =	vmul.f32 v6, v15  }
0x360: {  	[tilespmem:s25+$0x100] =	vst v60;
	v10 =	vadd.f32 v10, v55;
	v8 =	vmul.f32 v15, v8;
	v15 =	vmul.f32 v1, v11  }
0x361: {  	[tilespmem:s25+$0x180] =	vst v62;
	v7 =	vadd.f32 v28, v24;
	v24 =	vmul.f32 v3, v5;
	v28 =	vmul.f32 v4, v5  }
0x362: {  	[tilespmem:s25+$0x70] =	vst v56;
	v4 =	vmul.f32 v4, v12;
	v8 =	vsub.f32 $1.000000000e+00, v8;
	v56 =	vadd.f32 v6, v6  }
0x363: {  	[tilespmem:s25+$0xFFFFFEE0] =	vst v0;
	v0 =	vld [tilespmem:$0x1FDA0];
	v14 =	vsub.f32 v54, v15;
	v15 =	vmul.f32 v3, v11;
	v54 =	vmul.f32 v32, v19  }
0x364: {  	[tilespmem:s25+$0xFFFFFE90] =	vst v58;
	v55 =	vld [tilespmem:$0x1FE50];
	v7 =	vadd.f32 v7, v50;
	v50 =	vmul.f32 v1, v12;
	v1 =	vmul.f32 v1, v5  }
0x365: {  	[tilespmem:s25+$0xFFFFFF10] =	vst v63;
	v5 =	vmul.f32 v9, v5;
	v12 =	vmul.f32 v3, v12  }
0x366: {  	[tilespmem:s25+$0xFFFFFF90] =	vst v29;
	v9 =	vmul.f32 v9, v11;
	v8 =	vmul.f32 v8, v56  }
0x367: {  	[tilespmem:s25+$0x10] =	vst v30;
	v6 =	vmul.f32 v56, v6;
	v60 =	vadd.f32 v10, v54;
	v7 =	vsub.f32 v7, v24  }
0x368: {  	[tilespmem:s25+$0xFFFFFFE0] =	vst v0;
	v0 =	vld [tilespmem:$0x1FDE0];
	v54 =	vmul.f32 v35, v51;
	v13 =	vsub.f32 v28, v50;
	v5 =	vsub.f32 v14, v5  }
0x369: {  	[tilespmem:s25+$0xFFFFFE80] =	vst v55;
	v56 =	vadd.f32 v1, v4;
	v55 =	vmul.f32 v8, v49;
	v58 =	vmul.f32 v8, v53  }
0x36a: {  	[tilespmem:s25+$0x190] =	vst v36;
	v6 =	vsub.f32 $1.000000000e+00, v6;
	v59 =	vmul.f32 v8, v52;
	v49 =	vmul.f32 v35, v27  }
0x36b: {  	[tilespmem:s25+$0x90] =	vst v31;
	v50 =	vld [tilespmem:$0x1FE70];
	v52 =	vmul.f32 v37, v48;
	v53 =	vmul.f32 v35, v26;
	v4 =	vadd.f32 v54, v16  }
0x36c: {  	[tilespmem:s25+$0x110] =	vst v33;
	v24 =	vld [tilespmem:$0x1FE60];
	v13 =	vadd.f32 v13, v45;
	v5 =	vsub.f32 v5, v12;
	v62 =	vmul.f32 v7, v6  }
0x36d: {  	[tilespmem:s25+$0xFFFFFE70] =	vst v0;
	v34 =	vld [tilespmem:$0x1FE30];
	v0 =	vsub.f32 v56, v9;
	v29 =	vmul.f32 v7, v59;
	v31 =	vmul.f32 v7, v58  }
0x36e: {  	[tilespmem:s25+$0xFFFFFEA0] =	vst v38;
	v7 =	vmul.f32 v7, v55;
	v56 =	vadd.f32 v53, v57;
	v13 =	vadd.f32 v13, v15  }
0x36f: {  	[tilespmem:s25+$0xFFFFFF20] =	vst v39;
	v61 =	vmul.f32 v5, v55;
	v28 =	vmul.f32 v5, v58;
	v0 =	vadd.f32 v0, v2  }
0x370: {  	v30 =	vmul.f32 v5, v59;
	v5 =	vmul.f32 v5, v6;
	[tilespmem:s25+$0x0] =	vst v50;
	v50 =	vadd.f32 v49, v47  }
0x371: {  	[tilespmem:s25+$0xFFFFFF00] =	vst v24;
	v63 =	vmul.f32 v13, v59;
	v24 =	vadd.f32 v62, v61;
	v32 =	vsub.f32 v28, v29  }
0x372: {  	[tilespmem:s25+$0xF0] =	vst v34;
	v33 =	vmul.f32 v13, v6;
	v34 =	vmul.f32 v0, v58;
	v2 =	vadd.f32 v31, v30  }
0x373: {  	[tilespmem:s25+$0xFFFFFFA0] =	vst v41;
	v36 =	vmul.f32 v13, v55;
	v45 =	vmul.f32 v0, v55;
	v5 =	vsub.f32 v5, v7  }
0x374: {  	[tilespmem:s25+$0x20] =	vst v42;
	v1 =	vmul.f32 v13, v58;
	v58 =	vmul.f32 v40, v46;
	v55 =	vadd.f32 v50, v52  }
0x375: {  	[tilespmem:s25+$0xA0] =	vst v43;
	v3 =	vadd.f32 v24, v63;
	v9 =	vadd.f32 v32, v33  }
0x376: {  	[tilespmem:s25+$0x120] =	vst v44;
	v57 =	vmul.f32 v37, v22;
	v1 =	vsub.f32 v5, v1;
	v5 =	vadd.f32 v55, v58  }
0x377: {  	[tilespmem:s25+$0x1A0] =	vst v60;
	v6 =	vmul.f32 v0, v6;
	v2 =	vsub.f32 v2, v36;
	v3 =	vsub.f32 v3, v34  }
0x378: {  	s24 =	sadd.s32 $0x80, s24;
	v0 =	vmul.f32 v0, v59;
	v59 =	vmul.f32 v37, v23;
	v9 =	vadd.f32 v9, v45;
	[tilespmem:s25+$0xB0] =	vst v5  }
0x379: {  	p0 =	slt.u32 s24, $0x180;
	v60 =	vadd.f32 v56, v57;
	v61 =	vmul.f32 v40, v25;
	v2 =	vadd.f32 v2, v6;
	[tilespmem:s25+$0xFFFFFEB0] =	vst v3  }
.Ltmp0:
0x37a: {  	v62 =	vmul.f32 v40, v19;
	v4 =	vadd.f32 v4, v59;
	v0 =	vsub.f32 v1, v0;
	[tilespmem:s25+$0xFFFFFF30] =	vst v9;
	(pc) =	sbr.rel @p0 .LBB2_2-.Ltmp0, $4  }
0x37b: {  	v1 =	vadd.f32 v60, v61;
	[tilespmem:s25+$0xFFFFFFB0] =	vst v2  }
0x37c: {  	v63 =	vadd.f32 v4, v62;
	[tilespmem:s25+$0x30] =	vst v0  }
0x37d: {  	[tilespmem:s25+$0x130] =	vst v1  }
0x37e: {  	s26 =	sadd.s32 $0x80, s26;
	[tilespmem:s25+$0x1B0] =	vst v63;
	s25 =	sadd.s32 $0x400, s25  }
0x37f: {  	s1 =	rddreg [dreg:$0x9]  }
0x380: {  	s2 =	simm.s32 $0x80;
	s3 =	simm.s32 $0x4000;
	s0 =	simm.s32 $0x400  }
0x381: {  	[hbm4b:s1+s2] =	stream.strided.scatter [tilespmem:s0], [sflag:$0x3], $0x380, s3, s2, $0x38;
	[tilespmem:$0x1400] =	vst v63  }
0x382: {  	s4 =	simm.s32 $0x800;
	s23 =	sadd.s32 $0x80, s1  }
0x383: {  	[hbm4b:s23+s2] =	stream.strided.scatter [tilespmem:s4], [sflag:$0x3], $0x380, s3, s2, $0x38;
	[tilespmem:$0x1400] =	vst v63  }
0x384: {  	s25 =	simm.s32 $0xC00;
	s24 =	sadd.s32 $0x100, s1  }
0x385: {  	[hbm4b:s24+s2] =	stream.strided.scatter [tilespmem:s25], [sflag:$0x3], $0x380, s3, s2, $0x38;
	[tilespmem:$0x1400] =	vst v63  }
0x386: {  	s28 =	simm.s32 $0x1000;
	s29 =	simm.s32 $0x3;
	s26 =	sadd.s32 $0x180, s1  }
0x387: {  	[hbm4b:s26+s2] =	stream.strided.scatter [tilespmem:s28], [sflag:$0x3], $0x380, s3, s2, $0x38;
	[tilespmem:$0x1400] =	vst v63  }
0x388: {  	_ =	swait.ge [sflag:s29], $0xE00  }
0x389: {  	s30 =	rddreg [dreg:$0xb]  }
0x38a: {  	s31 =	rddreg [dreg:$0xa];
	s2 =	sadd.s32 $0x1, s30  }
0x38b: {  	p0 =	sne.s32 s2, s31  }
.Ltmp1:
0x38c: {  	_ = 	snop;
	(pc) =	sbr.rel @p0 .LBB2_1-.Ltmp1, $3  }
0x38d: {  	_ =	sdelay $0x1  }
0x38e: {  	[sflag:s29] =	ssyncset.done $0x0  }
0x38f: {  	[sflag:s29] =	ssyncadd.s32 $0xFFFFF200  }
0x390: {  	_ =	sfence.sel $0x180000  }
0x391: {  	[bflag:$0x0] =	sbarrier.arrive $0xFFFF  }
0x392: {  	_ =	strace $0x90000047  }
0x393: {  	s0 =	stileid.u32;
	[bflag:$0x2] =	sbarrier.arrive $0xFFFF  }
0x394: {  	p0 =	sne.s32 s0, $0x0;
	s0 =	rddreg [dreg:$0x3]  }
0x395: {  	s0 =	sadd.s32 @!p0 $0x100000, s0  }
0x396: {  	[sflag:s0] =	ssyncadd.tile.s32 @!p0 $0x1;
	_ =	shalt  }
.Lfunc_end2:
_tile_overlayer_lowered:
.L_overlay_start_2:
0x397: {  	(tag) =	ssettag $0x2  }
0x398: {  	s0 =	rddreg [dreg:$0x0];
	s2 =	stileid.u32  }
0x399: {  	s1 =	rddreg [dreg:$0x1];
	p0 =	sne.s32 s2, $0x0  }
0x39a: {  	s3 =	rddreg [dreg:$0x2];
	[bflag:$0x3] =	sbarrier.arrive $0xFFFF;
	s2 =	simm.s32 @!p0 $0x1C03  }
0x39b: {  	[timem:s3], [sflag:s2] =	dma.local @!p0 [hbm:s0], s1  }
0x39c: {  	s0 =	simm.s32 @!p0 $0x3  }
0x39d: {  	_ =	swait.ge @!p0 [sflag:s0], s1  }
0x39e: {  	s1 =	ssub.s32 @!p0 $0x0, s1;
	[sflag:s0] =	ssyncset.done @!p0 $0x0  }
0x39f: {  	[sflag:s0] =	ssyncadd.s32 @!p0 s1  }
0x3a0: {  	[bflag:$0x3] =	sbarrier.arrive $0xFFFF  }
0x3a1: {  	_ =	shalt  }

</sc_bundles>
